<compile_context>
chip_gen: v7x
topology: tpu7x:2x2x1
jax: 0.10.2.dev20260603
libtpu: 0.0.44.dev20260713+nightly
codegen_flags: <defaults>
</compile_context>

<pallas_src>
import functools

import jax
import jax.numpy as jnp
from jax import lax
from jax.experimental import pallas as pl
from jax.experimental.pallas import tpu as pltpu
from jax.experimental.pallas import tpu_sc as plsc

_N = 1_000_000
_C = 10
_NBINS = 50

_LB = 64_000
_GRID_A = 16
_NPAD = _GRID_A * _LB
_FULL_BLOCKS = _N // _LB
_NSPLIT = 2
_GRID_H = _GRID_A // _NSPLIT
_NPAD_H = _NPAD // _NSPLIT

_NSLOT = 1281
_NSLOT_PAD = 1296
_HWORDS = _NSLOT_PAD * 16

_NTILES = 32
_CCOLS = 3_200
_CPT = _NPAD_H // (_NTILES * _CCOLS)


def _stage_a_body(phase, x_ref, y_ref, addr_ref, bl_ref):
    li = pl.program_id(0)
    i = li + phase * _GRID_H
    xb = x_ref[...]
    yb = y_ref[...]

    e = jnp.exp(xb)
    s = jnp.sum(e, axis=0, keepdims=True)
    p = (e * (1.0 / s))[1:_C - 1, :]

    ids = (p * 800.0).astype(jnp.int32) & ~15
    clsi = lax.broadcasted_iota(jnp.int32, (_C - 2, 1), 0) + 1
    clsf = clsi.astype(jnp.float32)
    w = (yb == clsf)
    base = jnp.where(w, clsi * 1024 + 10240, clsi * 1024)
    slot = ids + base

    @pl.when(li == 0)
    def _():
        bl_ref[...] = jnp.zeros_like(bl_ref)

    @pl.when(i < _FULL_BLOCKS)
    def _():
        addr_ref[...] = slot
        d = xb - yb
        bl_ref[...] += jnp.sum(d * d).reshape(1, 1)

    @pl.when(i >= _FULL_BLOCKS)
    def _():
        colv = (lax.broadcasted_iota(jnp.int32, (1, _LB), 1) + i * _LB) < _N
        addr_ref[...] = jnp.where(colv, slot, 16 * (_NSLOT - 1))
        d = jnp.where(colv, xb - yb, 0.0)
        bl_ref[...] += jnp.sum(d * d).reshape(1, 1)


def _run_stage_a(xt, yt, phase, interpret=False):
    return pl.pallas_call(
        functools.partial(_stage_a_body, phase),
        grid=(_GRID_H,),
        in_specs=[
            pl.BlockSpec((_C, _LB), lambda i: (0, i + phase * _GRID_H)),
            pl.BlockSpec((1, _LB), lambda i: (0, i + phase * _GRID_H)),
        ],
        out_specs=[
            pl.BlockSpec((_C - 2, _LB), lambda i: (0, i)),
            pl.BlockSpec((1, 1), lambda i: (0, 0)),
        ],
        out_shape=[
            jax.ShapeDtypeStruct((_C - 2, _NPAD_H), jnp.int32),
            jax.ShapeDtypeStruct((1, 1), jnp.float32),
        ],
        interpret=interpret,
    )(xt, yt)


def _sc_hist_body(a_hbm, out_hbm, buf0, buf1, hist0, hist1, folded,
                  sem0, sem1):
    cid = lax.axis_index("c")
    sid = lax.axis_index("s")
    wid = sid * 2 + cid

    zeros = jnp.zeros((16,), jnp.float32)

    @plsc.parallel_loop(0, _HWORDS // 16, 1, unroll=8)
    def _zero(k):
        hist0[pl.ds(k * 16, 16)] = zeros
        hist1[pl.ds(k * 16, 16)] = zeros

    lane_iota = lax.iota(jnp.int32, 16)
    ones16 = jnp.ones((16,), jnp.float32)

    def dma_start(k, buf, sem):
        col = (k * _NTILES + wid) * _CCOLS
        return pltpu.async_copy(
            a_hbm.at[pl.ds(0, _C - 2), pl.ds(col, _CCOLS)], buf, sem)

    def process(buf):
        def row_body(r, _):
            @plsc.parallel_loop(0, _CCOLS // 16, 2, unroll=4)
            def _cols(g):
                s0 = buf[r, pl.ds(g * 16, 16)]
                plsc.addupdate_scatter(hist0, [s0 + lane_iota], ones16)
                s1 = buf[r, pl.ds(g * 16 + 16, 16)]
                plsc.addupdate_scatter(hist1, [s1 + lane_iota], ones16)

            return 0

        lax.fori_loop(0, _C - 2, row_body, 0)

    bufs = (buf0, buf1)
    sems = (sem0, sem1)
    h = dma_start(0, buf0, sem0)
    for k in range(_CPT):
        if k + 1 < _CPT:
            hn = dma_start(k + 1, bufs[(k + 1) % 2], sems[(k + 1) % 2])
        h.wait()
        process(bufs[k % 2])
        if k + 1 < _CPT:
            h = hn

    @plsc.parallel_loop(0, _NSLOT_PAD // 16, 1, unroll=2)
    def _fold(j):
        jv = (j * 16 + lane_iota) * 16
        acc0 = plsc.load_gather(hist0, [jv])
        acc1 = plsc.load_gather(hist1, [jv])
        for l in range(1, 16):
            acc0 += plsc.load_gather(hist0, [jv + l])
            acc1 += plsc.load_gather(hist1, [jv + l])
        folded[pl.ds(j * 16, 16)] = acc0 + acc1
    pltpu.sync_copy(folded, out_hbm.at[pl.ds(wid * _NSLOT_PAD, _NSLOT_PAD)])


def _run_stage_b(addr2d):
    k = functools.partial(
        pl.kernel,
        mesh=plsc.VectorSubcoreMesh(core_axis_name="c", subcore_axis_name="s"),
        out_type=jax.ShapeDtypeStruct((_NTILES * _NSLOT_PAD,), jnp.float32),
        scratch_types=[
            pltpu.VMEM((_C - 2, _CCOLS), jnp.int32),
            pltpu.VMEM((_C - 2, _CCOLS), jnp.int32),
            pltpu.VMEM((_HWORDS,), jnp.float32),
            pltpu.VMEM((_HWORDS,), jnp.float32),
            pltpu.VMEM((_NSLOT_PAD,), jnp.float32),
            pltpu.SemaphoreType.DMA,
            pltpu.SemaphoreType.DMA,
        ],
        compiler_params=pltpu.CompilerParams(needs_layout_passes=False),
    )(_sc_hist_body)
    return k(addr2d)


def _sigmoid(z):
    return 1.0 / (1.0 + jnp.exp(-z))


def _stage_c_body(h0_ref, h1_ref, calibt_ref, bl0_ref, bl1_ref, out_ref):
    hist = (jnp.sum(h0_ref[...], axis=0, keepdims=True)
            + jnp.sum(h1_ref[...], axis=0, keepdims=True))
    ece = jnp.float32(0.0)
    for c in range(1, _C - 1):
        tru = hist[0:1, 640 + c * 64: 640 + c * 64 + _NBINS]
        tot = tru + hist[0:1, c * 64: c * 64 + _NBINS]
        ratio = _sigmoid(tru) / _sigmoid(tot)
        diff = _sigmoid(calibt_ref[c:c + 1, :]) - ratio
        ece = ece + jnp.sum(diff * diff) * (1.0 / _NBINS)
    out_ref[...] = (bl0_ref[...] + bl1_ref[...]) * (1.0 / (_N * _C)) + ece


def _run_stage_c(h0, h1, calibt, bl0, bl1, interpret=False):
    hspec = pl.BlockSpec((_NTILES, _NSLOT_PAD), lambda i: (0, 0))
    sspec = pl.BlockSpec((1, 1), lambda i: (0, 0))
    return pl.pallas_call(
        _stage_c_body,
        grid=(1,),
        in_specs=[hspec, hspec,
                  pl.BlockSpec((_C, _NBINS), lambda i: (0, 0)),
                  sspec, sspec],
        out_specs=sspec,
        out_shape=jax.ShapeDtypeStruct((1, 1), jnp.float32),
        interpret=interpret,
    )(h0, h1, calibt, bl0, bl1)


def kernel(x, y, calib):
    xt = x.T
    yt = y.T
    addr0, bl0 = _run_stage_a(xt, yt, 0)
    hflat0 = _run_stage_b(addr0)
    addr1, bl1 = _run_stage_a(xt, yt, 1)
    hflat1 = _run_stage_b(addr1)
    out = _run_stage_c(hflat0.reshape(_NTILES, _NSLOT_PAD),
                       hflat1.reshape(_NTILES, _NSLOT_PAD),
                       calib.T, bl0, bl1)
    return out[0, 0]

# --- scband reference (transcript-rebuilt; emitter-appended) ---
"""Pipeline reference for scband-calib-loss-47175920779952 (READ-ONLY COPY).

The authoritative reference and input builder live on the scoring server;
editing this copy changes nothing except your own understanding.
"""

import jax, jax.numpy as jnp
import numpy as np

N = 1000000
NUM_CLASSES = 10
N_BINS = 50


def setup_inputs(seed: int = 0) -> dict:
    key = jax.random.key(seed)
    k1, k2, k3 = jax.random.split(key, 3)
    x = jax.random.normal(k1, (N, NUM_CLASSES), dtype=jnp.float32)
    y = jax.random.randint(k2, (N, 1), 0, NUM_CLASSES).astype(jnp.float32)
    calib = jax.random.normal(k3, (N_BINS, NUM_CLASSES), dtype=jnp.float32)
    return {"x": x, "y": y, "calib": calib}


def _binary_calibration(target, calibration, probability):
    # target: float32[N] (0/1), calibration: float32[n_bins], probability: float32[N]
    n_bins = calibration.shape[0]
    bins = jnp.linspace(0.0, 1.0 + 1e-08, n_bins + 1)
    binids = jnp.digitize(probability, bins) - 1  # in [0, n_bins-1] since prob in (0,1)
    # np.bincount(binids, weights=target, minlength=n_bins) -> segment_sum
    bin_true = jax.ops.segment_sum(target, binids, num_segments=n_bins)
    bin_total = jax.ops.segment_sum(jnp.ones_like(probability), binids, num_segments=n_bins)
    bin_true = jax.nn.sigmoid(bin_true)
    bin_total = jax.nn.sigmoid(bin_total)
    return jnp.mean((calibration - bin_true / bin_total) ** 2)


def reference(x, y, calib):
    # x = x[0]: logits [N, C]; y = y[0]: float labels [N, 1]; calib = calib[0]: [n_bins, C]
    num_classes = x.shape[1]
    output_softmax = jax.nn.softmax(x, axis=1)  # softmax_helper = softmax over dim 1
    target = y[:, 0]
    ece = jnp.float32(0.0)
    for c in range(1, num_classes - 1):
        prob = output_softmax[:, c]
        sub_calibration = jax.nn.sigmoid(calib[:, c])
        ece_target = (target == c).astype(jnp.float32)
        # torch detaches probability/target before the numpy histogram; digitize and == are
        # non-differentiable anyway, but keep stop_gradient for faithfulness
        ece = ece + _binary_calibration(ece_target, sub_calibration, jax.lax.stop_gradient(prob))
    # self.loss(x[0], y[0]) with MSE; torch F.mse_loss broadcasts [N,C] vs [N,1]
    base_loss = jnp.mean((x - y) ** 2)
    return base_loss + ece

if __name__ == "__main__":
    import jax
    _d = setup_inputs()
    print(jax.jit(kernel)(*tuple(_d.values())))

</pallas_src>

<mosaic_0001>
#map = affine_map<(d0, d1) -> (0, 0)>
#map1 = affine_map<(d0, d1) -> (0)>
module attributes {stable_mosaic.version = 14 : i64} {
  func.func @_sc_hist_body(%arg0: i32, %arg1: i32, %arg2: memref<8x512000xi32, #tpu.memory_space<hbm>>, %arg3: memref<41472xf32, #tpu.memory_space<hbm>>, %arg4: memref<8x3200xi32, #tpu.memory_space<vmem>>, %arg5: memref<8x3200xi32, #tpu.memory_space<vmem>>, %arg6: memref<20736xf32, #tpu.memory_space<vmem>>, %arg7: memref<20736xf32, #tpu.memory_space<vmem>>, %arg8: memref<1296xf32, #tpu.memory_space<vmem>>, %arg9: memref<!tpu.dma_semaphore, #tpu.memory_space<semaphore_mem>>, %arg10: memref<!tpu.dma_semaphore, #tpu.memory_space<semaphore_mem>>) attributes {dimension_semantics = [#tpu.dimension_semantics<core_parallel>, #tpu.dimension_semantics<subcore_parallel>], iteration_bounds = array<i64: 2, 16>, scalar_prefetch = 0 : i64, scratch_operands = 7 : i64, tpu.core_type = #tpu.core_type<sc_vector_subcore>, window_params = [{transform_indices = #map}, {transform_indices = #map1}]} {
    %mul3A = arith.constant 2 : i32
    %mul3A_0 = arith.muli %arg1, %mul3A : i32
    %add3A = arith.addi %mul3A_0, %arg0 : i32
    %broadcast_in_dim3A = arith.constant 0.000000e+00 : f32
    %broadcast_in_dim3A_1 = vector.broadcast %broadcast_in_dim3A : f32 to vector<16xf32>
    %parallel_loop3A = arith.constant 0 : i32
    %parallel_loop3A_2 = arith.constant 1296 : i32
    %parallel_loop3A_3 = arith.constant 1 : i32
    scf.for %parallel_loop3A_103 = %parallel_loop3A to %parallel_loop3A_2 step %parallel_loop3A_3  : i32 {
      %parallel_loop3A_104 = arith.constant 16 : i32
      %parallel_loop3A_105 = arith.muli %parallel_loop3A_103, %parallel_loop3A_104 : i32
      %parallel_loop3A_106 = arith.index_cast %parallel_loop3A_105 : i32 to index
      %parallel_loop3A_107 = tpu.vector_load %arg6[%parallel_loop3A_106] {strides = array<i32>} : memref<20736xf32, #tpu.memory_space<vmem>>, vector<16xf32>,
      tpu.vector_store %arg6[%parallel_loop3A_106], %broadcast_in_dim3A_1 {strides = array<i32>} : memref<20736xf32, #tpu.memory_space<vmem>>, vector<16xf32>,
      %parallel_loop3A_108 = arith.constant 16 : i32
      %parallel_loop3A_109 = arith.muli %parallel_loop3A_103, %parallel_loop3A_108 : i32
      %parallel_loop3A_110 = arith.index_cast %parallel_loop3A_109 : i32 to index
      %parallel_loop3A_111 = tpu.vector_load %arg7[%parallel_loop3A_110] {strides = array<i32>} : memref<20736xf32, #tpu.memory_space<vmem>>, vector<16xf32>,
      tpu.vector_store %arg7[%parallel_loop3A_110], %broadcast_in_dim3A_1 {strides = array<i32>} : memref<20736xf32, #tpu.memory_space<vmem>>, vector<16xf32>,
    } {sc.loop_unroll_factor = 8 : i64, sc.parallel_access}
    %iota3A = tpu.iota {dimensions = array<i32: 0>} : vector<16xi32>
    %broadcast_in_dim3A_4 = arith.constant 1.000000e+00 : f32
    %broadcast_in_dim3A_5 = vector.broadcast %broadcast_in_dim3A_4 : f32 to vector<16xf32>
    %add3A_6 = arith.constant 0 : i32
    %add3A_7 = arith.addi %add3A_6, %add3A : i32
    %mul3A_8 = arith.constant 3200 : i32
    %mul3A_9 = arith.muli %add3A_7, %mul3A_8 : i32
    %dma_start3A = arith.constant 0 : i32
    %dma_start3A_10 = tpu.memref_slice %arg2[%dma_start3A, %mul3A_9] : memref<8x512000xi32, #tpu.memory_space<hbm>> -> memref<8x3200xi32, #tpu.memory_space<hbm>>
    %dma_start3A_11 = arith.constant 0 : i32
    %dma_start3A_12 = tpu.memref_slice %arg2[%dma_start3A_11, %mul3A_9] : memref<8x512000xi32, #tpu.memory_space<hbm>> -> memref<8x3200xi32, #tpu.memory_space<hbm>>
    tpu.enqueue_dma source(%dma_start3A_12 : memref<8x3200xi32, #tpu.memory_space<hbm>>) target(%arg4 : memref<8x3200xi32, #tpu.memory_space<vmem>>) target_semaphore(%arg9 : memref<!tpu.dma_semaphore, #tpu.memory_space<semaphore_mem>>)
    %add3A_13 = arith.constant 32 : i32
    %add3A_14 = arith.addi %add3A_13, %add3A : i32
    %mul3A_15 = arith.constant 3200 : i32
    %mul3A_16 = arith.muli %add3A_14, %mul3A_15 : i32
    %dma_start3A_17 = arith.constant 0 : i32
    %dma_start3A_18 = tpu.memref_slice %arg2[%dma_start3A_17, %mul3A_16] : memref<8x512000xi32, #tpu.memory_space<hbm>> -> memref<8x3200xi32, #tpu.memory_space<hbm>>
    %dma_start3A_19 = arith.constant 0 : i32
    %dma_start3A_20 = tpu.memref_slice %arg2[%dma_start3A_19, %mul3A_16] : memref<8x512000xi32, #tpu.memory_space<hbm>> -> memref<8x3200xi32, #tpu.memory_space<hbm>>
    tpu.enqueue_dma source(%dma_start3A_20 : memref<8x3200xi32, #tpu.memory_space<hbm>>) target(%arg5 : memref<8x3200xi32, #tpu.memory_space<vmem>>) target_semaphore(%arg10 : memref<!tpu.dma_semaphore, #tpu.memory_space<semaphore_mem>>)
    %dma_wait3A = arith.constant 0 : i32
    %dma_wait3A_21 = tpu.memref_slice %arg2[%dma_wait3A, %mul3A_9] : memref<8x512000xi32, #tpu.memory_space<hbm>> -> memref<8x3200xi32, #tpu.memory_space<hbm>>
    %dma_wait3A_22 = arith.constant 0 : i32
    %dma_wait3A_23 = tpu.memref_slice %arg2[%dma_wait3A_22, %mul3A_9] : memref<8x512000xi32, #tpu.memory_space<hbm>> -> memref<8x3200xi32, #tpu.memory_space<hbm>>
    tpu.wait_dma2 semaphore(%arg9 : memref<!tpu.dma_semaphore, #tpu.memory_space<semaphore_mem>>) src(%dma_wait3A_23 : memref<8x3200xi32, #tpu.memory_space<hbm>>) dst(%arg4 : memref<8x3200xi32, #tpu.memory_space<vmem>>)
    %scan3A = arith.constant 0 : i32
    %scan3A_24 = arith.constant 0 : i32
    %scan3A_25 = arith.constant 8 : i32
    %scan3A_26 = arith.addi %scan3A_24, %scan3A_25 : i32
    %scan3A_27 = arith.constant 1 : i32
    %scan3A_28 = scf.for %scan3A_103 = %scan3A_24 to %scan3A_26 step %scan3A_27 iter_args(%scan3A_104 = %scan3A) -> (i32)  : i32 {
      %parallel_loop3A_105 = arith.constant 0 : i32
      %parallel_loop3A_106 = arith.constant 200 : i32
      %parallel_loop3A_107 = arith.constant 2 : i32
      scf.for %parallel_loop3A_109 = %parallel_loop3A_105 to %parallel_loop3A_106 step %parallel_loop3A_107  : i32 {
        %parallel_loop3A_110 = arith.constant 16 : i32
        %parallel_loop3A_111 = arith.muli %parallel_loop3A_109, %parallel_loop3A_110 : i32
        %parallel_loop3A_112 = arith.index_cast %scan3A_103 : i32 to index
        %parallel_loop3A_113 = arith.index_cast %parallel_loop3A_111 : i32 to index
        %parallel_loop3A_114 = tpu.vector_load %arg4[%parallel_loop3A_112, %parallel_loop3A_113] {strides = array<i32>} : memref<8x3200xi32, #tpu.memory_space<vmem>>, vector<16xi32>,
        %parallel_loop3A_115 = arith.addi %parallel_loop3A_114, %iota3A : vector<16xi32>
        tpu.vector_store_idx %arg6[%parallel_loop3A_115], %broadcast_in_dim3A_5 {add = true} : memref<20736xf32, #tpu.memory_space<vmem>>[vector<16xi32>], vector<16xf32>,
        %parallel_loop3A_116 = arith.constant 16 : i32
        %parallel_loop3A_117 = arith.muli %parallel_loop3A_109, %parallel_loop3A_116 : i32
        %parallel_loop3A_118 = arith.constant 16 : i32
        %parallel_loop3A_119 = arith.addi %parallel_loop3A_117, %parallel_loop3A_118 : i32
        %parallel_loop3A_120 = arith.index_cast %scan3A_103 : i32 to index
        %parallel_loop3A_121 = arith.index_cast %parallel_loop3A_119 : i32 to index
        %parallel_loop3A_122 = tpu.vector_load %arg4[%parallel_loop3A_120, %parallel_loop3A_121] {strides = array<i32>} : memref<8x3200xi32, #tpu.memory_space<vmem>>, vector<16xi32>,
        %parallel_loop3A_123 = arith.addi %parallel_loop3A_122, %iota3A : vector<16xi32>
        tpu.vector_store_idx %arg7[%parallel_loop3A_123], %broadcast_in_dim3A_5 {add = true} : memref<20736xf32, #tpu.memory_space<vmem>>[vector<16xi32>], vector<16xf32>,
      } {sc.loop_unroll_factor = 4 : i64, sc.parallel_access}
      %scan3A_108 = arith.constant 0 : i32
      scf.yield %scan3A_108 : i32
    }
    %scan3A_29 = arith.constant 8 : i32
    %add3A_30 = arith.constant 64 : i32
    %add3A_31 = arith.addi %add3A_30, %add3A : i32
    %mul3A_32 = arith.constant 3200 : i32
    %mul3A_33 = arith.muli %add3A_31, %mul3A_32 : i32
    %dma_start3A_34 = arith.constant 0 : i32
    %dma_start3A_35 = tpu.memref_slice %arg2[%dma_start3A_34, %mul3A_33] : memref<8x512000xi32, #tpu.memory_space<hbm>> -> memref<8x3200xi32, #tpu.memory_space<hbm>>
    %dma_start3A_36 = arith.constant 0 : i32
    %dma_start3A_37 = tpu.memref_slice %arg2[%dma_start3A_36, %mul3A_33] : memref<8x512000xi32, #tpu.memory_space<hbm>> -> memref<8x3200xi32, #tpu.memory_space<hbm>>
    tpu.enqueue_dma source(%dma_start3A_37 : memref<8x3200xi32, #tpu.memory_space<hbm>>) target(%arg4 : memref<8x3200xi32, #tpu.memory_space<vmem>>) target_semaphore(%arg9 : memref<!tpu.dma_semaphore, #tpu.memory_space<semaphore_mem>>)
    %dma_wait3A_38 = arith.constant 0 : i32
    %dma_wait3A_39 = tpu.memref_slice %arg2[%dma_wait3A_38, %mul3A_16] : memref<8x512000xi32, #tpu.memory_space<hbm>> -> memref<8x3200xi32, #tpu.memory_space<hbm>>
    %dma_wait3A_40 = arith.constant 0 : i32
    %dma_wait3A_41 = tpu.memref_slice %arg2[%dma_wait3A_40, %mul3A_16] : memref<8x512000xi32, #tpu.memory_space<hbm>> -> memref<8x3200xi32, #tpu.memory_space<hbm>>
    tpu.wait_dma2 semaphore(%arg10 : memref<!tpu.dma_semaphore, #tpu.memory_space<semaphore_mem>>) src(%dma_wait3A_41 : memref<8x3200xi32, #tpu.memory_space<hbm>>) dst(%arg5 : memref<8x3200xi32, #tpu.memory_space<vmem>>)
    %scan3A_42 = arith.constant 0 : i32
    %scan3A_43 = arith.constant 0 : i32
    %scan3A_44 = arith.constant 8 : i32
    %scan3A_45 = arith.addi %scan3A_43, %scan3A_44 : i32
    %scan3A_46 = arith.constant 1 : i32
    %scan3A_47 = scf.for %scan3A_103 = %scan3A_43 to %scan3A_45 step %scan3A_46 iter_args(%scan3A_104 = %scan3A_42) -> (i32)  : i32 {
      %parallel_loop3A_105 = arith.constant 0 : i32
      %parallel_loop3A_106 = arith.constant 200 : i32
      %parallel_loop3A_107 = arith.constant 2 : i32
      scf.for %parallel_loop3A_109 = %parallel_loop3A_105 to %parallel_loop3A_106 step %parallel_loop3A_107  : i32 {
        %parallel_loop3A_110 = arith.constant 16 : i32
        %parallel_loop3A_111 = arith.muli %parallel_loop3A_109, %parallel_loop3A_110 : i32
        %parallel_loop3A_112 = arith.index_cast %scan3A_103 : i32 to index
        %parallel_loop3A_113 = arith.index_cast %parallel_loop3A_111 : i32 to index
        %parallel_loop3A_114 = tpu.vector_load %arg5[%parallel_loop3A_112, %parallel_loop3A_113] {strides = array<i32>} : memref<8x3200xi32, #tpu.memory_space<vmem>>, vector<16xi32>,
        %parallel_loop3A_115 = arith.addi %parallel_loop3A_114, %iota3A : vector<16xi32>
        tpu.vector_store_idx %arg6[%parallel_loop3A_115], %broadcast_in_dim3A_5 {add = true} : memref<20736xf32, #tpu.memory_space<vmem>>[vector<16xi32>], vector<16xf32>,
        %parallel_loop3A_116 = arith.constant 16 : i32
        %parallel_loop3A_117 = arith.muli %parallel_loop3A_109, %parallel_loop3A_116 : i32
        %parallel_loop3A_118 = arith.constant 16 : i32
        %parallel_loop3A_119 = arith.addi %parallel_loop3A_117, %parallel_loop3A_118 : i32
        %parallel_loop3A_120 = arith.index_cast %scan3A_103 : i32 to index
        %parallel_loop3A_121 = arith.index_cast %parallel_loop3A_119 : i32 to index
        %parallel_loop3A_122 = tpu.vector_load %arg5[%parallel_loop3A_120, %parallel_loop3A_121] {strides = array<i32>} : memref<8x3200xi32, #tpu.memory_space<vmem>>, vector<16xi32>,
        %parallel_loop3A_123 = arith.addi %parallel_loop3A_122, %iota3A : vector<16xi32>
        tpu.vector_store_idx %arg7[%parallel_loop3A_123], %broadcast_in_dim3A_5 {add = true} : memref<20736xf32, #tpu.memory_space<vmem>>[vector<16xi32>], vector<16xf32>,
      } {sc.loop_unroll_factor = 4 : i64, sc.parallel_access}
      %scan3A_108 = arith.constant 0 : i32
      scf.yield %scan3A_108 : i32
    }
    %scan3A_48 = arith.constant 8 : i32
    %add3A_49 = arith.constant 96 : i32
    %add3A_50 = arith.addi %add3A_49, %add3A : i32
    %mul3A_51 = arith.constant 3200 : i32
    %mul3A_52 = arith.muli %add3A_50, %mul3A_51 : i32
    %dma_start3A_53 = arith.constant 0 : i32
    %dma_start3A_54 = tpu.memref_slice %arg2[%dma_start3A_53, %mul3A_52] : memref<8x512000xi32, #tpu.memory_space<hbm>> -> memref<8x3200xi32, #tpu.memory_space<hbm>>
    %dma_start3A_55 = arith.constant 0 : i32
    %dma_start3A_56 = tpu.memref_slice %arg2[%dma_start3A_55, %mul3A_52] : memref<8x512000xi32, #tpu.memory_space<hbm>> -> memref<8x3200xi32, #tpu.memory_space<hbm>>
    tpu.enqueue_dma source(%dma_start3A_56 : memref<8x3200xi32, #tpu.memory_space<hbm>>) target(%arg5 : memref<8x3200xi32, #tpu.memory_space<vmem>>) target_semaphore(%arg10 : memref<!tpu.dma_semaphore, #tpu.memory_space<semaphore_mem>>)
    %dma_wait3A_57 = arith.constant 0 : i32
    %dma_wait3A_58 = tpu.memref_slice %arg2[%dma_wait3A_57, %mul3A_33] : memref<8x512000xi32, #tpu.memory_space<hbm>> -> memref<8x3200xi32, #tpu.memory_space<hbm>>
    %dma_wait3A_59 = arith.constant 0 : i32
    %dma_wait3A_60 = tpu.memref_slice %arg2[%dma_wait3A_59, %mul3A_33] : memref<8x512000xi32, #tpu.memory_space<hbm>> -> memref<8x3200xi32, #tpu.memory_space<hbm>>
    tpu.wait_dma2 semaphore(%arg9 : memref<!tpu.dma_semaphore, #tpu.memory_space<semaphore_mem>>) src(%dma_wait3A_60 : memref<8x3200xi32, #tpu.memory_space<hbm>>) dst(%arg4 : memref<8x3200xi32, #tpu.memory_space<vmem>>)
    %scan3A_61 = arith.constant 0 : i32
    %scan3A_62 = arith.constant 0 : i32
    %scan3A_63 = arith.constant 8 : i32
    %scan3A_64 = arith.addi %scan3A_62, %scan3A_63 : i32
    %scan3A_65 = arith.constant 1 : i32
    %scan3A_66 = scf.for %scan3A_103 = %scan3A_62 to %scan3A_64 step %scan3A_65 iter_args(%scan3A_104 = %scan3A_61) -> (i32)  : i32 {
      %parallel_loop3A_105 = arith.constant 0 : i32
      %parallel_loop3A_106 = arith.constant 200 : i32
      %parallel_loop3A_107 = arith.constant 2 : i32
      scf.for %parallel_loop3A_109 = %parallel_loop3A_105 to %parallel_loop3A_106 step %parallel_loop3A_107  : i32 {
        %parallel_loop3A_110 = arith.constant 16 : i32
        %parallel_loop3A_111 = arith.muli %parallel_loop3A_109, %parallel_loop3A_110 : i32
        %parallel_loop3A_112 = arith.index_cast %scan3A_103 : i32 to index
        %parallel_loop3A_113 = arith.index_cast %parallel_loop3A_111 : i32 to index
        %parallel_loop3A_114 = tpu.vector_load %arg4[%parallel_loop3A_112, %parallel_loop3A_113] {strides = array<i32>} : memref<8x3200xi32, #tpu.memory_space<vmem>>, vector<16xi32>,
        %parallel_loop3A_115 = arith.addi %parallel_loop3A_114, %iota3A : vector<16xi32>
        tpu.vector_store_idx %arg6[%parallel_loop3A_115], %broadcast_in_dim3A_5 {add = true} : memref<20736xf32, #tpu.memory_space<vmem>>[vector<16xi32>], vector<16xf32>,
        %parallel_loop3A_116 = arith.constant 16 : i32
        %parallel_loop3A_117 = arith.muli %parallel_loop3A_109, %parallel_loop3A_116 : i32
        %parallel_loop3A_118 = arith.constant 16 : i32
        %parallel_loop3A_119 = arith.addi %parallel_loop3A_117, %parallel_loop3A_118 : i32
        %parallel_loop3A_120 = arith.index_cast %scan3A_103 : i32 to index
        %parallel_loop3A_121 = arith.index_cast %parallel_loop3A_119 : i32 to index
        %parallel_loop3A_122 = tpu.vector_load %arg4[%parallel_loop3A_120, %parallel_loop3A_121] {strides = array<i32>} : memref<8x3200xi32, #tpu.memory_space<vmem>>, vector<16xi32>,
        %parallel_loop3A_123 = arith.addi %parallel_loop3A_122, %iota3A : vector<16xi32>
        tpu.vector_store_idx %arg7[%parallel_loop3A_123], %broadcast_in_dim3A_5 {add = true} : memref<20736xf32, #tpu.memory_space<vmem>>[vector<16xi32>], vector<16xf32>,
      } {sc.loop_unroll_factor = 4 : i64, sc.parallel_access}
      %scan3A_108 = arith.constant 0 : i32
      scf.yield %scan3A_108 : i32
    }
    %scan3A_67 = arith.constant 8 : i32
    %add3A_68 = arith.constant 128 : i32
    %add3A_69 = arith.addi %add3A_68, %add3A : i32
    %mul3A_70 = arith.constant 3200 : i32
    %mul3A_71 = arith.muli %add3A_69, %mul3A_70 : i32
    %dma_start3A_72 = arith.constant 0 : i32
    %dma_start3A_73 = tpu.memref_slice %arg2[%dma_start3A_72, %mul3A_71] : memref<8x512000xi32, #tpu.memory_space<hbm>> -> memref<8x3200xi32, #tpu.memory_space<hbm>>
    %dma_start3A_74 = arith.constant 0 : i32
    %dma_start3A_75 = tpu.memref_slice %arg2[%dma_start3A_74, %mul3A_71] : memref<8x512000xi32, #tpu.memory_space<hbm>> -> memref<8x3200xi32, #tpu.memory_space<hbm>>
    tpu.enqueue_dma source(%dma_start3A_75 : memref<8x3200xi32, #tpu.memory_space<hbm>>) target(%arg4 : memref<8x3200xi32, #tpu.memory_space<vmem>>) target_semaphore(%arg9 : memref<!tpu.dma_semaphore, #tpu.memory_space<semaphore_mem>>)
    %dma_wait3A_76 = arith.constant 0 : i32
    %dma_wait3A_77 = tpu.memref_slice %arg2[%dma_wait3A_76, %mul3A_52] : memref<8x512000xi32, #tpu.memory_space<hbm>> -> memref<8x3200xi32, #tpu.memory_space<hbm>>
    %dma_wait3A_78 = arith.constant 0 : i32
    %dma_wait3A_79 = tpu.memref_slice %arg2[%dma_wait3A_78, %mul3A_52] : memref<8x512000xi32, #tpu.memory_space<hbm>> -> memref<8x3200xi32, #tpu.memory_space<hbm>>
    tpu.wait_dma2 semaphore(%arg10 : memref<!tpu.dma_semaphore, #tpu.memory_space<semaphore_mem>>) src(%dma_wait3A_79 : memref<8x3200xi32, #tpu.memory_space<hbm>>) dst(%arg5 : memref<8x3200xi32, #tpu.memory_space<vmem>>)
    %scan3A_80 = arith.constant 0 : i32
    %scan3A_81 = arith.constant 0 : i32
    %scan3A_82 = arith.constant 8 : i32
    %scan3A_83 = arith.addi %scan3A_81, %scan3A_82 : i32
    %scan3A_84 = arith.constant 1 : i32
    %scan3A_85 = scf.for %scan3A_103 = %scan3A_81 to %scan3A_83 step %scan3A_84 iter_args(%scan3A_104 = %scan3A_80) -> (i32)  : i32 {
      %parallel_loop3A_105 = arith.constant 0 : i32
      %parallel_loop3A_106 = arith.constant 200 : i32
      %parallel_loop3A_107 = arith.constant 2 : i32
      scf.for %parallel_loop3A_109 = %parallel_loop3A_105 to %parallel_loop3A_106 step %parallel_loop3A_107  : i32 {
        %parallel_loop3A_110 = arith.constant 16 : i32
        %parallel_loop3A_111 = arith.muli %parallel_loop3A_109, %parallel_loop3A_110 : i32
        %parallel_loop3A_112 = arith.index_cast %scan3A_103 : i32 to index
        %parallel_loop3A_113 = arith.index_cast %parallel_loop3A_111 : i32 to index
        %parallel_loop3A_114 = tpu.vector_load %arg5[%parallel_loop3A_112, %parallel_loop3A_113] {strides = array<i32>} : memref<8x3200xi32, #tpu.memory_space<vmem>>, vector<16xi32>,
        %parallel_loop3A_115 = arith.addi %parallel_loop3A_114, %iota3A : vector<16xi32>
        tpu.vector_store_idx %arg6[%parallel_loop3A_115], %broadcast_in_dim3A_5 {add = true} : memref<20736xf32, #tpu.memory_space<vmem>>[vector<16xi32>], vector<16xf32>,
        %parallel_loop3A_116 = arith.constant 16 : i32
        %parallel_loop3A_117 = arith.muli %parallel_loop3A_109, %parallel_loop3A_116 : i32
        %parallel_loop3A_118 = arith.constant 16 : i32
        %parallel_loop3A_119 = arith.addi %parallel_loop3A_117, %parallel_loop3A_118 : i32
        %parallel_loop3A_120 = arith.index_cast %scan3A_103 : i32 to index
        %parallel_loop3A_121 = arith.index_cast %parallel_loop3A_119 : i32 to index
        %parallel_loop3A_122 = tpu.vector_load %arg5[%parallel_loop3A_120, %parallel_loop3A_121] {strides = array<i32>} : memref<8x3200xi32, #tpu.memory_space<vmem>>, vector<16xi32>,
        %parallel_loop3A_123 = arith.addi %parallel_loop3A_122, %iota3A : vector<16xi32>
        tpu.vector_store_idx %arg7[%parallel_loop3A_123], %broadcast_in_dim3A_5 {add = true} : memref<20736xf32, #tpu.memory_space<vmem>>[vector<16xi32>], vector<16xf32>,
      } {sc.loop_unroll_factor = 4 : i64, sc.parallel_access}
      %scan3A_108 = arith.constant 0 : i32
      scf.yield %scan3A_108 : i32
    }
    %scan3A_86 = arith.constant 8 : i32
    %dma_wait3A_87 = arith.constant 0 : i32
    %dma_wait3A_88 = tpu.memref_slice %arg2[%dma_wait3A_87, %mul3A_71] : memref<8x512000xi32, #tpu.memory_space<hbm>> -> memref<8x3200xi32, #tpu.memory_space<hbm>>
    %dma_wait3A_89 = arith.constant 0 : i32
    %dma_wait3A_90 = tpu.memref_slice %arg2[%dma_wait3A_89, %mul3A_71] : memref<8x512000xi32, #tpu.memory_space<hbm>> -> memref<8x3200xi32, #tpu.memory_space<hbm>>
    tpu.wait_dma2 semaphore(%arg9 : memref<!tpu.dma_semaphore, #tpu.memory_space<semaphore_mem>>) src(%dma_wait3A_90 : memref<8x3200xi32, #tpu.memory_space<hbm>>) dst(%arg4 : memref<8x3200xi32, #tpu.memory_space<vmem>>)
    %scan3A_91 = arith.constant 0 : i32
    %scan3A_92 = arith.constant 0 : i32
    %scan3A_93 = arith.constant 8 : i32
    %scan3A_94 = arith.addi %scan3A_92, %scan3A_93 : i32
    %scan3A_95 = arith.constant 1 : i32
    %scan3A_96 = scf.for %scan3A_103 = %scan3A_92 to %scan3A_94 step %scan3A_95 iter_args(%scan3A_104 = %scan3A_91) -> (i32)  : i32 {
      %parallel_loop3A_105 = arith.constant 0 : i32
      %parallel_loop3A_106 = arith.constant 200 : i32
      %parallel_loop3A_107 = arith.constant 2 : i32
      scf.for %parallel_loop3A_109 = %parallel_loop3A_105 to %parallel_loop3A_106 step %parallel_loop3A_107  : i32 {
        %parallel_loop3A_110 = arith.constant 16 : i32
        %parallel_loop3A_111 = arith.muli %parallel_loop3A_109, %parallel_loop3A_110 : i32
        %parallel_loop3A_112 = arith.index_cast %scan3A_103 : i32 to index
        %parallel_loop3A_113 = arith.index_cast %parallel_loop3A_111 : i32 to index
        %parallel_loop3A_114 = tpu.vector_load %arg4[%parallel_loop3A_112, %parallel_loop3A_113] {strides = array<i32>} : memref<8x3200xi32, #tpu.memory_space<vmem>>, vector<16xi32>,
        %parallel_loop3A_115 = arith.addi %parallel_loop3A_114, %iota3A : vector<16xi32>
        tpu.vector_store_idx %arg6[%parallel_loop3A_115], %broadcast_in_dim3A_5 {add = true} : memref<20736xf32, #tpu.memory_space<vmem>>[vector<16xi32>], vector<16xf32>,
        %parallel_loop3A_116 = arith.constant 16 : i32
        %parallel_loop3A_117 = arith.muli %parallel_loop3A_109, %parallel_loop3A_116 : i32
        %parallel_loop3A_118 = arith.constant 16 : i32
        %parallel_loop3A_119 = arith.addi %parallel_loop3A_117, %parallel_loop3A_118 : i32
        %parallel_loop3A_120 = arith.index_cast %scan3A_103 : i32 to index
        %parallel_loop3A_121 = arith.index_cast %parallel_loop3A_119 : i32 to index
        %parallel_loop3A_122 = tpu.vector_load %arg4[%parallel_loop3A_120, %parallel_loop3A_121] {strides = array<i32>} : memref<8x3200xi32, #tpu.memory_space<vmem>>, vector<16xi32>,
        %parallel_loop3A_123 = arith.addi %parallel_loop3A_122, %iota3A : vector<16xi32>
        tpu.vector_store_idx %arg7[%parallel_loop3A_123], %broadcast_in_dim3A_5 {add = true} : memref<20736xf32, #tpu.memory_space<vmem>>[vector<16xi32>], vector<16xf32>,
      } {sc.loop_unroll_factor = 4 : i64, sc.parallel_access}
      %scan3A_108 = arith.constant 0 : i32
      scf.yield %scan3A_108 : i32
    }
    %scan3A_97 = arith.constant 8 : i32
    %parallel_loop3A_98 = arith.constant 0 : i32
    %parallel_loop3A_99 = arith.constant 81 : i32
    %parallel_loop3A_100 = arith.constant 1 : i32
    scf.for %parallel_loop3A_103 = %parallel_loop3A_98 to %parallel_loop3A_99 step %parallel_loop3A_100  : i32 {
      %parallel_loop3A_104 = arith.constant 16 : i32
      %parallel_loop3A_105 = arith.muli %parallel_loop3A_103, %parallel_loop3A_104 : i32
      %parallel_loop3A_106 = vector.broadcast %parallel_loop3A_105 : i32 to vector<16xi32>
      %parallel_loop3A_107 = arith.addi %parallel_loop3A_106, %iota3A : vector<16xi32>
      %parallel_loop3A_108 = arith.constant 16 : i32
      %parallel_loop3A_109 = vector.broadcast %parallel_loop3A_108 : i32 to vector<16xi32>
      %parallel_loop3A_110 = arith.muli %parallel_loop3A_107, %parallel_loop3A_109 : vector<16xi32>
      %parallel_loop3A_111 = tpu.vector_load_idx %arg6[%parallel_loop3A_110] : memref<20736xf32, #tpu.memory_space<vmem>>[vector<16xi32>], vector<16xf32>,
      %parallel_loop3A_112 = tpu.vector_load_idx %arg7[%parallel_loop3A_110] : memref<20736xf32, #tpu.memory_space<vmem>>[vector<16xi32>], vector<16xf32>,
      %parallel_loop3A_113 = arith.constant 1 : i32
      %parallel_loop3A_114 = vector.broadcast %parallel_loop3A_113 : i32 to vector<16xi32>
      %parallel_loop3A_115 = arith.addi %parallel_loop3A_110, %parallel_loop3A_114 : vector<16xi32>
      %parallel_loop3A_116 = tpu.vector_load_idx %arg6[%parallel_loop3A_115] : memref<20736xf32, #tpu.memory_space<vmem>>[vector<16xi32>], vector<16xf32>,
      %parallel_loop3A_117 = arith.addf %parallel_loop3A_111, %parallel_loop3A_116 : vector<16xf32>
      %parallel_loop3A_118 = arith.constant 1 : i32
      %parallel_loop3A_119 = vector.broadcast %parallel_loop3A_118 : i32 to vector<16xi32>
      %parallel_loop3A_120 = arith.addi %parallel_loop3A_110, %parallel_loop3A_119 : vector<16xi32>
      %parallel_loop3A_121 = tpu.vector_load_idx %arg7[%parallel_loop3A_120] : memref<20736xf32, #tpu.memory_space<vmem>>[vector<16xi32>], vector<16xf32>,
      %parallel_loop3A_122 = arith.addf %parallel_loop3A_112, %parallel_loop3A_121 : vector<16xf32>
      %parallel_loop3A_123 = arith.constant 2 : i32
      %parallel_loop3A_124 = vector.broadcast %parallel_loop3A_123 : i32 to vector<16xi32>
      %parallel_loop3A_125 = arith.addi %parallel_loop3A_110, %parallel_loop3A_124 : vector<16xi32>
      %parallel_loop3A_126 = tpu.vector_load_idx %arg6[%parallel_loop3A_125] : memref<20736xf32, #tpu.memory_space<vmem>>[vector<16xi32>], vector<16xf32>,
      %parallel_loop3A_127 = arith.addf %parallel_loop3A_117, %parallel_loop3A_126 : vector<16xf32>
      %parallel_loop3A_128 = arith.constant 2 : i32
      %parallel_loop3A_129 = vector.broadcast %parallel_loop3A_128 : i32 to vector<16xi32>
      %parallel_loop3A_130 = arith.addi %parallel_loop3A_110, %parallel_loop3A_129 : vector<16xi32>
      %parallel_loop3A_131 = tpu.vector_load_idx %arg7[%parallel_loop3A_130] : memref<20736xf32, #tpu.memory_space<vmem>>[vector<16xi32>], vector<16xf32>,
      %parallel_loop3A_132 = arith.addf %parallel_loop3A_122, %parallel_loop3A_131 : vector<16xf32>
      %parallel_loop3A_133 = arith.constant 3 : i32
      %parallel_loop3A_134 = vector.broadcast %parallel_loop3A_133 : i32 to vector<16xi32>
      %parallel_loop3A_135 = arith.addi %parallel_loop3A_110, %parallel_loop3A_134 : vector<16xi32>
      %parallel_loop3A_136 = tpu.vector_load_idx %arg6[%parallel_loop3A_135] : memref<20736xf32, #tpu.memory_space<vmem>>[vector<16xi32>], vector<16xf32>,
      %parallel_loop3A_137 = arith.addf %parallel_loop3A_127, %parallel_loop3A_136 : vector<16xf32>
      %parallel_loop3A_138 = arith.constant 3 : i32
      %parallel_loop3A_139 = vector.broadcast %parallel_loop3A_138 : i32 to vector<16xi32>
      %parallel_loop3A_140 = arith.addi %parallel_loop3A_110, %parallel_loop3A_139 : vector<16xi32>
      %parallel_loop3A_141 = tpu.vector_load_idx %arg7[%parallel_loop3A_140] : memref<20736xf32, #tpu.memory_space<vmem>>[vector<16xi32>], vector<16xf32>,
      %parallel_loop3A_142 = arith.addf %parallel_loop3A_132, %parallel_loop3A_141 : vector<16xf32>
      %parallel_loop3A_143 = arith.constant 4 : i32
      %parallel_loop3A_144 = vector.broadcast %parallel_loop3A_143 : i32 to vector<16xi32>
      %parallel_loop3A_145 = arith.addi %parallel_loop3A_110, %parallel_loop3A_144 : vector<16xi32>
      %parallel_loop3A_146 = tpu.vector_load_idx %arg6[%parallel_loop3A_145] : memref<20736xf32, #tpu.memory_space<vmem>>[vector<16xi32>], vector<16xf32>,
      %parallel_loop3A_147 = arith.addf %parallel_loop3A_137, %parallel_loop3A_146 : vector<16xf32>
      %parallel_loop3A_148 = arith.constant 4 : i32
      %parallel_loop3A_149 = vector.broadcast %parallel_loop3A_148 : i32 to vector<16xi32>
      %parallel_loop3A_150 = arith.addi %parallel_loop3A_110, %parallel_loop3A_149 : vector<16xi32>
      %parallel_loop3A_151 = tpu.vector_load_idx %arg7[%parallel_loop3A_150] : memref<20736xf32, #tpu.memory_space<vmem>>[vector<16xi32>], vector<16xf32>,
      %parallel_loop3A_152 = arith.addf %parallel_loop3A_142, %parallel_loop3A_151 : vector<16xf32>
      %parallel_loop3A_153 = arith.constant 5 : i32
      %parallel_loop3A_154 = vector.broadcast %parallel_loop3A_153 : i32 to vector<16xi32>
      %parallel_loop3A_155 = arith.addi %parallel_loop3A_110, %parallel_loop3A_154 : vector<16xi32>
      %parallel_loop3A_156 = tpu.vector_load_idx %arg6[%parallel_loop3A_155] : memref<20736xf32, #tpu.memory_space<vmem>>[vector<16xi32>], vector<16xf32>,
      %parallel_loop3A_157 = arith.addf %parallel_loop3A_147, %parallel_loop3A_156 : vector<16xf32>
      %parallel_loop3A_158 = arith.constant 5 : i32
      %parallel_loop3A_159 = vector.broadcast %parallel_loop3A_158 : i32 to vector<16xi32>
      %parallel_loop3A_160 = arith.addi %parallel_loop3A_110, %parallel_loop3A_159 : vector<16xi32>
      %parallel_loop3A_161 = tpu.vector_load_idx %arg7[%parallel_loop3A_160] : memref<20736xf32, #tpu.memory_space<vmem>>[vector<16xi32>], vector<16xf32>,
      %parallel_loop3A_162 = arith.addf %parallel_loop3A_152, %parallel_loop3A_161 : vector<16xf32>
      %parallel_loop3A_163 = arith.constant 6 : i32
      %parallel_loop3A_164 = vector.broadcast %parallel_loop3A_163 : i32 to vector<16xi32>
      %parallel_loop3A_165 = arith.addi %parallel_loop3A_110, %parallel_loop3A_164 : vector<16xi32>
      %parallel_loop3A_166 = tpu.vector_load_idx %arg6[%parallel_loop3A_165] : memref<20736xf32, #tpu.memory_space<vmem>>[vector<16xi32>], vector<16xf32>,
      %parallel_loop3A_167 = arith.addf %parallel_loop3A_157, %parallel_loop3A_166 : vector<16xf32>
      %parallel_loop3A_168 = arith.constant 6 : i32
      %parallel_loop3A_169 = vector.broadcast %parallel_loop3A_168 : i32 to vector<16xi32>
      %parallel_loop3A_170 = arith.addi %parallel_loop3A_110, %parallel_loop3A_169 : vector<16xi32>
      %parallel_loop3A_171 = tpu.vector_load_idx %arg7[%parallel_loop3A_170] : memref<20736xf32, #tpu.memory_space<vmem>>[vector<16xi32>], vector<16xf32>,
      %parallel_loop3A_172 = arith.addf %parallel_loop3A_162, %parallel_loop3A_171 : vector<16xf32>
      %parallel_loop3A_173 = arith.constant 7 : i32
      %parallel_loop3A_174 = vector.broadcast %parallel_loop3A_173 : i32 to vector<16xi32>
      %parallel_loop3A_175 = arith.addi %parallel_loop3A_110, %parallel_loop3A_174 : vector<16xi32>
      %parallel_loop3A_176 = tpu.vector_load_idx %arg6[%parallel_loop3A_175] : memref<20736xf32, #tpu.memory_space<vmem>>[vector<16xi32>], vector<16xf32>,
      %parallel_loop3A_177 = arith.addf %parallel_loop3A_167, %parallel_loop3A_176 : vector<16xf32>
      %parallel_loop3A_178 = arith.constant 7 : i32
      %parallel_loop3A_179 = vector.broadcast %parallel_loop3A_178 : i32 to vector<16xi32>
      %parallel_loop3A_180 = arith.addi %parallel_loop3A_110, %parallel_loop3A_179 : vector<16xi32>
      %parallel_loop3A_181 = tpu.vector_load_idx %arg7[%parallel_loop3A_180] : memref<20736xf32, #tpu.memory_space<vmem>>[vector<16xi32>], vector<16xf32>,
      %parallel_loop3A_182 = arith.addf %parallel_loop3A_172, %parallel_loop3A_181 : vector<16xf32>
      %parallel_loop3A_183 = arith.constant 8 : i32
      %parallel_loop3A_184 = vector.broadcast %parallel_loop3A_183 : i32 to vector<16xi32>
      %parallel_loop3A_185 = arith.addi %parallel_loop3A_110, %parallel_loop3A_184 : vector<16xi32>
      %parallel_loop3A_186 = tpu.vector_load_idx %arg6[%parallel_loop3A_185] : memref<20736xf32, #tpu.memory_space<vmem>>[vector<16xi32>], vector<16xf32>,
      %parallel_loop3A_187 = arith.addf %parallel_loop3A_177, %parallel_loop3A_186 : vector<16xf32>
      %parallel_loop3A_188 = arith.constant 8 : i32
      %parallel_loop3A_189 = vector.broadcast %parallel_loop3A_188 : i32 to vector<16xi32>
      %parallel_loop3A_190 = arith.addi %parallel_loop3A_110, %parallel_loop3A_189 : vector<16xi32>
      %parallel_loop3A_191 = tpu.vector_load_idx %arg7[%parallel_loop3A_190] : memref<20736xf32, #tpu.memory_space<vmem>>[vector<16xi32>], vector<16xf32>,
      %parallel_loop3A_192 = arith.addf %parallel_loop3A_182, %parallel_loop3A_191 : vector<16xf32>
      %parallel_loop3A_193 = arith.constant 9 : i32
      %parallel_loop3A_194 = vector.broadcast %parallel_loop3A_193 : i32 to vector<16xi32>
      %parallel_loop3A_195 = arith.addi %parallel_loop3A_110, %parallel_loop3A_194 : vector<16xi32>
      %parallel_loop3A_196 = tpu.vector_load_idx %arg6[%parallel_loop3A_195] : memref<20736xf32, #tpu.memory_space<vmem>>[vector<16xi32>], vector<16xf32>,
      %parallel_loop3A_197 = arith.addf %parallel_loop3A_187, %parallel_loop3A_196 : vector<16xf32>
      %parallel_loop3A_198 = arith.constant 9 : i32
      %parallel_loop3A_199 = vector.broadcast %parallel_loop3A_198 : i32 to vector<16xi32>
      %parallel_loop3A_200 = arith.addi %parallel_loop3A_110, %parallel_loop3A_199 : vector<16xi32>
      %parallel_loop3A_201 = tpu.vector_load_idx %arg7[%parallel_loop3A_200] : memref<20736xf32, #tpu.memory_space<vmem>>[vector<16xi32>], vector<16xf32>,
      %parallel_loop3A_202 = arith.addf %parallel_loop3A_192, %parallel_loop3A_201 : vector<16xf32>
      %parallel_loop3A_203 = arith.constant 10 : i32
      %parallel_loop3A_204 = vector.broadcast %parallel_loop3A_203 : i32 to vector<16xi32>
      %parallel_loop3A_205 = arith.addi %parallel_loop3A_110, %parallel_loop3A_204 : vector<16xi32>
      %parallel_loop3A_206 = tpu.vector_load_idx %arg6[%parallel_loop3A_205] : memref<20736xf32, #tpu.memory_space<vmem>>[vector<16xi32>], vector<16xf32>,
      %parallel_loop3A_207 = arith.addf %parallel_loop3A_197, %parallel_loop3A_206 : vector<16xf32>
      %parallel_loop3A_208 = arith.constant 10 : i32
      %parallel_loop3A_209 = vector.broadcast %parallel_loop3A_208 : i32 to vector<16xi32>
      %parallel_loop3A_210 = arith.addi %parallel_loop3A_110, %parallel_loop3A_209 : vector<16xi32>
      %parallel_loop3A_211 = tpu.vector_load_idx %arg7[%parallel_loop3A_210] : memref<20736xf32, #tpu.memory_space<vmem>>[vector<16xi32>], vector<16xf32>,
      %parallel_loop3A_212 = arith.addf %parallel_loop3A_202, %parallel_loop3A_211 : vector<16xf32>
      %parallel_loop3A_213 = arith.constant 11 : i32
      %parallel_loop3A_214 = vector.broadcast %parallel_loop3A_213 : i32 to vector<16xi32>
      %parallel_loop3A_215 = arith.addi %parallel_loop3A_110, %parallel_loop3A_214 : vector<16xi32>
      %parallel_loop3A_216 = tpu.vector_load_idx %arg6[%parallel_loop3A_215] : memref<20736xf32, #tpu.memory_space<vmem>>[vector<16xi32>], vector<16xf32>,
      %parallel_loop3A_217 = arith.addf %parallel_loop3A_207, %parallel_loop3A_216 : vector<16xf32>
      %parallel_loop3A_218 = arith.constant 11 : i32
      %parallel_loop3A_219 = vector.broadcast %parallel_loop3A_218 : i32 to vector<16xi32>
      %parallel_loop3A_220 = arith.addi %parallel_loop3A_110, %parallel_loop3A_219 : vector<16xi32>
      %parallel_loop3A_221 = tpu.vector_load_idx %arg7[%parallel_loop3A_220] : memref<20736xf32, #tpu.memory_space<vmem>>[vector<16xi32>], vector<16xf32>,
      %parallel_loop3A_222 = arith.addf %parallel_loop3A_212, %parallel_loop3A_221 : vector<16xf32>
      %parallel_loop3A_223 = arith.constant 12 : i32
      %parallel_loop3A_224 = vector.broadcast %parallel_loop3A_223 : i32 to vector<16xi32>
      %parallel_loop3A_225 = arith.addi %parallel_loop3A_110, %parallel_loop3A_224 : vector<16xi32>
      %parallel_loop3A_226 = tpu.vector_load_idx %arg6[%parallel_loop3A_225] : memref<20736xf32, #tpu.memory_space<vmem>>[vector<16xi32>], vector<16xf32>,
      %parallel_loop3A_227 = arith.addf %parallel_loop3A_217, %parallel_loop3A_226 : vector<16xf32>
      %parallel_loop3A_228 = arith.constant 12 : i32
      %parallel_loop3A_229 = vector.broadcast %parallel_loop3A_228 : i32 to vector<16xi32>
      %parallel_loop3A_230 = arith.addi %parallel_loop3A_110, %parallel_loop3A_229 : vector<16xi32>
      %parallel_loop3A_231 = tpu.vector_load_idx %arg7[%parallel_loop3A_230] : memref<20736xf32, #tpu.memory_space<vmem>>[vector<16xi32>], vector<16xf32>,
      %parallel_loop3A_232 = arith.addf %parallel_loop3A_222, %parallel_loop3A_231 : vector<16xf32>
      %parallel_loop3A_233 = arith.constant 13 : i32
      %parallel_loop3A_234 = vector.broadcast %parallel_loop3A_233 : i32 to vector<16xi32>
      %parallel_loop3A_235 = arith.addi %parallel_loop3A_110, %parallel_loop3A_234 : vector<16xi32>
      %parallel_loop3A_236 = tpu.vector_load_idx %arg6[%parallel_loop3A_235] : memref<20736xf32, #tpu.memory_space<vmem>>[vector<16xi32>], vector<16xf32>,
      %parallel_loop3A_237 = arith.addf %parallel_loop3A_227, %parallel_loop3A_236 : vector<16xf32>
      %parallel_loop3A_238 = arith.constant 13 : i32
      %parallel_loop3A_239 = vector.broadcast %parallel_loop3A_238 : i32 to vector<16xi32>
      %parallel_loop3A_240 = arith.addi %parallel_loop3A_110, %parallel_loop3A_239 : vector<16xi32>
      %parallel_loop3A_241 = tpu.vector_load_idx %arg7[%parallel_loop3A_240] : memref<20736xf32, #tpu.memory_space<vmem>>[vector<16xi32>], vector<16xf32>,
      %parallel_loop3A_242 = arith.addf %parallel_loop3A_232, %parallel_loop3A_241 : vector<16xf32>
      %parallel_loop3A_243 = arith.constant 14 : i32
      %parallel_loop3A_244 = vector.broadcast %parallel_loop3A_243 : i32 to vector<16xi32>
      %parallel_loop3A_245 = arith.addi %parallel_loop3A_110, %parallel_loop3A_244 : vector<16xi32>
      %parallel_loop3A_246 = tpu.vector_load_idx %arg6[%parallel_loop3A_245] : memref<20736xf32, #tpu.memory_space<vmem>>[vector<16xi32>], vector<16xf32>,
      %parallel_loop3A_247 = arith.addf %parallel_loop3A_237, %parallel_loop3A_246 : vector<16xf32>
      %parallel_loop3A_248 = arith.constant 14 : i32
      %parallel_loop3A_249 = vector.broadcast %parallel_loop3A_248 : i32 to vector<16xi32>
      %parallel_loop3A_250 = arith.addi %parallel_loop3A_110, %parallel_loop3A_249 : vector<16xi32>
      %parallel_loop3A_251 = tpu.vector_load_idx %arg7[%parallel_loop3A_250] : memref<20736xf32, #tpu.memory_space<vmem>>[vector<16xi32>], vector<16xf32>,
      %parallel_loop3A_252 = arith.addf %parallel_loop3A_242, %parallel_loop3A_251 : vector<16xf32>
      %parallel_loop3A_253 = arith.constant 15 : i32
      %parallel_loop3A_254 = vector.broadcast %parallel_loop3A_253 : i32 to vector<16xi32>
      %parallel_loop3A_255 = arith.addi %parallel_loop3A_110, %parallel_loop3A_254 : vector<16xi32>
      %parallel_loop3A_256 = tpu.vector_load_idx %arg6[%parallel_loop3A_255] : memref<20736xf32, #tpu.memory_space<vmem>>[vector<16xi32>], vector<16xf32>,
      %parallel_loop3A_257 = arith.addf %parallel_loop3A_247, %parallel_loop3A_256 : vector<16xf32>
      %parallel_loop3A_258 = arith.constant 15 : i32
      %parallel_loop3A_259 = vector.broadcast %parallel_loop3A_258 : i32 to vector<16xi32>
      %parallel_loop3A_260 = arith.addi %parallel_loop3A_110, %parallel_loop3A_259 : vector<16xi32>
      %parallel_loop3A_261 = tpu.vector_load_idx %arg7[%parallel_loop3A_260] : memref<20736xf32, #tpu.memory_space<vmem>>[vector<16xi32>], vector<16xf32>,
      %parallel_loop3A_262 = arith.addf %parallel_loop3A_252, %parallel_loop3A_261 : vector<16xf32>
      %parallel_loop3A_263 = arith.addf %parallel_loop3A_257, %parallel_loop3A_262 : vector<16xf32>
      %parallel_loop3A_264 = arith.constant 16 : i32
      %parallel_loop3A_265 = arith.muli %parallel_loop3A_103, %parallel_loop3A_264 : i32
      %parallel_loop3A_266 = arith.index_cast %parallel_loop3A_265 : i32 to index
      %parallel_loop3A_267 = tpu.vector_load %arg8[%parallel_loop3A_266] {strides = array<i32>} : memref<1296xf32, #tpu.memory_space<vmem>>, vector<16xf32>,
      tpu.vector_store %arg8[%parallel_loop3A_266], %parallel_loop3A_263 {strides = array<i32>} : memref<1296xf32, #tpu.memory_space<vmem>>, vector<16xf32>,
    } {sc.loop_unroll_factor = 2 : i64, sc.parallel_access}
    %mul3A_101 = arith.constant 1296 : i32
    %mul3A_102 = arith.muli %add3A, %mul3A_101 : i32
    "tpu.region"() ({
      %run_scoped3A = tpu.sem_alloc : memref<!tpu.dma_semaphore, #tpu.memory_space<semaphore_mem>>
      %dma_start3A_103 = tpu.memref_slice %arg3[%mul3A_102] : memref<41472xf32, #tpu.memory_space<hbm>> -> memref<1296xf32, #tpu.memory_space<hbm>>
      %dma_start3A_104 = tpu.memref_slice %arg3[%mul3A_102] : memref<41472xf32, #tpu.memory_space<hbm>> -> memref<1296xf32, #tpu.memory_space<hbm>>
      tpu.enqueue_dma source(%arg8 : memref<1296xf32, #tpu.memory_space<vmem>>) target(%dma_start3A_104 : memref<1296xf32, #tpu.memory_space<hbm>>) target_semaphore(%run_scoped3A : memref<!tpu.dma_semaphore, #tpu.memory_space<semaphore_mem>>)
      %dma_wait3A_105 = tpu.memref_slice %arg3[%mul3A_102] : memref<41472xf32, #tpu.memory_space<hbm>> -> memref<1296xf32, #tpu.memory_space<hbm>>
      %dma_wait3A_106 = tpu.memref_slice %arg3[%mul3A_102] : memref<41472xf32, #tpu.memory_space<hbm>> -> memref<1296xf32, #tpu.memory_space<hbm>>
      tpu.wait_dma2 semaphore(%run_scoped3A : memref<!tpu.dma_semaphore, #tpu.memory_space<semaphore_mem>>) src(%arg8 : memref<1296xf32, #tpu.memory_space<vmem>>) dst(%dma_wait3A_106 : memref<1296xf32, #tpu.memory_space<hbm>>)
      tpu.yield
    }) : () -> ()
    return
  }
}

#map = affine_map<(d0, d1) -> (0, 0)>
#map1 = affine_map<(d0, d1) -> (0)>
module attributes {stable_mosaic.version = 14 : i64} {
  func.func @_sc_hist_body(%arg0: i32, %arg1: i32, %arg2: memref<8x512000xi32, #tpu.memory_space<hbm>>, %arg3: memref<41472xf32, #tpu.memory_space<hbm>>, %arg4: memref<8x3200xi32, #tpu.memory_space<vmem>>, %arg5: memref<8x3200xi32, #tpu.memory_space<vmem>>, %arg6: memref<20736xf32, #tpu.memory_space<vmem>>, %arg7: memref<20736xf32, #tpu.memory_space<vmem>>, %arg8: memref<1296xf32, #tpu.memory_space<vmem>>, %arg9: memref<!tpu.dma_semaphore, #tpu.memory_space<semaphore_mem>>, %arg10: memref<!tpu.dma_semaphore, #tpu.memory_space<semaphore_mem>>) attributes {dimension_semantics = [#tpu.dimension_semantics<core_parallel>, #tpu.dimension_semantics<subcore_parallel>], iteration_bounds = array<i64: 2, 16>, scalar_prefetch = 0 : i64, scratch_operands = 7 : i64, tpu.core_type = #tpu.core_type<sc_vector_subcore>, window_params = [{transform_indices = #map}, {transform_indices = #map1}]} {
    %mul3A = arith.constant 2 : i32
    %mul3A_0 = arith.muli %arg1, %mul3A : i32
    %add3A = arith.addi %mul3A_0, %arg0 : i32
    %broadcast_in_dim3A = arith.constant 0.000000e+00 : f32
    %broadcast_in_dim3A_1 = vector.broadcast %broadcast_in_dim3A : f32 to vector<16xf32>
    %parallel_loop3A = arith.constant 0 : i32
    %parallel_loop3A_2 = arith.constant 1296 : i32
    %parallel_loop3A_3 = arith.constant 1 : i32
    scf.for %parallel_loop3A_103 = %parallel_loop3A to %parallel_loop3A_2 step %parallel_loop3A_3  : i32 {
      %parallel_loop3A_104 = arith.constant 16 : i32
      %parallel_loop3A_105 = arith.muli %parallel_loop3A_103, %parallel_loop3A_104 : i32
      %parallel_loop3A_106 = arith.index_cast %parallel_loop3A_105 : i32 to index
      %parallel_loop3A_107 = tpu.vector_load %arg6[%parallel_loop3A_106] {strides = array<i32>} : memref<20736xf32, #tpu.memory_space<vmem>>, vector<16xf32>,
      tpu.vector_store %arg6[%parallel_loop3A_106], %broadcast_in_dim3A_1 {strides = array<i32>} : memref<20736xf32, #tpu.memory_space<vmem>>, vector<16xf32>,
      %parallel_loop3A_108 = arith.constant 16 : i32
      %parallel_loop3A_109 = arith.muli %parallel_loop3A_103, %parallel_loop3A_108 : i32
      %parallel_loop3A_110 = arith.index_cast %parallel_loop3A_109 : i32 to index
      %parallel_loop3A_111 = tpu.vector_load %arg7[%parallel_loop3A_110] {strides = array<i32>} : memref<20736xf32, #tpu.memory_space<vmem>>, vector<16xf32>,
      tpu.vector_store %arg7[%parallel_loop3A_110], %broadcast_in_dim3A_1 {strides = array<i32>} : memref<20736xf32, #tpu.memory_space<vmem>>, vector<16xf32>,
    } {sc.loop_unroll_factor = 8 : i64, sc.parallel_access}
    %iota3A = tpu.iota {dimensions = array<i32: 0>} : vector<16xi32>
    %broadcast_in_dim3A_4 = arith.constant 1.000000e+00 : f32
    %broadcast_in_dim3A_5 = vector.broadcast %broadcast_in_dim3A_4 : f32 to vector<16xf32>
    %add3A_6 = arith.constant 0 : i32
    %add3A_7 = arith.addi %add3A_6, %add3A : i32
    %mul3A_8 = arith.constant 3200 : i32
    %mul3A_9 = arith.muli %add3A_7, %mul3A_8 : i32
    %dma_start3A = arith.constant 0 : i32
    %dma_start3A_10 = tpu.memref_slice %arg2[%dma_start3A, %mul3A_9] : memref<8x512000xi32, #tpu.memory_space<hbm>> -> memref<8x3200xi32, #tpu.memory_space<hbm>>
    %dma_start3A_11 = arith.constant 0 : i32
    %dma_start3A_12 = tpu.memref_slice %arg2[%dma_start3A_11, %mul3A_9] : memref<8x512000xi32, #tpu.memory_space<hbm>> -> memref<8x3200xi32, #tpu.memory_space<hbm>>
    tpu.enqueue_dma source(%dma_start3A_12 : memref<8x3200xi32, #tpu.memory_space<hbm>>) target(%arg4 : memref<8x3200xi32, #tpu.memory_space<vmem>>) target_semaphore(%arg9 : memref<!tpu.dma_semaphore, #tpu.memory_space<semaphore_mem>>)
    %add3A_13 = arith.constant 32 : i32
    %add3A_14 = arith.addi %add3A_13, %add3A : i32
    %mul3A_15 = arith.constant 3200 : i32
    %mul3A_16 = arith.muli %add3A_14, %mul3A_15 : i32
    %dma_start3A_17 = arith.constant 0 : i32
    %dma_start3A_18 = tpu.memref_slice %arg2[%dma_start3A_17, %mul3A_16] : memref<8x512000xi32, #tpu.memory_space<hbm>> -> memref<8x3200xi32, #tpu.memory_space<hbm>>
    %dma_start3A_19 = arith.constant 0 : i32
    %dma_start3A_20 = tpu.memref_slice %arg2[%dma_start3A_19, %mul3A_16] : memref<8x512000xi32, #tpu.memory_space<hbm>> -> memref<8x3200xi32, #tpu.memory_space<hbm>>
    tpu.enqueue_dma source(%dma_start3A_20 : memref<8x3200xi32, #tpu.memory_space<hbm>>) target(%arg5 : memref<8x3200xi32, #tpu.memory_space<vmem>>) target_semaphore(%arg10 : memref<!tpu.dma_semaphore, #tpu.memory_space<semaphore_mem>>)
    %dma_wait3A = arith.constant 0 : i32
    %dma_wait3A_21 = tpu.memref_slice %arg2[%dma_wait3A, %mul3A_9] : memref<8x512000xi32, #tpu.memory_space<hbm>> -> memref<8x3200xi32, #tpu.memory_space<hbm>>
    %dma_wait3A_22 = arith.constant 0 : i32
    %dma_wait3A_23 = tpu.memref_slice %arg2[%dma_wait3A_22, %mul3A_9] : memref<8x512000xi32, #tpu.memory_space<hbm>> -> memref<8x3200xi32, #tpu.memory_space<hbm>>
    tpu.wait_dma2 semaphore(%arg9 : memref<!tpu.dma_semaphore, #tpu.memory_space<semaphore_mem>>) src(%dma_wait3A_23 : memref<8x3200xi32, #tpu.memory_space<hbm>>) dst(%arg4 : memref<8x3200xi32, #tpu.memory_space<vmem>>)
    %scan3A = arith.constant 0 : i32
    %scan3A_24 = arith.constant 0 : i32
    %scan3A_25 = arith.constant 8 : i32
    %scan3A_26 = arith.addi %scan3A_24, %scan3A_25 : i32
    %scan3A_27 = arith.constant 1 : i32
    %scan3A_28 = scf.for %scan3A_103 = %scan3A_24 to %scan3A_26 step %scan3A_27 iter_args(%scan3A_104 = %scan3A) -> (i32)  : i32 {
      %parallel_loop3A_105 = arith.constant 0 : i32
      %parallel_loop3A_106 = arith.constant 200 : i32
      %parallel_loop3A_107 = arith.constant 2 : i32
      scf.for %parallel_loop3A_109 = %parallel_loop3A_105 to %parallel_loop3A_106 step %parallel_loop3A_107  : i32 {
        %parallel_loop3A_110 = arith.constant 16 : i32
        %parallel_loop3A_111 = arith.muli %parallel_loop3A_109, %parallel_loop3A_110 : i32
        %parallel_loop3A_112 = arith.index_cast %scan3A_103 : i32 to index
        %parallel_loop3A_113 = arith.index_cast %parallel_loop3A_111 : i32 to index
        %parallel_loop3A_114 = tpu.vector_load %arg4[%parallel_loop3A_112, %parallel_loop3A_113] {strides = array<i32>} : memref<8x3200xi32, #tpu.memory_space<vmem>>, vector<16xi32>,
        %parallel_loop3A_115 = arith.addi %parallel_loop3A_114, %iota3A : vector<16xi32>
        tpu.vector_store_idx %arg6[%parallel_loop3A_115], %broadcast_in_dim3A_5 {add = true} : memref<20736xf32, #tpu.memory_space<vmem>>[vector<16xi32>], vector<16xf32>,
        %parallel_loop3A_116 = arith.constant 16 : i32
        %parallel_loop3A_117 = arith.muli %parallel_loop3A_109, %parallel_loop3A_116 : i32
        %parallel_loop3A_118 = arith.constant 16 : i32
        %parallel_loop3A_119 = arith.addi %parallel_loop3A_117, %parallel_loop3A_118 : i32
        %parallel_loop3A_120 = arith.index_cast %scan3A_103 : i32 to index
        %parallel_loop3A_121 = arith.index_cast %parallel_loop3A_119 : i32 to index
        %parallel_loop3A_122 = tpu.vector_load %arg4[%parallel_loop3A_120, %parallel_loop3A_121] {strides = array<i32>} : memref<8x3200xi32, #tpu.memory_space<vmem>>, vector<16xi32>,
        %parallel_loop3A_123 = arith.addi %parallel_loop3A_122, %iota3A : vector<16xi32>
        tpu.vector_store_idx %arg7[%parallel_loop3A_123], %broadcast_in_dim3A_5 {add = true} : memref<20736xf32, #tpu.memory_space<vmem>>[vector<16xi32>], vector<16xf32>,
      } {sc.loop_unroll_factor = 4 : i64, sc.parallel_access}
      %scan3A_108 = arith.constant 0 : i32
      scf.yield %scan3A_108 : i32
    }
    %scan3A_29 = arith.constant 8 : i32
    %add3A_30 = arith.constant 64 : i32
    %add3A_31 = arith.addi %add3A_30, %add3A : i32
    %mul3A_32 = arith.constant 3200 : i32
    %mul3A_33 = arith.muli %add3A_31, %mul3A_32 : i32
    %dma_start3A_34 = arith.constant 0 : i32
    %dma_start3A_35 = tpu.memref_slice %arg2[%dma_start3A_34, %mul3A_33] : memref<8x512000xi32, #tpu.memory_space<hbm>> -> memref<8x3200xi32, #tpu.memory_space<hbm>>
    %dma_start3A_36 = arith.constant 0 : i32
    %dma_start3A_37 = tpu.memref_slice %arg2[%dma_start3A_36, %mul3A_33] : memref<8x512000xi32, #tpu.memory_space<hbm>> -> memref<8x3200xi32, #tpu.memory_space<hbm>>
    tpu.enqueue_dma source(%dma_start3A_37 : memref<8x3200xi32, #tpu.memory_space<hbm>>) target(%arg4 : memref<8x3200xi32, #tpu.memory_space<vmem>>) target_semaphore(%arg9 : memref<!tpu.dma_semaphore, #tpu.memory_space<semaphore_mem>>)
    %dma_wait3A_38 = arith.constant 0 : i32
    %dma_wait3A_39 = tpu.memref_slice %arg2[%dma_wait3A_38, %mul3A_16] : memref<8x512000xi32, #tpu.memory_space<hbm>> -> memref<8x3200xi32, #tpu.memory_space<hbm>>
    %dma_wait3A_40 = arith.constant 0 : i32
    %dma_wait3A_41 = tpu.memref_slice %arg2[%dma_wait3A_40, %mul3A_16] : memref<8x512000xi32, #tpu.memory_space<hbm>> -> memref<8x3200xi32, #tpu.memory_space<hbm>>
    tpu.wait_dma2 semaphore(%arg10 : memref<!tpu.dma_semaphore, #tpu.memory_space<semaphore_mem>>) src(%dma_wait3A_41 : memref<8x3200xi32, #tpu.memory_space<hbm>>) dst(%arg5 : memref<8x3200xi32, #tpu.memory_space<vmem>>)
    %scan3A_42 = arith.constant 0 : i32
    %scan3A_43 = arith.constant 0 : i32
    %scan3A_44 = arith.constant 8 : i32
    %scan3A_45 = arith.addi %scan3A_43, %scan3A_44 : i32
    %scan3A_46 = arith.constant 1 : i32
    %scan3A_47 = scf.for %scan3A_103 = %scan3A_43 to %scan3A_45 step %scan3A_46 iter_args(%scan3A_104 = %scan3A_42) -> (i32)  : i32 {
      %parallel_loop3A_105 = arith.constant 0 : i32
      %parallel_loop3A_106 = arith.constant 200 : i32
      %parallel_loop3A_107 = arith.constant 2 : i32
      scf.for %parallel_loop3A_109 = %parallel_loop3A_105 to %parallel_loop3A_106 step %parallel_loop3A_107  : i32 {
        %parallel_loop3A_110 = arith.constant 16 : i32
        %parallel_loop3A_111 = arith.muli %parallel_loop3A_109, %parallel_loop3A_110 : i32
        %parallel_loop3A_112 = arith.index_cast %scan3A_103 : i32 to index
        %parallel_loop3A_113 = arith.index_cast %parallel_loop3A_111 : i32 to index
        %parallel_loop3A_114 = tpu.vector_load %arg5[%parallel_loop3A_112, %parallel_loop3A_113] {strides = array<i32>} : memref<8x3200xi32, #tpu.memory_space<vmem>>, vector<16xi32>,
        %parallel_loop3A_115 = arith.addi %parallel_loop3A_114, %iota3A : vector<16xi32>
        tpu.vector_store_idx %arg6[%parallel_loop3A_115], %broadcast_in_dim3A_5 {add = true} : memref<20736xf32, #tpu.memory_space<vmem>>[vector<16xi32>], vector<16xf32>,
        %parallel_loop3A_116 = arith.constant 16 : i32
        %parallel_loop3A_117 = arith.muli %parallel_loop3A_109, %parallel_loop3A_116 : i32
        %parallel_loop3A_118 = arith.constant 16 : i32
        %parallel_loop3A_119 = arith.addi %parallel_loop3A_117, %parallel_loop3A_118 : i32
        %parallel_loop3A_120 = arith.index_cast %scan3A_103 : i32 to index
        %parallel_loop3A_121 = arith.index_cast %parallel_loop3A_119 : i32 to index
        %parallel_loop3A_122 = tpu.vector_load %arg5[%parallel_loop3A_120, %parallel_loop3A_121] {strides = array<i32>} : memref<8x3200xi32, #tpu.memory_space<vmem>>, vector<16xi32>,
        %parallel_loop3A_123 = arith.addi %parallel_loop3A_122, %iota3A : vector<16xi32>
        tpu.vector_store_idx %arg7[%parallel_loop3A_123], %broadcast_in_dim3A_5 {add = true} : memref<20736xf32, #tpu.memory_space<vmem>>[vector<16xi32>], vector<16xf32>,
      } {sc.loop_unroll_factor = 4 : i64, sc.parallel_access}
      %scan3A_108 = arith.constant 0 : i32
      scf.yield %scan3A_108 : i32
    }
    %scan3A_48 = arith.constant 8 : i32
    %add3A_49 = arith.constant 96 : i32
    %add3A_50 = arith.addi %add3A_49, %add3A : i32
    %mul3A_51 = arith.constant 3200 : i32
    %mul3A_52 = arith.muli %add3A_50, %mul3A_51 : i32
    %dma_start3A_53 = arith.constant 0 : i32
    %dma_start3A_54 = tpu.memref_slice %arg2[%dma_start3A_53, %mul3A_52] : memref<8x512000xi32, #tpu.memory_space<hbm>> -> memref<8x3200xi32, #tpu.memory_space<hbm>>
    %dma_start3A_55 = arith.constant 0 : i32
    %dma_start3A_56 = tpu.memref_slice %arg2[%dma_start3A_55, %mul3A_52] : memref<8x512000xi32, #tpu.memory_space<hbm>> -> memref<8x3200xi32, #tpu.memory_space<hbm>>
    tpu.enqueue_dma source(%dma_start3A_56 : memref<8x3200xi32, #tpu.memory_space<hbm>>) target(%arg5 : memref<8x3200xi32, #tpu.memory_space<vmem>>) target_semaphore(%arg10 : memref<!tpu.dma_semaphore, #tpu.memory_space<semaphore_mem>>)
    %dma_wait3A_57 = arith.constant 0 : i32
    %dma_wait3A_58 = tpu.memref_slice %arg2[%dma_wait3A_57, %mul3A_33] : memref<8x512000xi32, #tpu.memory_space<hbm>> -> memref<8x3200xi32, #tpu.memory_space<hbm>>
    %dma_wait3A_59 = arith.constant 0 : i32
    %dma_wait3A_60 = tpu.memref_slice %arg2[%dma_wait3A_59, %mul3A_33] : memref<8x512000xi32, #tpu.memory_space<hbm>> -> memref<8x3200xi32, #tpu.memory_space<hbm>>
    tpu.wait_dma2 semaphore(%arg9 : memref<!tpu.dma_semaphore, #tpu.memory_space<semaphore_mem>>) src(%dma_wait3A_60 : memref<8x3200xi32, #tpu.memory_space<hbm>>) dst(%arg4 : memref<8x3200xi32, #tpu.memory_space<vmem>>)
    %scan3A_61 = arith.constant 0 : i32
    %scan3A_62 = arith.constant 0 : i32
    %scan3A_63 = arith.constant 8 : i32
    %scan3A_64 = arith.addi %scan3A_62, %scan3A_63 : i32
    %scan3A_65 = arith.constant 1 : i32
    %scan3A_66 = scf.for %scan3A_103 = %scan3A_62 to %scan3A_64 step %scan3A_65 iter_args(%scan3A_104 = %scan3A_61) -> (i32)  : i32 {
      %parallel_loop3A_105 = arith.constant 0 : i32
      %parallel_loop3A_106 = arith.constant 200 : i32
      %parallel_loop3A_107 = arith.constant 2 : i32
      scf.for %parallel_loop3A_109 = %parallel_loop3A_105 to %parallel_loop3A_106 step %parallel_loop3A_107  : i32 {
        %parallel_loop3A_110 = arith.constant 16 : i32
        %parallel_loop3A_111 = arith.muli %parallel_loop3A_109, %parallel_loop3A_110 : i32
        %parallel_loop3A_112 = arith.index_cast %scan3A_103 : i32 to index
        %parallel_loop3A_113 = arith.index_cast %parallel_loop3A_111 : i32 to index
        %parallel_loop3A_114 = tpu.vector_load %arg4[%parallel_loop3A_112, %parallel_loop3A_113] {strides = array<i32>} : memref<8x3200xi32, #tpu.memory_space<vmem>>, vector<16xi32>,
        %parallel_loop3A_115 = arith.addi %parallel_loop3A_114, %iota3A : vector<16xi32>
        tpu.vector_store_idx %arg6[%parallel_loop3A_115], %broadcast_in_dim3A_5 {add = true} : memref<20736xf32, #tpu.memory_space<vmem>>[vector<16xi32>], vector<16xf32>,
        %parallel_loop3A_116 = arith.constant 16 : i32
        %parallel_loop3A_117 = arith.muli %parallel_loop3A_109, %parallel_loop3A_116 : i32
        %parallel_loop3A_118 = arith.constant 16 : i32
        %parallel_loop3A_119 = arith.addi %parallel_loop3A_117, %parallel_loop3A_118 : i32
        %parallel_loop3A_120 = arith.index_cast %scan3A_103 : i32 to index
        %parallel_loop3A_121 = arith.index_cast %parallel_loop3A_119 : i32 to index
        %parallel_loop3A_122 = tpu.vector_load %arg4[%parallel_loop3A_120, %parallel_loop3A_121] {strides = array<i32>} : memref<8x3200xi32, #tpu.memory_space<vmem>>, vector<16xi32>,
        %parallel_loop3A_123 = arith.addi %parallel_loop3A_122, %iota3A : vector<16xi32>
        tpu.vector_store_idx %arg7[%parallel_loop3A_123], %broadcast_in_dim3A_5 {add = true} : memref<20736xf32, #tpu.memory_space<vmem>>[vector<16xi32>], vector<16xf32>,
      } {sc.loop_unroll_factor = 4 : i64, sc.parallel_access}
      %scan3A_108 = arith.constant 0 : i32
      scf.yield %scan3A_108 : i32
    }
    %scan3A_67 = arith.constant 8 : i32
    %add3A_68 = arith.constant 128 : i32
    %add3A_69 = arith.addi %add3A_68, %add3A : i32
    %mul3A_70 = arith.constant 3200 : i32
    %mul3A_71 = arith.muli %add3A_69, %mul3A_70 : i32
    %dma_start3A_72 = arith.constant 0 : i32
    %dma_start3A_73 = tpu.memref_slice %arg2[%dma_start3A_72, %mul3A_71] : memref<8x512000xi32, #tpu.memory_space<hbm>> -> memref<8x3200xi32, #tpu.memory_space<hbm>>
    %dma_start3A_74 = arith.constant 0 : i32
    %dma_start3A_75 = tpu.memref_slice %arg2[%dma_start3A_74, %mul3A_71] : memref<8x512000xi32, #tpu.memory_space<hbm>> -> memref<8x3200xi32, #tpu.memory_space<hbm>>
    tpu.enqueue_dma source(%dma_start3A_75 : memref<8x3200xi32, #tpu.memory_space<hbm>>) target(%arg4 : memref<8x3200xi32, #tpu.memory_space<vmem>>) target_semaphore(%arg9 : memref<!tpu.dma_semaphore, #tpu.memory_space<semaphore_mem>>)
    %dma_wait3A_76 = arith.constant 0 : i32
    %dma_wait3A_77 = tpu.memref_slice %arg2[%dma_wait3A_76, %mul3A_52] : memref<8x512000xi32, #tpu.memory_space<hbm>> -> memref<8x3200xi32, #tpu.memory_space<hbm>>
    %dma_wait3A_78 = arith.constant 0 : i32
    %dma_wait3A_79 = tpu.memref_slice %arg2[%dma_wait3A_78, %mul3A_52] : memref<8x512000xi32, #tpu.memory_space<hbm>> -> memref<8x3200xi32, #tpu.memory_space<hbm>>
    tpu.wait_dma2 semaphore(%arg10 : memref<!tpu.dma_semaphore, #tpu.memory_space<semaphore_mem>>) src(%dma_wait3A_79 : memref<8x3200xi32, #tpu.memory_space<hbm>>) dst(%arg5 : memref<8x3200xi32, #tpu.memory_space<vmem>>)
    %scan3A_80 = arith.constant 0 : i32
    %scan3A_81 = arith.constant 0 : i32
    %scan3A_82 = arith.constant 8 : i32
    %scan3A_83 = arith.addi %scan3A_81, %scan3A_82 : i32
    %scan3A_84 = arith.constant 1 : i32
    %scan3A_85 = scf.for %scan3A_103 = %scan3A_81 to %scan3A_83 step %scan3A_84 iter_args(%scan3A_104 = %scan3A_80) -> (i32)  : i32 {
      %parallel_loop3A_105 = arith.constant 0 : i32
      %parallel_loop3A_106 = arith.constant 200 : i32
      %parallel_loop3A_107 = arith.constant 2 : i32
      scf.for %parallel_loop3A_109 = %parallel_loop3A_105 to %parallel_loop3A_106 step %parallel_loop3A_107  : i32 {
        %parallel_loop3A_110 = arith.constant 16 : i32
        %parallel_loop3A_111 = arith.muli %parallel_loop3A_109, %parallel_loop3A_110 : i32
        %parallel_loop3A_112 = arith.index_cast %scan3A_103 : i32 to index
        %parallel_loop3A_113 = arith.index_cast %parallel_loop3A_111 : i32 to index
        %parallel_loop3A_114 = tpu.vector_load %arg5[%parallel_loop3A_112, %parallel_loop3A_113] {strides = array<i32>} : memref<8x3200xi32, #tpu.memory_space<vmem>>, vector<16xi32>,
        %parallel_loop3A_115 = arith.addi %parallel_loop3A_114, %iota3A : vector<16xi32>
        tpu.vector_store_idx %arg6[%parallel_loop3A_115], %broadcast_in_dim3A_5 {add = true} : memref<20736xf32, #tpu.memory_space<vmem>>[vector<16xi32>], vector<16xf32>,
        %parallel_loop3A_116 = arith.constant 16 : i32
        %parallel_loop3A_117 = arith.muli %parallel_loop3A_109, %parallel_loop3A_116 : i32
        %parallel_loop3A_118 = arith.constant 16 : i32
        %parallel_loop3A_119 = arith.addi %parallel_loop3A_117, %parallel_loop3A_118 : i32
        %parallel_loop3A_120 = arith.index_cast %scan3A_103 : i32 to index
        %parallel_loop3A_121 = arith.index_cast %parallel_loop3A_119 : i32 to index
        %parallel_loop3A_122 = tpu.vector_load %arg5[%parallel_loop3A_120, %parallel_loop3A_121] {strides = array<i32>} : memref<8x3200xi32, #tpu.memory_space<vmem>>, vector<16xi32>,
        %parallel_loop3A_123 = arith.addi %parallel_loop3A_122, %iota3A : vector<16xi32>
        tpu.vector_store_idx %arg7[%parallel_loop3A_123], %broadcast_in_dim3A_5 {add = true} : memref<20736xf32, #tpu.memory_space<vmem>>[vector<16xi32>], vector<16xf32>,
      } {sc.loop_unroll_factor = 4 : i64, sc.parallel_access}
      %scan3A_108 = arith.constant 0 : i32
      scf.yield %scan3A_108 : i32
    }
    %scan3A_86 = arith.constant 8 : i32
    %dma_wait3A_87 = arith.constant 0 : i32
    %dma_wait3A_88 = tpu.memref_slice %arg2[%dma_wait3A_87, %mul3A_71] : memref<8x512000xi32, #tpu.memory_space<hbm>> -> memref<8x3200xi32, #tpu.memory_space<hbm>>
    %dma_wait3A_89 = arith.constant 0 : i32
    %dma_wait3A_90 = tpu.memref_slice %arg2[%dma_wait3A_89, %mul3A_71] : memref<8x512000xi32, #tpu.memory_space<hbm>> -> memref<8x3200xi32, #tpu.memory_space<hbm>>
    tpu.wait_dma2 semaphore(%arg9 : memref<!tpu.dma_semaphore, #tpu.memory_space<semaphore_mem>>) src(%dma_wait3A_90 : memref<8x3200xi32, #tpu.memory_space<hbm>>) dst(%arg4 : memref<8x3200xi32, #tpu.memory_space<vmem>>)
    %scan3A_91 = arith.constant 0 : i32
    %scan3A_92 = arith.constant 0 : i32
    %scan3A_93 = arith.constant 8 : i32
    %scan3A_94 = arith.addi %scan3A_92, %scan3A_93 : i32
    %scan3A_95 = arith.constant 1 : i32
    %scan3A_96 = scf.for %scan3A_103 = %scan3A_92 to %scan3A_94 step %scan3A_95 iter_args(%scan3A_104 = %scan3A_91) -> (i32)  : i32 {
      %parallel_loop3A_105 = arith.constant 0 : i32
      %parallel_loop3A_106 = arith.constant 200 : i32
      %parallel_loop3A_107 = arith.constant 2 : i32
      scf.for %parallel_loop3A_109 = %parallel_loop3A_105 to %parallel_loop3A_106 step %parallel_loop3A_107  : i32 {
        %parallel_loop3A_110 = arith.constant 16 : i32
        %parallel_loop3A_111 = arith.muli %parallel_loop3A_109, %parallel_loop3A_110 : i32
        %parallel_loop3A_112 = arith.index_cast %scan3A_103 : i32 to index
        %parallel_loop3A_113 = arith.index_cast %parallel_loop3A_111 : i32 to index
        %parallel_loop3A_114 = tpu.vector_load %arg4[%parallel_loop3A_112, %parallel_loop3A_113] {strides = array<i32>} : memref<8x3200xi32, #tpu.memory_space<vmem>>, vector<16xi32>,
        %parallel_loop3A_115 = arith.addi %parallel_loop3A_114, %iota3A : vector<16xi32>
        tpu.vector_store_idx %arg6[%parallel_loop3A_115], %broadcast_in_dim3A_5 {add = true} : memref<20736xf32, #tpu.memory_space<vmem>>[vector<16xi32>], vector<16xf32>,
        %parallel_loop3A_116 = arith.constant 16 : i32
        %parallel_loop3A_117 = arith.muli %parallel_loop3A_109, %parallel_loop3A_116 : i32
        %parallel_loop3A_118 = arith.constant 16 : i32
        %parallel_loop3A_119 = arith.addi %parallel_loop3A_117, %parallel_loop3A_118 : i32
        %parallel_loop3A_120 = arith.index_cast %scan3A_103 : i32 to index
        %parallel_loop3A_121 = arith.index_cast %parallel_loop3A_119 : i32 to index
        %parallel_loop3A_122 = tpu.vector_load %arg4[%parallel_loop3A_120, %parallel_loop3A_121] {strides = array<i32>} : memref<8x3200xi32, #tpu.memory_space<vmem>>, vector<16xi32>,
        %parallel_loop3A_123 = arith.addi %parallel_loop3A_122, %iota3A : vector<16xi32>
        tpu.vector_store_idx %arg7[%parallel_loop3A_123], %broadcast_in_dim3A_5 {add = true} : memref<20736xf32, #tpu.memory_space<vmem>>[vector<16xi32>], vector<16xf32>,
      } {sc.loop_unroll_factor = 4 : i64, sc.parallel_access}
      %scan3A_108 = arith.constant 0 : i32
      scf.yield %scan3A_108 : i32
    }
    %scan3A_97 = arith.constant 8 : i32
    %parallel_loop3A_98 = arith.constant 0 : i32
    %parallel_loop3A_99 = arith.constant 81 : i32
    %parallel_loop3A_100 = arith.constant 1 : i32
    scf.for %parallel_loop3A_103 = %parallel_loop3A_98 to %parallel_loop3A_99 step %parallel_loop3A_100  : i32 {
      %parallel_loop3A_104 = arith.constant 16 : i32
      %parallel_loop3A_105 = arith.muli %parallel_loop3A_103, %parallel_loop3A_104 : i32
      %parallel_loop3A_106 = vector.broadcast %parallel_loop3A_105 : i32 to vector<16xi32>
      %parallel_loop3A_107 = arith.addi %parallel_loop3A_106, %iota3A : vector<16xi32>
      %parallel_loop3A_108 = arith.constant 16 : i32
      %parallel_loop3A_109 = vector.broadcast %parallel_loop3A_108 : i32 to vector<16xi32>
      %parallel_loop3A_110 = arith.muli %parallel_loop3A_107, %parallel_loop3A_109 : vector<16xi32>
      %parallel_loop3A_111 = tpu.vector_load_idx %arg6[%parallel_loop3A_110] : memref<20736xf32, #tpu.memory_space<vmem>>[vector<16xi32>], vector<16xf32>,
      %parallel_loop3A_112 = tpu.vector_load_idx %arg7[%parallel_loop3A_110] : memref<20736xf32, #tpu.memory_space<vmem>>[vector<16xi32>], vector<16xf32>,
      %parallel_loop3A_113 = arith.constant 1 : i32
      %parallel_loop3A_114 = vector.broadcast %parallel_loop3A_113 : i32 to vector<16xi32>
      %parallel_loop3A_115 = arith.addi %parallel_loop3A_110, %parallel_loop3A_114 : vector<16xi32>
      %parallel_loop3A_116 = tpu.vector_load_idx %arg6[%parallel_loop3A_115] : memref<20736xf32, #tpu.memory_space<vmem>>[vector<16xi32>], vector<16xf32>,
      %parallel_loop3A_117 = arith.addf %parallel_loop3A_111, %parallel_loop3A_116 : vector<16xf32>
      %parallel_loop3A_118 = arith.constant 1 : i32
      %parallel_loop3A_119 = vector.broadcast %parallel_loop3A_118 : i32 to vector<16xi32>
      %parallel_loop3A_120 = arith.addi %parallel_loop3A_110, %parallel_loop3A_119 : vector<16xi32>
      %parallel_loop3A_121 = tpu.vector_load_idx %arg7[%parallel_loop3A_120] : memref<20736xf32, #tpu.memory_space<vmem>>[vector<16xi32>], vector<16xf32>,
      %parallel_loop3A_122 = arith.addf %parallel_loop3A_112, %parallel_loop3A_121 : vector<16xf32>
      %parallel_loop3A_123 = arith.constant 2 : i32
      %parallel_loop3A_124 = vector.broadcast %parallel_loop3A_123 : i32 to vector<16xi32>
      %parallel_loop3A_125 = arith.addi %parallel_loop3A_110, %parallel_loop3A_124 : vector<16xi32>
      %parallel_loop3A_126 = tpu.vector_load_idx %arg6[%parallel_loop3A_125] : memref<20736xf32, #tpu.memory_space<vmem>>[vector<16xi32>], vector<16xf32>,
      %parallel_loop3A_127 = arith.addf %parallel_loop3A_117, %parallel_loop3A_126 : vector<16xf32>
      %parallel_loop3A_128 = arith.constant 2 : i32
      %parallel_loop3A_129 = vector.broadcast %parallel_loop3A_128 : i32 to vector<16xi32>
      %parallel_loop3A_130 = arith.addi %parallel_loop3A_110, %parallel_loop3A_129 : vector<16xi32>
      %parallel_loop3A_131 = tpu.vector_load_idx %arg7[%parallel_loop3A_130] : memref<20736xf32, #tpu.memory_space<vmem>>[vector<16xi32>], vector<16xf32>,
      %parallel_loop3A_132 = arith.addf %parallel_loop3A_122, %parallel_loop3A_131 : vector<16xf32>
      %parallel_loop3A_133 = arith.constant 3 : i32
      %parallel_loop3A_134 = vector.broadcast %parallel_loop3A_133 : i32 to vector<16xi32>
      %parallel_loop3A_135 = arith.addi %parallel_loop3A_110, %parallel_loop3A_134 : vector<16xi32>
      %parallel_loop3A_136 = tpu.vector_load_idx %arg6[%parallel_loop3A_135] : memref<20736xf32, #tpu.memory_space<vmem>>[vector<16xi32>], vector<16xf32>,
      %parallel_loop3A_137 = arith.addf %parallel_loop3A_127, %parallel_loop3A_136 : vector<16xf32>
      %parallel_loop3A_138 = arith.constant 3 : i32
      %parallel_loop3A_139 = vector.broadcast %parallel_loop3A_138 : i32 to vector<16xi32>
      %parallel_loop3A_140 = arith.addi %parallel_loop3A_110, %parallel_loop3A_139 : vector<16xi32>
      %parallel_loop3A_141 = tpu.vector_load_idx %arg7[%parallel_loop3A_140] : memref<20736xf32, #tpu.memory_space<vmem>>[vector<16xi32>], vector<16xf32>,
      %parallel_loop3A_142 = arith.addf %parallel_loop3A_132, %parallel_loop3A_141 : vector<16xf32>
      %parallel_loop3A_143 = arith.constant 4 : i32
      %parallel_loop3A_144 = vector.broadcast %parallel_loop3A_143 : i32 to vector<16xi32>
      %parallel_loop3A_145 = arith.addi %parallel_loop3A_110, %parallel_loop3A_144 : vector<16xi32>
      %parallel_loop3A_146 = tpu.vector_load_idx %arg6[%parallel_loop3A_145] : memref<20736xf32, #tpu.memory_space<vmem>>[vector<16xi32>], vector<16xf32>,
      %parallel_loop3A_147 = arith.addf %parallel_loop3A_137, %parallel_loop3A_146 : vector<16xf32>
      %parallel_loop3A_148 = arith.constant 4 : i32
      %parallel_loop3A_149 = vector.broadcast %parallel_loop3A_148 : i32 to vector<16xi32>
      %parallel_loop3A_150 = arith.addi %parallel_loop3A_110, %parallel_loop3A_149 : vector<16xi32>
      %parallel_loop3A_151 = tpu.vector_load_idx %arg7[%parallel_loop3A_150] : memref<20736xf32, #tpu.memory_space<vmem>>[vector<16xi32>], vector<16xf32>,
      %parallel_loop3A_152 = arith.addf %parallel_loop3A_142, %parallel_loop3A_151 : vector<16xf32>
      %parallel_loop3A_153 = arith.constant 5 : i32
      %parallel_loop3A_154 = vector.broadcast %parallel_loop3A_153 : i32 to vector<16xi32>
      %parallel_loop3A_155 = arith.addi %parallel_loop3A_110, %parallel_loop3A_154 : vector<16xi32>
      %parallel_loop3A_156 = tpu.vector_load_idx %arg6[%parallel_loop3A_155] : memref<20736xf32, #tpu.memory_space<vmem>>[vector<16xi32>], vector<16xf32>,
      %parallel_loop3A_157 = arith.addf %parallel_loop3A_147, %parallel_loop3A_156 : vector<16xf32>
      %parallel_loop3A_158 = arith.constant 5 : i32
      %parallel_loop3A_159 = vector.broadcast %parallel_loop3A_158 : i32 to vector<16xi32>
      %parallel_loop3A_160 = arith.addi %parallel_loop3A_110, %parallel_loop3A_159 : vector<16xi32>
      %parallel_loop3A_161 = tpu.vector_load_idx %arg7[%parallel_loop3A_160] : memref<20736xf32, #tpu.memory_space<vmem>>[vector<16xi32>], vector<16xf32>,
      %parallel_loop3A_162 = arith.addf %parallel_loop3A_152, %parallel_loop3A_161 : vector<16xf32>
      %parallel_loop3A_163 = arith.constant 6 : i32
      %parallel_loop3A_164 = vector.broadcast %parallel_loop3A_163 : i32 to vector<16xi32>
      %parallel_loop3A_165 = arith.addi %parallel_loop3A_110, %parallel_loop3A_164 : vector<16xi32>
      %parallel_loop3A_166 = tpu.vector_load_idx %arg6[%parallel_loop3A_165] : memref<20736xf32, #tpu.memory_space<vmem>>[vector<16xi32>], vector<16xf32>,
      %parallel_loop3A_167 = arith.addf %parallel_loop3A_157, %parallel_loop3A_166 : vector<16xf32>
      %parallel_loop3A_168 = arith.constant 6 : i32
      %parallel_loop3A_169 = vector.broadcast %parallel_loop3A_168 : i32 to vector<16xi32>
      %parallel_loop3A_170 = arith.addi %parallel_loop3A_110, %parallel_loop3A_169 : vector<16xi32>
      %parallel_loop3A_171 = tpu.vector_load_idx %arg7[%parallel_loop3A_170] : memref<20736xf32, #tpu.memory_space<vmem>>[vector<16xi32>], vector<16xf32>,
      %parallel_loop3A_172 = arith.addf %parallel_loop3A_162, %parallel_loop3A_171 : vector<16xf32>
      %parallel_loop3A_173 = arith.constant 7 : i32
      %parallel_loop3A_174 = vector.broadcast %parallel_loop3A_173 : i32 to vector<16xi32>
      %parallel_loop3A_175 = arith.addi %parallel_loop3A_110, %parallel_loop3A_174 : vector<16xi32>
      %parallel_loop3A_176 = tpu.vector_load_idx %arg6[%parallel_loop3A_175] : memref<20736xf32, #tpu.memory_space<vmem>>[vector<16xi32>], vector<16xf32>,
      %parallel_loop3A_177 = arith.addf %parallel_loop3A_167, %parallel_loop3A_176 : vector<16xf32>
      %parallel_loop3A_178 = arith.constant 7 : i32
      %parallel_loop3A_179 = vector.broadcast %parallel_loop3A_178 : i32 to vector<16xi32>
      %parallel_loop3A_180 = arith.addi %parallel_loop3A_110, %parallel_loop3A_179 : vector<16xi32>
      %parallel_loop3A_181 = tpu.vector_load_idx %arg7[%parallel_loop3A_180] : memref<20736xf32, #tpu.memory_space<vmem>>[vector<16xi32>], vector<16xf32>,
      %parallel_loop3A_182 = arith.addf %parallel_loop3A_172, %parallel_loop3A_181 : vector<16xf32>
      %parallel_loop3A_183 = arith.constant 8 : i32
      %parallel_loop3A_184 = vector.broadcast %parallel_loop3A_183 : i32 to vector<16xi32>
      %parallel_loop3A_185 = arith.addi %parallel_loop3A_110, %parallel_loop3A_184 : vector<16xi32>
      %parallel_loop3A_186 = tpu.vector_load_idx %arg6[%parallel_loop3A_185] : memref<20736xf32, #tpu.memory_space<vmem>>[vector<16xi32>], vector<16xf32>,
      %parallel_loop3A_187 = arith.addf %parallel_loop3A_177, %parallel_loop3A_186 : vector<16xf32>
      %parallel_loop3A_188 = arith.constant 8 : i32
      %parallel_loop3A_189 = vector.broadcast %parallel_loop3A_188 : i32 to vector<16xi32>
      %parallel_loop3A_190 = arith.addi %parallel_loop3A_110, %parallel_loop3A_189 : vector<16xi32>
      %parallel_loop3A_191 = tpu.vector_load_idx %arg7[%parallel_loop3A_190] : memref<20736xf32, #tpu.memory_space<vmem>>[vector<16xi32>], vector<16xf32>,
      %parallel_loop3A_192 = arith.addf %parallel_loop3A_182, %parallel_loop3A_191 : vector<16xf32>
      %parallel_loop3A_193 = arith.constant 9 : i32
      %parallel_loop3A_194 = vector.broadcast %parallel_loop3A_193 : i32 to vector<16xi32>
      %parallel_loop3A_195 = arith.addi %parallel_loop3A_110, %parallel_loop3A_194 : vector<16xi32>
      %parallel_loop3A_196 = tpu.vector_load_idx %arg6[%parallel_loop3A_195] : memref<20736xf32, #tpu.memory_space<vmem>>[vector<16xi32>], vector<16xf32>,
      %parallel_loop3A_197 = arith.addf %parallel_loop3A_187, %parallel_loop3A_196 : vector<16xf32>
      %parallel_loop3A_198 = arith.constant 9 : i32
      %parallel_loop3A_199 = vector.broadcast %parallel_loop3A_198 : i32 to vector<16xi32>
      %parallel_loop3A_200 = arith.addi %parallel_loop3A_110, %parallel_loop3A_199 : vector<16xi32>
      %parallel_loop3A_201 = tpu.vector_load_idx %arg7[%parallel_loop3A_200] : memref<20736xf32, #tpu.memory_space<vmem>>[vector<16xi32>], vector<16xf32>,
      %parallel_loop3A_202 = arith.addf %parallel_loop3A_192, %parallel_loop3A_201 : vector<16xf32>
      %parallel_loop3A_203 = arith.constant 10 : i32
      %parallel_loop3A_204 = vector.broadcast %parallel_loop3A_203 : i32 to vector<16xi32>
      %parallel_loop3A_205 = arith.addi %parallel_loop3A_110, %parallel_loop3A_204 : vector<16xi32>
      %parallel_loop3A_206 = tpu.vector_load_idx %arg6[%parallel_loop3A_205] : memref<20736xf32, #tpu.memory_space<vmem>>[vector<16xi32>], vector<16xf32>,
      %parallel_loop3A_207 = arith.addf %parallel_loop3A_197, %parallel_loop3A_206 : vector<16xf32>
      %parallel_loop3A_208 = arith.constant 10 : i32
      %parallel_loop3A_209 = vector.broadcast %parallel_loop3A_208 : i32 to vector<16xi32>
      %parallel_loop3A_210 = arith.addi %parallel_loop3A_110, %parallel_loop3A_209 : vector<16xi32>
      %parallel_loop3A_211 = tpu.vector_load_idx %arg7[%parallel_loop3A_210] : memref<20736xf32, #tpu.memory_space<vmem>>[vector<16xi32>], vector<16xf32>,
      %parallel_loop3A_212 = arith.addf %parallel_loop3A_202, %parallel_loop3A_211 : vector<16xf32>
      %parallel_loop3A_213 = arith.constant 11 : i32
      %parallel_loop3A_214 = vector.broadcast %parallel_loop3A_213 : i32 to vector<16xi32>
      %parallel_loop3A_215 = arith.addi %parallel_loop3A_110, %parallel_loop3A_214 : vector<16xi32>
      %parallel_loop3A_216 = tpu.vector_load_idx %arg6[%parallel_loop3A_215] : memref<20736xf32, #tpu.memory_space<vmem>>[vector<16xi32>], vector<16xf32>,
      %parallel_loop3A_217 = arith.addf %parallel_loop3A_207, %parallel_loop3A_216 : vector<16xf32>
      %parallel_loop3A_218 = arith.constant 11 : i32
      %parallel_loop3A_219 = vector.broadcast %parallel_loop3A_218 : i32 to vector<16xi32>
      %parallel_loop3A_220 = arith.addi %parallel_loop3A_110, %parallel_loop3A_219 : vector<16xi32>
      %parallel_loop3A_221 = tpu.vector_load_idx %arg7[%parallel_loop3A_220] : memref<20736xf32, #tpu.memory_space<vmem>>[vector<16xi32>], vector<16xf32>,
      %parallel_loop3A_222 = arith.addf %parallel_loop3A_212, %parallel_loop3A_221 : vector<16xf32>
      %parallel_loop3A_223 = arith.constant 12 : i32
      %parallel_loop3A_224 = vector.broadcast %parallel_loop3A_223 : i32 to vector<16xi32>
      %parallel_loop3A_225 = arith.addi %parallel_loop3A_110, %parallel_loop3A_224 : vector<16xi32>
      %parallel_loop3A_226 = tpu.vector_load_idx %arg6[%parallel_loop3A_225] : memref<20736xf32, #tpu.memory_space<vmem>>[vector<16xi32>], vector<16xf32>,
      %parallel_loop3A_227 = arith.addf %parallel_loop3A_217, %parallel_loop3A_226 : vector<16xf32>
      %parallel_loop3A_228 = arith.constant 12 : i32
      %parallel_loop3A_229 = vector.broadcast %parallel_loop3A_228 : i32 to vector<16xi32>
      %parallel_loop3A_230 = arith.addi %parallel_loop3A_110, %parallel_loop3A_229 : vector<16xi32>
      %parallel_loop3A_231 = tpu.vector_load_idx %arg7[%parallel_loop3A_230] : memref<20736xf32, #tpu.memory_space<vmem>>[vector<16xi32>], vector<16xf32>,
      %parallel_loop3A_232 = arith.addf %parallel_loop3A_222, %parallel_loop3A_231 : vector<16xf32>
      %parallel_loop3A_233 = arith.constant 13 : i32
      %parallel_loop3A_234 = vector.broadcast %parallel_loop3A_233 : i32 to vector<16xi32>
      %parallel_loop3A_235 = arith.addi %parallel_loop3A_110, %parallel_loop3A_234 : vector<16xi32>
      %parallel_loop3A_236 = tpu.vector_load_idx %arg6[%parallel_loop3A_235] : memref<20736xf32, #tpu.memory_space<vmem>>[vector<16xi32>], vector<16xf32>,
      %parallel_loop3A_237 = arith.addf %parallel_loop3A_227, %parallel_loop3A_236 : vector<16xf32>
      %parallel_loop3A_238 = arith.constant 13 : i32
      %parallel_loop3A_239 = vector.broadcast %parallel_loop3A_238 : i32 to vector<16xi32>
      %parallel_loop3A_240 = arith.addi %parallel_loop3A_110, %parallel_loop3A_239 : vector<16xi32>
      %parallel_loop3A_241 = tpu.vector_load_idx %arg7[%parallel_loop3A_240] : memref<20736xf32, #tpu.memory_space<vmem>>[vector<16xi32>], vector<16xf32>,
      %parallel_loop3A_242 = arith.addf %parallel_loop3A_232, %parallel_loop3A_241 : vector<16xf32>
      %parallel_loop3A_243 = arith.constant 14 : i32
      %parallel_loop3A_244 = vector.broadcast %parallel_loop3A_243 : i32 to vector<16xi32>
      %parallel_loop3A_245 = arith.addi %parallel_loop3A_110, %parallel_loop3A_244 : vector<16xi32>
      %parallel_loop3A_246 = tpu.vector_load_idx %arg6[%parallel_loop3A_245] : memref<20736xf32, #tpu.memory_space<vmem>>[vector<16xi32>], vector<16xf32>,
      %parallel_loop3A_247 = arith.addf %parallel_loop3A_237, %parallel_loop3A_246 : vector<16xf32>
      %parallel_loop3A_248 = arith.constant 14 : i32
      %parallel_loop3A_249 = vector.broadcast %parallel_loop3A_248 : i32 to vector<16xi32>
      %parallel_loop3A_250 = arith.addi %parallel_loop3A_110, %parallel_loop3A_249 : vector<16xi32>
      %parallel_loop3A_251 = tpu.vector_load_idx %arg7[%parallel_loop3A_250] : memref<20736xf32, #tpu.memory_space<vmem>>[vector<16xi32>], vector<16xf32>,
      %parallel_loop3A_252 = arith.addf %parallel_loop3A_242, %parallel_loop3A_251 : vector<16xf32>
      %parallel_loop3A_253 = arith.constant 15 : i32
      %parallel_loop3A_254 = vector.broadcast %parallel_loop3A_253 : i32 to vector<16xi32>
      %parallel_loop3A_255 = arith.addi %parallel_loop3A_110, %parallel_loop3A_254 : vector<16xi32>
      %parallel_loop3A_256 = tpu.vector_load_idx %arg6[%parallel_loop3A_255] : memref<20736xf32, #tpu.memory_space<vmem>>[vector<16xi32>], vector<16xf32>,
      %parallel_loop3A_257 = arith.addf %parallel_loop3A_247, %parallel_loop3A_256 : vector<16xf32>
      %parallel_loop3A_258 = arith.constant 15 : i32
      %parallel_loop3A_259 = vector.broadcast %parallel_loop3A_258 : i32 to vector<16xi32>
      %parallel_loop3A_260 = arith.addi %parallel_loop3A_110, %parallel_loop3A_259 : vector<16xi32>
      %parallel_loop3A_261 = tpu.vector_load_idx %arg7[%parallel_loop3A_260] : memref<20736xf32, #tpu.memory_space<vmem>>[vector<16xi32>], vector<16xf32>,
      %parallel_loop3A_262 = arith.addf %parallel_loop3A_252, %parallel_loop3A_261 : vector<16xf32>
      %parallel_loop3A_263 = arith.addf %parallel_loop3A_257, %parallel_loop3A_262 : vector<16xf32>
      %parallel_loop3A_264 = arith.constant 16 : i32
      %parallel_loop3A_265 = arith.muli %parallel_loop3A_103, %parallel_loop3A_264 : i32
      %parallel_loop3A_266 = arith.index_cast %parallel_loop3A_265 : i32 to index
      %parallel_loop3A_267 = tpu.vector_load %arg8[%parallel_loop3A_266] {strides = array<i32>} : memref<1296xf32, #tpu.memory_space<vmem>>, vector<16xf32>,
      tpu.vector_store %arg8[%parallel_loop3A_266], %parallel_loop3A_263 {strides = array<i32>} : memref<1296xf32, #tpu.memory_space<vmem>>, vector<16xf32>,
    } {sc.loop_unroll_factor = 2 : i64, sc.parallel_access}
    %mul3A_101 = arith.constant 1296 : i32
    %mul3A_102 = arith.muli %add3A, %mul3A_101 : i32
    "tpu.region"() ({
      %run_scoped3A = tpu.sem_alloc : memref<!tpu.dma_semaphore, #tpu.memory_space<semaphore_mem>>
      %dma_start3A_103 = tpu.memref_slice %arg3[%mul3A_102] : memref<41472xf32, #tpu.memory_space<hbm>> -> memref<1296xf32, #tpu.memory_space<hbm>>
      %dma_start3A_104 = tpu.memref_slice %arg3[%mul3A_102] : memref<41472xf32, #tpu.memory_space<hbm>> -> memref<1296xf32, #tpu.memory_space<hbm>>
      tpu.enqueue_dma source(%arg8 : memref<1296xf32, #tpu.memory_space<vmem>>) target(%dma_start3A_104 : memref<1296xf32, #tpu.memory_space<hbm>>) target_semaphore(%run_scoped3A : memref<!tpu.dma_semaphore, #tpu.memory_space<semaphore_mem>>)
      %dma_wait3A_105 = tpu.memref_slice %arg3[%mul3A_102] : memref<41472xf32, #tpu.memory_space<hbm>> -> memref<1296xf32, #tpu.memory_space<hbm>>
      %dma_wait3A_106 = tpu.memref_slice %arg3[%mul3A_102] : memref<41472xf32, #tpu.memory_space<hbm>> -> memref<1296xf32, #tpu.memory_space<hbm>>
      tpu.wait_dma2 semaphore(%run_scoped3A : memref<!tpu.dma_semaphore, #tpu.memory_space<semaphore_mem>>) src(%arg8 : memref<1296xf32, #tpu.memory_space<vmem>>) dst(%dma_wait3A_106 : memref<1296xf32, #tpu.memory_space<hbm>>)
      tpu.yield
    }) : () -> ()
    return
  }
}

module attributes {stable_mosaic.version = 14 : i64} {
  func.func @_stage_c_body(%arg0: i32, %arg1: memref<32x1296xf32, #tpu.memory_space<vmem>>, %arg2: memref<32x1296xf32, #tpu.memory_space<vmem>>, %arg3: memref<10x50xf32, #tpu.memory_space<vmem>>, %arg4: memref<1x1xf32, #tpu.memory_space<vmem>>, %arg5: memref<1x1xf32, #tpu.memory_space<vmem>>, %arg6: memref<1x1xf32, #tpu.memory_space<vmem>>) attributes {dimension_semantics = [#tpu.dimension_semantics<arbitrary>], iteration_bounds = array<i64: 1>, scalar_prefetch = 0 : i64, scratch_operands = 0 : i64, tpu.core_type = #tpu.core_type<tc>, window_params = [{pipeline_mode = #tpu.pipeline_mode<synchronous>, transform_indices = @transform_0, window_bounds = array<i64: 32, 1296>}, {pipeline_mode = #tpu.pipeline_mode<synchronous>, transform_indices = @transform_1, window_bounds = array<i64: 32, 1296>}, {pipeline_mode = #tpu.pipeline_mode<synchronous>, transform_indices = @transform_2, window_bounds = array<i64: 10, 50>}, {pipeline_mode = #tpu.pipeline_mode<synchronous>, transform_indices = @transform_3, window_bounds = array<i64: 1, 1>}, {pipeline_mode = #tpu.pipeline_mode<synchronous>, transform_indices = @transform_4, window_bounds = array<i64: 1, 1>}, {pipeline_mode = #tpu.pipeline_mode<synchronous>, transform_indices = @transform_5, window_bounds = array<i64: 1, 1>}]} {
    %get3A = arith.constant 0 : index
    %get3A_0 = arith.constant 0 : index
    %get3A_1 = vector.load %arg1[%get3A, %get3A_0] : memref<32x1296xf32, #tpu.memory_space<vmem>>, vector<32x1296xf32>
    %reduce_sum3A = arith.constant dense<0.000000e+00> : vector<1296xf32>
    %reduce_sum3A_2 = vector.multi_reduction <add>, %get3A_1, %reduce_sum3A [0] : vector<32x1296xf32> to vector<1296xf32>
    %broadcast_in_dim3A = vector.shape_cast %reduce_sum3A_2 : vector<1296xf32> to vector<1x1296xf32>
    %get3A_3 = arith.constant 0 : index
    %get3A_4 = arith.constant 0 : index
    %get3A_5 = vector.load %arg2[%get3A_3, %get3A_4] : memref<32x1296xf32, #tpu.memory_space<vmem>>, vector<32x1296xf32>
    %reduce_sum3A_6 = arith.constant dense<0.000000e+00> : vector<1296xf32>
    %reduce_sum3A_7 = vector.multi_reduction <add>, %get3A_5, %reduce_sum3A_6 [0] : vector<32x1296xf32> to vector<1296xf32>
    %broadcast_in_dim3A_8 = vector.shape_cast %reduce_sum3A_7 : vector<1296xf32> to vector<1x1296xf32>
    %add3A = arith.addf %broadcast_in_dim3A, %broadcast_in_dim3A_8 : vector<1x1296xf32>
    %slice3A = vector.extract_strided_slice %add3A {offsets = [0, 704], sizes = [1, 50], strides = [1, 1]} : vector<1x1296xf32> to vector<1x50xf32>
    %slice3A_9 = vector.extract_strided_slice %add3A {offsets = [0, 64], sizes = [1, 50], strides = [1, 1]} : vector<1x1296xf32> to vector<1x50xf32>
    %add3A_10 = arith.addf %slice3A, %slice3A_9 : vector<1x50xf32>
    %neg3A = arith.constant 0.000000e+00 : f32
    %neg3A_11 = vector.broadcast %neg3A : f32 to vector<1x50xf32>
    %neg3A_12 = arith.subf %neg3A_11, %slice3A : vector<1x50xf32>
    %exp3A = math.exp %neg3A_12 : vector<1x50xf32>
    %add3A_13 = arith.constant 1.000000e+00 : f32
    %add3A_14 = vector.broadcast %add3A_13 : f32 to vector<1x50xf32>
    %add3A_15 = arith.addf %add3A_14, %exp3A : vector<1x50xf32>
    %div3A = arith.constant 1.000000e+00 : f32
    %div3A_16 = vector.broadcast %div3A : f32 to vector<1x50xf32>
    %div3A_17 = arith.divf %div3A_16, %add3A_15 : vector<1x50xf32>
    %neg3A_18 = arith.constant 0.000000e+00 : f32
    %neg3A_19 = vector.broadcast %neg3A_18 : f32 to vector<1x50xf32>
    %neg3A_20 = arith.subf %neg3A_19, %add3A_10 : vector<1x50xf32>
    %exp3A_21 = math.exp %neg3A_20 : vector<1x50xf32>
    %add3A_22 = arith.constant 1.000000e+00 : f32
    %add3A_23 = vector.broadcast %add3A_22 : f32 to vector<1x50xf32>
    %add3A_24 = arith.addf %add3A_23, %exp3A_21 : vector<1x50xf32>
    %div3A_25 = arith.constant 1.000000e+00 : f32
    %div3A_26 = vector.broadcast %div3A_25 : f32 to vector<1x50xf32>
    %div3A_27 = arith.divf %div3A_26, %add3A_24 : vector<1x50xf32>
    %div3A_28 = arith.divf %div3A_17, %div3A_27 : vector<1x50xf32>
    %get3A_29 = arith.constant 1 : index
    %get3A_30 = arith.constant 0 : index
    %get3A_31 = vector.load %arg3[%get3A_29, %get3A_30] : memref<10x50xf32, #tpu.memory_space<vmem>>, vector<1x50xf32>
    %neg3A_32 = arith.constant 0.000000e+00 : f32
    %neg3A_33 = vector.broadcast %neg3A_32 : f32 to vector<1x50xf32>
    %neg3A_34 = arith.subf %neg3A_33, %get3A_31 : vector<1x50xf32>
    %exp3A_35 = math.exp %neg3A_34 : vector<1x50xf32>
    %add3A_36 = arith.constant 1.000000e+00 : f32
    %add3A_37 = vector.broadcast %add3A_36 : f32 to vector<1x50xf32>
    %add3A_38 = arith.addf %add3A_37, %exp3A_35 : vector<1x50xf32>
    %div3A_39 = arith.constant 1.000000e+00 : f32
    %div3A_40 = vector.broadcast %div3A_39 : f32 to vector<1x50xf32>
    %div3A_41 = arith.divf %div3A_40, %add3A_38 : vector<1x50xf32>
    %sub3A = arith.subf %div3A_41, %div3A_28 : vector<1x50xf32>
    %mul3A = arith.mulf %sub3A, %sub3A : vector<1x50xf32>
    %reduce_sum3A_42 = vector.shape_cast %mul3A : vector<1x50xf32> to vector<1x1x50xf32>
    %reduce_sum3A_43 = arith.constant dense<0.000000e+00> : vector<1xf32>
    %reduce_sum3A_44 = vector.multi_reduction <add>, %reduce_sum3A_42, %reduce_sum3A_43 [1, 2] : vector<1x1x50xf32> to vector<1xf32>
    %reduce_sum3A_45 = vector.shape_cast %reduce_sum3A_44 : vector<1xf32> to vector<1x1x1xf32>
    %reduce_sum3A_46 = vector.extract %reduce_sum3A_45[0, 0, 0] : f32 from vector<1x1x1xf32>
    %mul3A_47 = arith.constant 2.000000e-02 : f32
    %mul3A_48 = arith.mulf %reduce_sum3A_46, %mul3A_47 : f32
    %add3A_49 = arith.constant 0.000000e+00 : f32
    %add3A_50 = arith.addf %add3A_49, %mul3A_48 : f32
    %slice3A_51 = vector.extract_strided_slice %add3A {offsets = [0, 768], sizes = [1, 50], strides = [1, 1]} : vector<1x1296xf32> to vector<1x50xf32>
    %slice3A_52 = vector.extract_strided_slice %add3A {offsets = [0, 128], sizes = [1, 50], strides = [1, 1]} : vector<1x1296xf32> to vector<1x50xf32>
    %add3A_53 = arith.addf %slice3A_51, %slice3A_52 : vector<1x50xf32>
    %neg3A_54 = arith.constant 0.000000e+00 : f32
    %neg3A_55 = vector.broadcast %neg3A_54 : f32 to vector<1x50xf32>
    %neg3A_56 = arith.subf %neg3A_55, %slice3A_51 : vector<1x50xf32>
    %exp3A_57 = math.exp %neg3A_56 : vector<1x50xf32>
    %add3A_58 = arith.constant 1.000000e+00 : f32
    %add3A_59 = vector.broadcast %add3A_58 : f32 to vector<1x50xf32>
    %add3A_60 = arith.addf %add3A_59, %exp3A_57 : vector<1x50xf32>
    %div3A_61 = arith.constant 1.000000e+00 : f32
    %div3A_62 = vector.broadcast %div3A_61 : f32 to vector<1x50xf32>
    %div3A_63 = arith.divf %div3A_62, %add3A_60 : vector<1x50xf32>
    %neg3A_64 = arith.constant 0.000000e+00 : f32
    %neg3A_65 = vector.broadcast %neg3A_64 : f32 to vector<1x50xf32>
    %neg3A_66 = arith.subf %neg3A_65, %add3A_53 : vector<1x50xf32>
    %exp3A_67 = math.exp %neg3A_66 : vector<1x50xf32>
    %add3A_68 = arith.constant 1.000000e+00 : f32
    %add3A_69 = vector.broadcast %add3A_68 : f32 to vector<1x50xf32>
    %add3A_70 = arith.addf %add3A_69, %exp3A_67 : vector<1x50xf32>
    %div3A_71 = arith.constant 1.000000e+00 : f32
    %div3A_72 = vector.broadcast %div3A_71 : f32 to vector<1x50xf32>
    %div3A_73 = arith.divf %div3A_72, %add3A_70 : vector<1x50xf32>
    %div3A_74 = arith.divf %div3A_63, %div3A_73 : vector<1x50xf32>
    %get3A_75 = arith.constant 2 : index
    %get3A_76 = arith.constant 0 : index
    %get3A_77 = vector.load %arg3[%get3A_75, %get3A_76] : memref<10x50xf32, #tpu.memory_space<vmem>>, vector<1x50xf32>
    %neg3A_78 = arith.constant 0.000000e+00 : f32
    %neg3A_79 = vector.broadcast %neg3A_78 : f32 to vector<1x50xf32>
    %neg3A_80 = arith.subf %neg3A_79, %get3A_77 : vector<1x50xf32>
    %exp3A_81 = math.exp %neg3A_80 : vector<1x50xf32>
    %add3A_82 = arith.constant 1.000000e+00 : f32
    %add3A_83 = vector.broadcast %add3A_82 : f32 to vector<1x50xf32>
    %add3A_84 = arith.addf %add3A_83, %exp3A_81 : vector<1x50xf32>
    %div3A_85 = arith.constant 1.000000e+00 : f32
    %div3A_86 = vector.broadcast %div3A_85 : f32 to vector<1x50xf32>
    %div3A_87 = arith.divf %div3A_86, %add3A_84 : vector<1x50xf32>
    %sub3A_88 = arith.subf %div3A_87, %div3A_74 : vector<1x50xf32>
    %mul3A_89 = arith.mulf %sub3A_88, %sub3A_88 : vector<1x50xf32>
    %reduce_sum3A_90 = vector.shape_cast %mul3A_89 : vector<1x50xf32> to vector<1x1x50xf32>
    %reduce_sum3A_91 = arith.constant dense<0.000000e+00> : vector<1xf32>
    %reduce_sum3A_92 = vector.multi_reduction <add>, %reduce_sum3A_90, %reduce_sum3A_91 [1, 2] : vector<1x1x50xf32> to vector<1xf32>
    %reduce_sum3A_93 = vector.shape_cast %reduce_sum3A_92 : vector<1xf32> to vector<1x1x1xf32>
    %reduce_sum3A_94 = vector.extract %reduce_sum3A_93[0, 0, 0] : f32 from vector<1x1x1xf32>
    %mul3A_95 = arith.constant 2.000000e-02 : f32
    %mul3A_96 = arith.mulf %reduce_sum3A_94, %mul3A_95 : f32
    %add3A_97 = arith.addf %add3A_50, %mul3A_96 : f32
    %slice3A_98 = vector.extract_strided_slice %add3A {offsets = [0, 832], sizes = [1, 50], strides = [1, 1]} : vector<1x1296xf32> to vector<1x50xf32>
    %slice3A_99 = vector.extract_strided_slice %add3A {offsets = [0, 192], sizes = [1, 50], strides = [1, 1]} : vector<1x1296xf32> to vector<1x50xf32>
    %add3A_100 = arith.addf %slice3A_98, %slice3A_99 : vector<1x50xf32>
    %neg3A_101 = arith.constant 0.000000e+00 : f32
    %neg3A_102 = vector.broadcast %neg3A_101 : f32 to vector<1x50xf32>
    %neg3A_103 = arith.subf %neg3A_102, %slice3A_98 : vector<1x50xf32>
    %exp3A_104 = math.exp %neg3A_103 : vector<1x50xf32>
    %add3A_105 = arith.constant 1.000000e+00 : f32
    %add3A_106 = vector.broadcast %add3A_105 : f32 to vector<1x50xf32>
    %add3A_107 = arith.addf %add3A_106, %exp3A_104 : vector<1x50xf32>
    %div3A_108 = arith.constant 1.000000e+00 : f32
    %div3A_109 = vector.broadcast %div3A_108 : f32 to vector<1x50xf32>
    %div3A_110 = arith.divf %div3A_109, %add3A_107 : vector<1x50xf32>
    %neg3A_111 = arith.constant 0.000000e+00 : f32
    %neg3A_112 = vector.broadcast %neg3A_111 : f32 to vector<1x50xf32>
    %neg3A_113 = arith.subf %neg3A_112, %add3A_100 : vector<1x50xf32>
    %exp3A_114 = math.exp %neg3A_113 : vector<1x50xf32>
    %add3A_115 = arith.constant 1.000000e+00 : f32
    %add3A_116 = vector.broadcast %add3A_115 : f32 to vector<1x50xf32>
    %add3A_117 = arith.addf %add3A_116, %exp3A_114 : vector<1x50xf32>
    %div3A_118 = arith.constant 1.000000e+00 : f32
    %div3A_119 = vector.broadcast %div3A_118 : f32 to vector<1x50xf32>
    %div3A_120 = arith.divf %div3A_119, %add3A_117 : vector<1x50xf32>
    %div3A_121 = arith.divf %div3A_110, %div3A_120 : vector<1x50xf32>
    %get3A_122 = arith.constant 3 : index
    %get3A_123 = arith.constant 0 : index
    %get3A_124 = vector.load %arg3[%get3A_122, %get3A_123] : memref<10x50xf32, #tpu.memory_space<vmem>>, vector<1x50xf32>
    %neg3A_125 = arith.constant 0.000000e+00 : f32
    %neg3A_126 = vector.broadcast %neg3A_125 : f32 to vector<1x50xf32>
    %neg3A_127 = arith.subf %neg3A_126, %get3A_124 : vector<1x50xf32>
    %exp3A_128 = math.exp %neg3A_127 : vector<1x50xf32>
    %add3A_129 = arith.constant 1.000000e+00 : f32
    %add3A_130 = vector.broadcast %add3A_129 : f32 to vector<1x50xf32>
    %add3A_131 = arith.addf %add3A_130, %exp3A_128 : vector<1x50xf32>
    %div3A_132 = arith.constant 1.000000e+00 : f32
    %div3A_133 = vector.broadcast %div3A_132 : f32 to vector<1x50xf32>
    %div3A_134 = arith.divf %div3A_133, %add3A_131 : vector<1x50xf32>
    %sub3A_135 = arith.subf %div3A_134, %div3A_121 : vector<1x50xf32>
    %mul3A_136 = arith.mulf %sub3A_135, %sub3A_135 : vector<1x50xf32>
    %reduce_sum3A_137 = vector.shape_cast %mul3A_136 : vector<1x50xf32> to vector<1x1x50xf32>
    %reduce_sum3A_138 = arith.constant dense<0.000000e+00> : vector<1xf32>
    %reduce_sum3A_139 = vector.multi_reduction <add>, %reduce_sum3A_137, %reduce_sum3A_138 [1, 2] : vector<1x1x50xf32> to vector<1xf32>
    %reduce_sum3A_140 = vector.shape_cast %reduce_sum3A_139 : vector<1xf32> to vector<1x1x1xf32>
    %reduce_sum3A_141 = vector.extract %reduce_sum3A_140[0, 0, 0] : f32 from vector<1x1x1xf32>
    %mul3A_142 = arith.constant 2.000000e-02 : f32
    %mul3A_143 = arith.mulf %reduce_sum3A_141, %mul3A_142 : f32
    %add3A_144 = arith.addf %add3A_97, %mul3A_143 : f32
    %slice3A_145 = vector.extract_strided_slice %add3A {offsets = [0, 896], sizes = [1, 50], strides = [1, 1]} : vector<1x1296xf32> to vector<1x50xf32>
    %slice3A_146 = vector.extract_strided_slice %add3A {offsets = [0, 256], sizes = [1, 50], strides = [1, 1]} : vector<1x1296xf32> to vector<1x50xf32>
    %add3A_147 = arith.addf %slice3A_145, %slice3A_146 : vector<1x50xf32>
    %neg3A_148 = arith.constant 0.000000e+00 : f32
    %neg3A_149 = vector.broadcast %neg3A_148 : f32 to vector<1x50xf32>
    %neg3A_150 = arith.subf %neg3A_149, %slice3A_145 : vector<1x50xf32>
    %exp3A_151 = math.exp %neg3A_150 : vector<1x50xf32>
    %add3A_152 = arith.constant 1.000000e+00 : f32
    %add3A_153 = vector.broadcast %add3A_152 : f32 to vector<1x50xf32>
    %add3A_154 = arith.addf %add3A_153, %exp3A_151 : vector<1x50xf32>
    %div3A_155 = arith.constant 1.000000e+00 : f32
    %div3A_156 = vector.broadcast %div3A_155 : f32 to vector<1x50xf32>
    %div3A_157 = arith.divf %div3A_156, %add3A_154 : vector<1x50xf32>
    %neg3A_158 = arith.constant 0.000000e+00 : f32
    %neg3A_159 = vector.broadcast %neg3A_158 : f32 to vector<1x50xf32>
    %neg3A_160 = arith.subf %neg3A_159, %add3A_147 : vector<1x50xf32>
    %exp3A_161 = math.exp %neg3A_160 : vector<1x50xf32>
    %add3A_162 = arith.constant 1.000000e+00 : f32
    %add3A_163 = vector.broadcast %add3A_162 : f32 to vector<1x50xf32>
    %add3A_164 = arith.addf %add3A_163, %exp3A_161 : vector<1x50xf32>
    %div3A_165 = arith.constant 1.000000e+00 : f32
    %div3A_166 = vector.broadcast %div3A_165 : f32 to vector<1x50xf32>
    %div3A_167 = arith.divf %div3A_166, %add3A_164 : vector<1x50xf32>
    %div3A_168 = arith.divf %div3A_157, %div3A_167 : vector<1x50xf32>
    %get3A_169 = arith.constant 4 : index
    %get3A_170 = arith.constant 0 : index
    %get3A_171 = vector.load %arg3[%get3A_169, %get3A_170] : memref<10x50xf32, #tpu.memory_space<vmem>>, vector<1x50xf32>
    %neg3A_172 = arith.constant 0.000000e+00 : f32
    %neg3A_173 = vector.broadcast %neg3A_172 : f32 to vector<1x50xf32>
    %neg3A_174 = arith.subf %neg3A_173, %get3A_171 : vector<1x50xf32>
    %exp3A_175 = math.exp %neg3A_174 : vector<1x50xf32>
    %add3A_176 = arith.constant 1.000000e+00 : f32
    %add3A_177 = vector.broadcast %add3A_176 : f32 to vector<1x50xf32>
    %add3A_178 = arith.addf %add3A_177, %exp3A_175 : vector<1x50xf32>
    %div3A_179 = arith.constant 1.000000e+00 : f32
    %div3A_180 = vector.broadcast %div3A_179 : f32 to vector<1x50xf32>
    %div3A_181 = arith.divf %div3A_180, %add3A_178 : vector<1x50xf32>
    %sub3A_182 = arith.subf %div3A_181, %div3A_168 : vector<1x50xf32>
    %mul3A_183 = arith.mulf %sub3A_182, %sub3A_182 : vector<1x50xf32>
    %reduce_sum3A_184 = vector.shape_cast %mul3A_183 : vector<1x50xf32> to vector<1x1x50xf32>
    %reduce_sum3A_185 = arith.constant dense<0.000000e+00> : vector<1xf32>
    %reduce_sum3A_186 = vector.multi_reduction <add>, %reduce_sum3A_184, %reduce_sum3A_185 [1, 2] : vector<1x1x50xf32> to vector<1xf32>
    %reduce_sum3A_187 = vector.shape_cast %reduce_sum3A_186 : vector<1xf32> to vector<1x1x1xf32>
    %reduce_sum3A_188 = vector.extract %reduce_sum3A_187[0, 0, 0] : f32 from vector<1x1x1xf32>
    %mul3A_189 = arith.constant 2.000000e-02 : f32
    %mul3A_190 = arith.mulf %reduce_sum3A_188, %mul3A_189 : f32
    %add3A_191 = arith.addf %add3A_144, %mul3A_190 : f32
    %slice3A_192 = vector.extract_strided_slice %add3A {offsets = [0, 960], sizes = [1, 50], strides = [1, 1]} : vector<1x1296xf32> to vector<1x50xf32>
    %slice3A_193 = vector.extract_strided_slice %add3A {offsets = [0, 320], sizes = [1, 50], strides = [1, 1]} : vector<1x1296xf32> to vector<1x50xf32>
    %add3A_194 = arith.addf %slice3A_192, %slice3A_193 : vector<1x50xf32>
    %neg3A_195 = arith.constant 0.000000e+00 : f32
    %neg3A_196 = vector.broadcast %neg3A_195 : f32 to vector<1x50xf32>
    %neg3A_197 = arith.subf %neg3A_196, %slice3A_192 : vector<1x50xf32>
    %exp3A_198 = math.exp %neg3A_197 : vector<1x50xf32>
    %add3A_199 = arith.constant 1.000000e+00 : f32
    %add3A_200 = vector.broadcast %add3A_199 : f32 to vector<1x50xf32>
    %add3A_201 = arith.addf %add3A_200, %exp3A_198 : vector<1x50xf32>
    %div3A_202 = arith.constant 1.000000e+00 : f32
    %div3A_203 = vector.broadcast %div3A_202 : f32 to vector<1x50xf32>
    %div3A_204 = arith.divf %div3A_203, %add3A_201 : vector<1x50xf32>
    %neg3A_205 = arith.constant 0.000000e+00 : f32
    %neg3A_206 = vector.broadcast %neg3A_205 : f32 to vector<1x50xf32>
    %neg3A_207 = arith.subf %neg3A_206, %add3A_194 : vector<1x50xf32>
    %exp3A_208 = math.exp %neg3A_207 : vector<1x50xf32>
    %add3A_209 = arith.constant 1.000000e+00 : f32
    %add3A_210 = vector.broadcast %add3A_209 : f32 to vector<1x50xf32>
    %add3A_211 = arith.addf %add3A_210, %exp3A_208 : vector<1x50xf32>
    %div3A_212 = arith.constant 1.000000e+00 : f32
    %div3A_213 = vector.broadcast %div3A_212 : f32 to vector<1x50xf32>
    %div3A_214 = arith.divf %div3A_213, %add3A_211 : vector<1x50xf32>
    %div3A_215 = arith.divf %div3A_204, %div3A_214 : vector<1x50xf32>
    %get3A_216 = arith.constant 5 : index
    %get3A_217 = arith.constant 0 : index
    %get3A_218 = vector.load %arg3[%get3A_216, %get3A_217] : memref<10x50xf32, #tpu.memory_space<vmem>>, vector<1x50xf32>
    %neg3A_219 = arith.constant 0.000000e+00 : f32
    %neg3A_220 = vector.broadcast %neg3A_219 : f32 to vector<1x50xf32>
    %neg3A_221 = arith.subf %neg3A_220, %get3A_218 : vector<1x50xf32>
    %exp3A_222 = math.exp %neg3A_221 : vector<1x50xf32>
    %add3A_223 = arith.constant 1.000000e+00 : f32
    %add3A_224 = vector.broadcast %add3A_223 : f32 to vector<1x50xf32>
    %add3A_225 = arith.addf %add3A_224, %exp3A_222 : vector<1x50xf32>
    %div3A_226 = arith.constant 1.000000e+00 : f32
    %div3A_227 = vector.broadcast %div3A_226 : f32 to vector<1x50xf32>
    %div3A_228 = arith.divf %div3A_227, %add3A_225 : vector<1x50xf32>
    %sub3A_229 = arith.subf %div3A_228, %div3A_215 : vector<1x50xf32>
    %mul3A_230 = arith.mulf %sub3A_229, %sub3A_229 : vector<1x50xf32>
    %reduce_sum3A_231 = vector.shape_cast %mul3A_230 : vector<1x50xf32> to vector<1x1x50xf32>
    %reduce_sum3A_232 = arith.constant dense<0.000000e+00> : vector<1xf32>
    %reduce_sum3A_233 = vector.multi_reduction <add>, %reduce_sum3A_231, %reduce_sum3A_232 [1, 2] : vector<1x1x50xf32> to vector<1xf32>
    %reduce_sum3A_234 = vector.shape_cast %reduce_sum3A_233 : vector<1xf32> to vector<1x1x1xf32>
    %reduce_sum3A_235 = vector.extract %reduce_sum3A_234[0, 0, 0] : f32 from vector<1x1x1xf32>
    %mul3A_236 = arith.constant 2.000000e-02 : f32
    %mul3A_237 = arith.mulf %reduce_sum3A_235, %mul3A_236 : f32
    %add3A_238 = arith.addf %add3A_191, %mul3A_237 : f32
    %slice3A_239 = vector.extract_strided_slice %add3A {offsets = [0, 1024], sizes = [1, 50], strides = [1, 1]} : vector<1x1296xf32> to vector<1x50xf32>
    %slice3A_240 = vector.extract_strided_slice %add3A {offsets = [0, 384], sizes = [1, 50], strides = [1, 1]} : vector<1x1296xf32> to vector<1x50xf32>
    %add3A_241 = arith.addf %slice3A_239, %slice3A_240 : vector<1x50xf32>
    %neg3A_242 = arith.constant 0.000000e+00 : f32
    %neg3A_243 = vector.broadcast %neg3A_242 : f32 to vector<1x50xf32>
    %neg3A_244 = arith.subf %neg3A_243, %slice3A_239 : vector<1x50xf32>
    %exp3A_245 = math.exp %neg3A_244 : vector<1x50xf32>
    %add3A_246 = arith.constant 1.000000e+00 : f32
    %add3A_247 = vector.broadcast %add3A_246 : f32 to vector<1x50xf32>
    %add3A_248 = arith.addf %add3A_247, %exp3A_245 : vector<1x50xf32>
    %div3A_249 = arith.constant 1.000000e+00 : f32
    %div3A_250 = vector.broadcast %div3A_249 : f32 to vector<1x50xf32>
    %div3A_251 = arith.divf %div3A_250, %add3A_248 : vector<1x50xf32>
    %neg3A_252 = arith.constant 0.000000e+00 : f32
    %neg3A_253 = vector.broadcast %neg3A_252 : f32 to vector<1x50xf32>
    %neg3A_254 = arith.subf %neg3A_253, %add3A_241 : vector<1x50xf32>
    %exp3A_255 = math.exp %neg3A_254 : vector<1x50xf32>
    %add3A_256 = arith.constant 1.000000e+00 : f32
    %add3A_257 = vector.broadcast %add3A_256 : f32 to vector<1x50xf32>
    %add3A_258 = arith.addf %add3A_257, %exp3A_255 : vector<1x50xf32>
    %div3A_259 = arith.constant 1.000000e+00 : f32
    %div3A_260 = vector.broadcast %div3A_259 : f32 to vector<1x50xf32>
    %div3A_261 = arith.divf %div3A_260, %add3A_258 : vector<1x50xf32>
    %div3A_262 = arith.divf %div3A_251, %div3A_261 : vector<1x50xf32>
    %get3A_263 = arith.constant 6 : index
    %get3A_264 = arith.constant 0 : index
    %get3A_265 = vector.load %arg3[%get3A_263, %get3A_264] : memref<10x50xf32, #tpu.memory_space<vmem>>, vector<1x50xf32>
    %neg3A_266 = arith.constant 0.000000e+00 : f32
    %neg3A_267 = vector.broadcast %neg3A_266 : f32 to vector<1x50xf32>
    %neg3A_268 = arith.subf %neg3A_267, %get3A_265 : vector<1x50xf32>
    %exp3A_269 = math.exp %neg3A_268 : vector<1x50xf32>
    %add3A_270 = arith.constant 1.000000e+00 : f32
    %add3A_271 = vector.broadcast %add3A_270 : f32 to vector<1x50xf32>
    %add3A_272 = arith.addf %add3A_271, %exp3A_269 : vector<1x50xf32>
    %div3A_273 = arith.constant 1.000000e+00 : f32
    %div3A_274 = vector.broadcast %div3A_273 : f32 to vector<1x50xf32>
    %div3A_275 = arith.divf %div3A_274, %add3A_272 : vector<1x50xf32>
    %sub3A_276 = arith.subf %div3A_275, %div3A_262 : vector<1x50xf32>
    %mul3A_277 = arith.mulf %sub3A_276, %sub3A_276 : vector<1x50xf32>
    %reduce_sum3A_278 = vector.shape_cast %mul3A_277 : vector<1x50xf32> to vector<1x1x50xf32>
    %reduce_sum3A_279 = arith.constant dense<0.000000e+00> : vector<1xf32>
    %reduce_sum3A_280 = vector.multi_reduction <add>, %reduce_sum3A_278, %reduce_sum3A_279 [1, 2] : vector<1x1x50xf32> to vector<1xf32>
    %reduce_sum3A_281 = vector.shape_cast %reduce_sum3A_280 : vector<1xf32> to vector<1x1x1xf32>
    %reduce_sum3A_282 = vector.extract %reduce_sum3A_281[0, 0, 0] : f32 from vector<1x1x1xf32>
    %mul3A_283 = arith.constant 2.000000e-02 : f32
    %mul3A_284 = arith.mulf %reduce_sum3A_282, %mul3A_283 : f32
    %add3A_285 = arith.addf %add3A_238, %mul3A_284 : f32
    %slice3A_286 = vector.extract_strided_slice %add3A {offsets = [0, 1088], sizes = [1, 50], strides = [1, 1]} : vector<1x1296xf32> to vector<1x50xf32>
    %slice3A_287 = vector.extract_strided_slice %add3A {offsets = [0, 448], sizes = [1, 50], strides = [1, 1]} : vector<1x1296xf32> to vector<1x50xf32>
    %add3A_288 = arith.addf %slice3A_286, %slice3A_287 : vector<1x50xf32>
    %neg3A_289 = arith.constant 0.000000e+00 : f32
    %neg3A_290 = vector.broadcast %neg3A_289 : f32 to vector<1x50xf32>
    %neg3A_291 = arith.subf %neg3A_290, %slice3A_286 : vector<1x50xf32>
    %exp3A_292 = math.exp %neg3A_291 : vector<1x50xf32>
    %add3A_293 = arith.constant 1.000000e+00 : f32
    %add3A_294 = vector.broadcast %add3A_293 : f32 to vector<1x50xf32>
    %add3A_295 = arith.addf %add3A_294, %exp3A_292 : vector<1x50xf32>
    %div3A_296 = arith.constant 1.000000e+00 : f32
    %div3A_297 = vector.broadcast %div3A_296 : f32 to vector<1x50xf32>
    %div3A_298 = arith.divf %div3A_297, %add3A_295 : vector<1x50xf32>
    %neg3A_299 = arith.constant 0.000000e+00 : f32
    %neg3A_300 = vector.broadcast %neg3A_299 : f32 to vector<1x50xf32>
    %neg3A_301 = arith.subf %neg3A_300, %add3A_288 : vector<1x50xf32>
    %exp3A_302 = math.exp %neg3A_301 : vector<1x50xf32>
    %add3A_303 = arith.constant 1.000000e+00 : f32
    %add3A_304 = vector.broadcast %add3A_303 : f32 to vector<1x50xf32>
    %add3A_305 = arith.addf %add3A_304, %exp3A_302 : vector<1x50xf32>
    %div3A_306 = arith.constant 1.000000e+00 : f32
    %div3A_307 = vector.broadcast %div3A_306 : f32 to vector<1x50xf32>
    %div3A_308 = arith.divf %div3A_307, %add3A_305 : vector<1x50xf32>
    %div3A_309 = arith.divf %div3A_298, %div3A_308 : vector<1x50xf32>
    %get3A_310 = arith.constant 7 : index
    %get3A_311 = arith.constant 0 : index
    %get3A_312 = vector.load %arg3[%get3A_310, %get3A_311] : memref<10x50xf32, #tpu.memory_space<vmem>>, vector<1x50xf32>
    %neg3A_313 = arith.constant 0.000000e+00 : f32
    %neg3A_314 = vector.broadcast %neg3A_313 : f32 to vector<1x50xf32>
    %neg3A_315 = arith.subf %neg3A_314, %get3A_312 : vector<1x50xf32>
    %exp3A_316 = math.exp %neg3A_315 : vector<1x50xf32>
    %add3A_317 = arith.constant 1.000000e+00 : f32
    %add3A_318 = vector.broadcast %add3A_317 : f32 to vector<1x50xf32>
    %add3A_319 = arith.addf %add3A_318, %exp3A_316 : vector<1x50xf32>
    %div3A_320 = arith.constant 1.000000e+00 : f32
    %div3A_321 = vector.broadcast %div3A_320 : f32 to vector<1x50xf32>
    %div3A_322 = arith.divf %div3A_321, %add3A_319 : vector<1x50xf32>
    %sub3A_323 = arith.subf %div3A_322, %div3A_309 : vector<1x50xf32>
    %mul3A_324 = arith.mulf %sub3A_323, %sub3A_323 : vector<1x50xf32>
    %reduce_sum3A_325 = vector.shape_cast %mul3A_324 : vector<1x50xf32> to vector<1x1x50xf32>
    %reduce_sum3A_326 = arith.constant dense<0.000000e+00> : vector<1xf32>
    %reduce_sum3A_327 = vector.multi_reduction <add>, %reduce_sum3A_325, %reduce_sum3A_326 [1, 2] : vector<1x1x50xf32> to vector<1xf32>
    %reduce_sum3A_328 = vector.shape_cast %reduce_sum3A_327 : vector<1xf32> to vector<1x1x1xf32>
    %reduce_sum3A_329 = vector.extract %reduce_sum3A_328[0, 0, 0] : f32 from vector<1x1x1xf32>
    %mul3A_330 = arith.constant 2.000000e-02 : f32
    %mul3A_331 = arith.mulf %reduce_sum3A_329, %mul3A_330 : f32
    %add3A_332 = arith.addf %add3A_285, %mul3A_331 : f32
    %slice3A_333 = vector.extract_strided_slice %add3A {offsets = [0, 1152], sizes = [1, 50], strides = [1, 1]} : vector<1x1296xf32> to vector<1x50xf32>
    %slice3A_334 = vector.extract_strided_slice %add3A {offsets = [0, 512], sizes = [1, 50], strides = [1, 1]} : vector<1x1296xf32> to vector<1x50xf32>
    %add3A_335 = arith.addf %slice3A_333, %slice3A_334 : vector<1x50xf32>
    %neg3A_336 = arith.constant 0.000000e+00 : f32
    %neg3A_337 = vector.broadcast %neg3A_336 : f32 to vector<1x50xf32>
    %neg3A_338 = arith.subf %neg3A_337, %slice3A_333 : vector<1x50xf32>
    %exp3A_339 = math.exp %neg3A_338 : vector<1x50xf32>
    %add3A_340 = arith.constant 1.000000e+00 : f32
    %add3A_341 = vector.broadcast %add3A_340 : f32 to vector<1x50xf32>
    %add3A_342 = arith.addf %add3A_341, %exp3A_339 : vector<1x50xf32>
    %div3A_343 = arith.constant 1.000000e+00 : f32
    %div3A_344 = vector.broadcast %div3A_343 : f32 to vector<1x50xf32>
    %div3A_345 = arith.divf %div3A_344, %add3A_342 : vector<1x50xf32>
    %neg3A_346 = arith.constant 0.000000e+00 : f32
    %neg3A_347 = vector.broadcast %neg3A_346 : f32 to vector<1x50xf32>
    %neg3A_348 = arith.subf %neg3A_347, %add3A_335 : vector<1x50xf32>
    %exp3A_349 = math.exp %neg3A_348 : vector<1x50xf32>
    %add3A_350 = arith.constant 1.000000e+00 : f32
    %add3A_351 = vector.broadcast %add3A_350 : f32 to vector<1x50xf32>
    %add3A_352 = arith.addf %add3A_351, %exp3A_349 : vector<1x50xf32>
    %div3A_353 = arith.constant 1.000000e+00 : f32
    %div3A_354 = vector.broadcast %div3A_353 : f32 to vector<1x50xf32>
    %div3A_355 = arith.divf %div3A_354, %add3A_352 : vector<1x50xf32>
    %div3A_356 = arith.divf %div3A_345, %div3A_355 : vector<1x50xf32>
    %get3A_357 = arith.constant 8 : index
    %get3A_358 = arith.constant 0 : index
    %get3A_359 = vector.load %arg3[%get3A_357, %get3A_358] : memref<10x50xf32, #tpu.memory_space<vmem>>, vector<1x50xf32>
    %neg3A_360 = arith.constant 0.000000e+00 : f32
    %neg3A_361 = vector.broadcast %neg3A_360 : f32 to vector<1x50xf32>
    %neg3A_362 = arith.subf %neg3A_361, %get3A_359 : vector<1x50xf32>
    %exp3A_363 = math.exp %neg3A_362 : vector<1x50xf32>
    %add3A_364 = arith.constant 1.000000e+00 : f32
    %add3A_365 = vector.broadcast %add3A_364 : f32 to vector<1x50xf32>
    %add3A_366 = arith.addf %add3A_365, %exp3A_363 : vector<1x50xf32>
    %div3A_367 = arith.constant 1.000000e+00 : f32
    %div3A_368 = vector.broadcast %div3A_367 : f32 to vector<1x50xf32>
    %div3A_369 = arith.divf %div3A_368, %add3A_366 : vector<1x50xf32>
    %sub3A_370 = arith.subf %div3A_369, %div3A_356 : vector<1x50xf32>
    %mul3A_371 = arith.mulf %sub3A_370, %sub3A_370 : vector<1x50xf32>
    %reduce_sum3A_372 = vector.shape_cast %mul3A_371 : vector<1x50xf32> to vector<1x1x50xf32>
    %reduce_sum3A_373 = arith.constant dense<0.000000e+00> : vector<1xf32>
    %reduce_sum3A_374 = vector.multi_reduction <add>, %reduce_sum3A_372, %reduce_sum3A_373 [1, 2] : vector<1x1x50xf32> to vector<1xf32>
    %reduce_sum3A_375 = vector.shape_cast %reduce_sum3A_374 : vector<1xf32> to vector<1x1x1xf32>
    %reduce_sum3A_376 = vector.extract %reduce_sum3A_375[0, 0, 0] : f32 from vector<1x1x1xf32>
    %mul3A_377 = arith.constant 2.000000e-02 : f32
    %mul3A_378 = arith.mulf %reduce_sum3A_376, %mul3A_377 : f32
    %add3A_379 = arith.addf %add3A_332, %mul3A_378 : f32
    %get3A_380 = arith.constant 0 : index
    %get3A_381 = arith.constant 0 : index
    %get3A_382 = vector.load %arg4[%get3A_380, %get3A_381] : memref<1x1xf32, #tpu.memory_space<vmem>>, vector<1x1xf32>
    %get3A_383 = arith.constant 0 : index
    %get3A_384 = arith.constant 0 : index
    %get3A_385 = vector.load %arg5[%get3A_383, %get3A_384] : memref<1x1xf32, #tpu.memory_space<vmem>>, vector<1x1xf32>
    %add3A_386 = arith.addf %get3A_382, %get3A_385 : vector<1x1xf32>
    %mul3A_387 = arith.constant 1.000000e-07 : f32
    %mul3A_388 = vector.broadcast %mul3A_387 : f32 to vector<1x1xf32>
    %mul3A_389 = arith.mulf %add3A_386, %mul3A_388 : vector<1x1xf32>
    %add3A_390 = vector.broadcast %add3A_379 : f32 to vector<1x1xf32>
    %add3A_391 = arith.addf %mul3A_389, %add3A_390 : vector<1x1xf32>
    %swap3A = arith.constant 0 : index
    %swap3A_392 = arith.constant 0 : index
    %swap3A_393 = vector.load %arg6[%swap3A, %swap3A_392] : memref<1x1xf32, #tpu.memory_space<vmem>>, vector<1x1xf32>
    tpu.vector_store %arg6[%swap3A, %swap3A_392], %add3A_391 {strides = array<i32>} : memref<1x1xf32, #tpu.memory_space<vmem>>, vector<1x1xf32>,
    return
  }
  func.func @transform_0(%arg0: i32) -> (i32, i32) {
    %c0_i32 = arith.constant 0 : i32
    %c0_i32_0 = arith.constant 0 : i32
    %c0_i32_1 = arith.constant 0 : i32
    return %c0_i32, %c0_i32_0 : i32, i32
  }
  func.func @transform_1(%arg0: i32) -> (i32, i32) {
    %c0_i32 = arith.constant 0 : i32
    %c0_i32_0 = arith.constant 0 : i32
    %c0_i32_1 = arith.constant 0 : i32
    return %c0_i32, %c0_i32_0 : i32, i32
  }
  func.func @transform_2(%arg0: i32) -> (i32, i32) {
    %c0_i32 = arith.constant 0 : i32
    %c0_i32_0 = arith.constant 0 : i32
    %c0_i32_1 = arith.constant 0 : i32
    return %c0_i32, %c0_i32_0 : i32, i32
  }
  func.func @transform_3(%arg0: i32) -> (i32, i32) {
    %c0_i32 = arith.constant 0 : i32
    %c0_i32_0 = arith.constant 0 : i32
    %c0_i32_1 = arith.constant 0 : i32
    return %c0_i32, %c0_i32_0 : i32, i32
  }
  func.func @transform_4(%arg0: i32) -> (i32, i32) {
    %c0_i32 = arith.constant 0 : i32
    %c0_i32_0 = arith.constant 0 : i32
    %c0_i32_1 = arith.constant 0 : i32
    return %c0_i32, %c0_i32_0 : i32, i32
  }
  func.func @transform_5(%arg0: i32) -> (i32, i32) {
    %c0_i32 = arith.constant 0 : i32
    %c0_i32_0 = arith.constant 0 : i32
    %c0_i32_1 = arith.constant 0 : i32
    return %c0_i32, %c0_i32_0 : i32, i32
  }
}

module attributes {stable_mosaic.version = 14 : i64} {
  func.func @_stage_a_body(%arg0: i32, %arg1: memref<10x64000xf32, #tpu.memory_space<vmem>>, %arg2: memref<1x64000xf32, #tpu.memory_space<vmem>>, %arg3: memref<8x64000xi32, #tpu.memory_space<vmem>>, %arg4: memref<1x1xf32, #tpu.memory_space<vmem>>) attributes {dimension_semantics = [#tpu.dimension_semantics<arbitrary>], iteration_bounds = array<i64: 8>, scalar_prefetch = 0 : i64, scratch_operands = 0 : i64, tpu.core_type = #tpu.core_type<tc>, window_params = [{transform_indices = @transform_0, window_bounds = array<i64: 10, 64000>}, {transform_indices = @transform_1, window_bounds = array<i64: 1, 64000>}, {transform_indices = @transform_2, window_bounds = array<i64: 8, 64000>}, {pipeline_mode = #tpu.pipeline_mode<synchronous>, transform_indices = @transform_3, window_bounds = array<i64: 1, 1>}]} {
    %add3A = arith.constant 8 : i32
    %add3A_0 = arith.addi %arg0, %add3A : i32
    %get3A = arith.constant 0 : index
    %get3A_1 = arith.constant 0 : index
    %get3A_2 = vector.load %arg1[%get3A, %get3A_1] : memref<10x64000xf32, #tpu.memory_space<vmem>>, vector<10x64000xf32>
    %get3A_3 = arith.constant 0 : index
    %get3A_4 = arith.constant 0 : index
    %get3A_5 = vector.load %arg2[%get3A_3, %get3A_4] : memref<1x64000xf32, #tpu.memory_space<vmem>>, vector<1x64000xf32>
    %exp3A = math.exp %get3A_2 : vector<10x64000xf32>
    %reduce_sum3A = arith.constant dense<0.000000e+00> : vector<64000xf32>
    %reduce_sum3A_6 = vector.multi_reduction <add>, %exp3A, %reduce_sum3A [0] : vector<10x64000xf32> to vector<64000xf32>
    %broadcast_in_dim3A = vector.shape_cast %reduce_sum3A_6 : vector<64000xf32> to vector<1x64000xf32>
    %div3A = arith.constant 1.000000e+00 : f32
    %div3A_7 = vector.broadcast %div3A : f32 to vector<1x64000xf32>
    %div3A_8 = arith.divf %div3A_7, %broadcast_in_dim3A : vector<1x64000xf32>
    %mul3A = vector.broadcast %div3A_8 : vector<1x64000xf32> to vector<10x64000xf32>
    %mul3A_9 = arith.mulf %exp3A, %mul3A : vector<10x64000xf32>
    %slice3A = vector.extract_strided_slice %mul3A_9 {offsets = [1, 0], sizes = [8, 64000], strides = [1, 1]} : vector<10x64000xf32> to vector<8x64000xf32>
    %mul3A_10 = arith.constant 8.000000e+02 : f32
    %mul3A_11 = vector.broadcast %mul3A_10 : f32 to vector<8x64000xf32>
    %mul3A_12 = arith.mulf %slice3A, %mul3A_11 : vector<8x64000xf32>
    %convert_element_type3A = arith.fptosi %mul3A_12 : vector<8x64000xf32> to vector<8x64000xi32>
    %and3A = arith.constant -16 : i32
    %and3A_13 = vector.broadcast %and3A : i32 to vector<8x64000xi32>
    %and3A_14 = arith.andi %convert_element_type3A, %and3A_13 : vector<8x64000xi32>
    %iota3A = tpu.iota {dimensions = array<i32: 0>} : vector<8x1xi32>
    %add3A_15 = arith.constant 1 : i32
    %add3A_16 = vector.broadcast %add3A_15 : i32 to vector<8x1xi32>
    %add3A_17 = arith.addi %iota3A, %add3A_16 : vector<8x1xi32>
    %convert_element_type3A_18 = arith.sitofp %add3A_17 : vector<8x1xi32> to vector<8x1xf32>
    %eq3A = vector.broadcast %get3A_5 : vector<1x64000xf32> to vector<8x64000xf32>
    %eq3A_19 = vector.broadcast %convert_element_type3A_18 : vector<8x1xf32> to vector<8x64000xf32>
    %eq3A_20 = arith.cmpf oeq, %eq3A, %eq3A_19 : vector<8x64000xf32>
    %mul3A_21 = arith.constant 1024 : i32
    %mul3A_22 = vector.broadcast %mul3A_21 : i32 to vector<8x1xi32>
    %mul3A_23 = arith.muli %add3A_17, %mul3A_22 : vector<8x1xi32>
    %add3A_24 = arith.constant 10240 : i32
    %add3A_25 = vector.broadcast %add3A_24 : i32 to vector<8x1xi32>
    %add3A_26 = arith.addi %mul3A_23, %add3A_25 : vector<8x1xi32>
    %mul3A_27 = arith.constant 1024 : i32
    %mul3A_28 = vector.broadcast %mul3A_27 : i32 to vector<8x1xi32>
    %mul3A_29 = arith.muli %add3A_17, %mul3A_28 : vector<8x1xi32>
    %broadcast_in_dim3A_30 = vector.shape_cast %add3A_26 : vector<8x1xi32> to vector<8x1xi32>
    %broadcast_in_dim3A_31 = vector.broadcast %broadcast_in_dim3A_30 : vector<8x1xi32> to vector<8x64000xi32>
    %broadcast_in_dim3A_32 = vector.shape_cast %mul3A_29 : vector<8x1xi32> to vector<8x1xi32>
    %broadcast_in_dim3A_33 = vector.broadcast %broadcast_in_dim3A_32 : vector<8x1xi32> to vector<8x64000xi32>
    %select_n3A = arith.select %eq3A_20, %broadcast_in_dim3A_31, %broadcast_in_dim3A_33 : vector<8x64000xi1>, vector<8x64000xi32>
    %add3A_34 = arith.addi %and3A_14, %select_n3A : vector<8x64000xi32>
    %eq3A_35 = arith.constant 0 : i32
    %eq3A_36 = arith.cmpi eq, %arg0, %eq3A_35 : i32
    %convert_element_type3A_37 = arith.extui %eq3A_36 : i1 to i32
    %cond3A = arith.constant 0 : i32
    %cond3A_38 = arith.cmpi ne, %convert_element_type3A_37, %cond3A : i32
    scf.if %cond3A_38 {
      %broadcast_in_dim3A_47 = arith.constant 0.000000e+00 : f32
      %broadcast_in_dim3A_48 = vector.broadcast %broadcast_in_dim3A_47 : f32 to vector<1x1xf32>
      %swap3A = arith.constant 0 : index
      %swap3A_49 = arith.constant 0 : index
      %swap3A_50 = vector.load %arg4[%swap3A, %swap3A_49] : memref<1x1xf32, #tpu.memory_space<vmem>>, vector<1x1xf32>
      tpu.vector_store %arg4[%swap3A, %swap3A_49], %broadcast_in_dim3A_48 {strides = array<i32>} : memref<1x1xf32, #tpu.memory_space<vmem>>, vector<1x1xf32>,
    } else {
    }
    %lt3A = arith.constant 15 : i32
    %lt3A_39 = arith.cmpi slt, %add3A_0, %lt3A : i32
    %convert_element_type3A_40 = arith.extui %lt3A_39 : i1 to i32
    %cond3A_41 = arith.constant 0 : i32
    %cond3A_42 = arith.cmpi ne, %convert_element_type3A_40, %cond3A_41 : i32
    scf.if %cond3A_42 {
      %swap3A = arith.constant 0 : index
      %swap3A_47 = arith.constant 0 : index
      %swap3A_48 = vector.load %arg3[%swap3A, %swap3A_47] : memref<8x64000xi32, #tpu.memory_space<vmem>>, vector<8x64000xi32>
      tpu.vector_store %arg3[%swap3A, %swap3A_47], %add3A_34 {strides = array<i32>} : memref<8x64000xi32, #tpu.memory_space<vmem>>, vector<8x64000xi32>,
      %sub3A = vector.broadcast %get3A_5 : vector<1x64000xf32> to vector<10x64000xf32>
      %sub3A_49 = arith.subf %get3A_2, %sub3A : vector<10x64000xf32>
      %get3A_50 = arith.constant 0 : index
      %get3A_51 = arith.constant 0 : index
      %get3A_52 = vector.load %arg4[%get3A_50, %get3A_51] : memref<1x1xf32, #tpu.memory_space<vmem>>, vector<1x1xf32>
      %mul3A_53 = arith.mulf %sub3A_49, %sub3A_49 : vector<10x64000xf32>
      %reduce_sum3A_54 = vector.shape_cast %mul3A_53 : vector<10x64000xf32> to vector<1x10x64000xf32>
      %reduce_sum3A_55 = arith.constant dense<0.000000e+00> : vector<1xf32>
      %reduce_sum3A_56 = vector.multi_reduction <add>, %reduce_sum3A_54, %reduce_sum3A_55 [1, 2] : vector<1x10x64000xf32> to vector<1xf32>
      %reduce_sum3A_57 = vector.shape_cast %reduce_sum3A_56 : vector<1xf32> to vector<1x1x1xf32>
      %reduce_sum3A_58 = vector.extract %reduce_sum3A_57[0, 0, 0] : f32 from vector<1x1x1xf32>
      %reshape3A = vector.broadcast %reduce_sum3A_58 : f32 to vector<1x1xf32>
      %add3A_59 = arith.addf %get3A_52, %reshape3A : vector<1x1xf32>
      %swap3A_60 = arith.constant 0 : index
      %swap3A_61 = arith.constant 0 : index
      %swap3A_62 = vector.load %arg4[%swap3A_60, %swap3A_61] : memref<1x1xf32, #tpu.memory_space<vmem>>, vector<1x1xf32>
      tpu.vector_store %arg4[%swap3A_60, %swap3A_61], %add3A_59 {strides = array<i32>} : memref<1x1xf32, #tpu.memory_space<vmem>>, vector<1x1xf32>,
    } else {
    }
    %ge3A = arith.constant 15 : i32
    %ge3A_43 = arith.cmpi sge, %add3A_0, %ge3A : i32
    %convert_element_type3A_44 = arith.extui %ge3A_43 : i1 to i32
    %cond3A_45 = arith.constant 0 : i32
    %cond3A_46 = arith.cmpi ne, %convert_element_type3A_44, %cond3A_45 : i32
    scf.if %cond3A_46 {
      %iota3A_47 = tpu.iota {dimensions = array<i32: 1>} : vector<1x64000xi32>
      %mul3A_48 = arith.constant 64000 : i32
      %mul3A_49 = arith.muli %add3A_0, %mul3A_48 : i32
      %add3A_50 = vector.broadcast %mul3A_49 : i32 to vector<1x64000xi32>
      %add3A_51 = arith.addi %iota3A_47, %add3A_50 : vector<1x64000xi32>
      %lt3A_52 = arith.constant 1000000 : i32
      %lt3A_53 = vector.broadcast %lt3A_52 : i32 to vector<1x64000xi32>
      %lt3A_54 = arith.cmpi slt, %add3A_51, %lt3A_53 : vector<1x64000xi32>
      %jit3A = arith.constant 20480 : i32
      %broadcast_in_dim3A_55 = vector.shape_cast %lt3A_54 : vector<1x64000xi1> to vector<1x64000xi1>
      %broadcast_in_dim3A_56 = vector.broadcast %broadcast_in_dim3A_55 : vector<1x64000xi1> to vector<8x64000xi1>
      %broadcast_in_dim3A_57 = vector.broadcast %jit3A : i32 to vector<8x64000xi32>
      %select_n3A_58 = arith.select %broadcast_in_dim3A_56, %add3A_34, %broadcast_in_dim3A_57 : vector<8x64000xi1>, vector<8x64000xi32>
      %swap3A = arith.constant 0 : index
      %swap3A_59 = arith.constant 0 : index
      %swap3A_60 = vector.load %arg3[%swap3A, %swap3A_59] : memref<8x64000xi32, #tpu.memory_space<vmem>>, vector<8x64000xi32>
      tpu.vector_store %arg3[%swap3A, %swap3A_59], %select_n3A_58 {strides = array<i32>} : memref<8x64000xi32, #tpu.memory_space<vmem>>, vector<8x64000xi32>,
      %sub3A = vector.broadcast %get3A_5 : vector<1x64000xf32> to vector<10x64000xf32>
      %sub3A_61 = arith.subf %get3A_2, %sub3A : vector<10x64000xf32>
      %jit3A_62 = arith.constant 0.000000e+00 : f32
      %broadcast_in_dim3A_63 = vector.shape_cast %lt3A_54 : vector<1x64000xi1> to vector<1x64000xi1>
      %broadcast_in_dim3A_64 = vector.broadcast %broadcast_in_dim3A_63 : vector<1x64000xi1> to vector<10x64000xi1>
      %broadcast_in_dim3A_65 = vector.broadcast %jit3A_62 : f32 to vector<10x64000xf32>
      %select_n3A_66 = arith.select %broadcast_in_dim3A_64, %sub3A_61, %broadcast_in_dim3A_65 : vector<10x64000xi1>, vector<10x64000xf32>
      %get3A_67 = arith.constant 0 : index
      %get3A_68 = arith.constant 0 : index
      %get3A_69 = vector.load %arg4[%get3A_67, %get3A_68] : memref<1x1xf32, #tpu.memory_space<vmem>>, vector<1x1xf32>
      %mul3A_70 = arith.mulf %select_n3A_66, %select_n3A_66 : vector<10x64000xf32>
      %reduce_sum3A_71 = vector.shape_cast %mul3A_70 : vector<10x64000xf32> to vector<1x10x64000xf32>
      %reduce_sum3A_72 = arith.constant dense<0.000000e+00> : vector<1xf32>
      %reduce_sum3A_73 = vector.multi_reduction <add>, %reduce_sum3A_71, %reduce_sum3A_72 [1, 2] : vector<1x10x64000xf32> to vector<1xf32>
      %reduce_sum3A_74 = vector.shape_cast %reduce_sum3A_73 : vector<1xf32> to vector<1x1x1xf32>
      %reduce_sum3A_75 = vector.extract %reduce_sum3A_74[0, 0, 0] : f32 from vector<1x1x1xf32>
      %reshape3A = vector.broadcast %reduce_sum3A_75 : f32 to vector<1x1xf32>
      %add3A_76 = arith.addf %get3A_69, %reshape3A : vector<1x1xf32>
      %swap3A_77 = arith.constant 0 : index
      %swap3A_78 = arith.constant 0 : index
      %swap3A_79 = vector.load %arg4[%swap3A_77, %swap3A_78] : memref<1x1xf32, #tpu.memory_space<vmem>>, vector<1x1xf32>
      tpu.vector_store %arg4[%swap3A_77, %swap3A_78], %add3A_76 {strides = array<i32>} : memref<1x1xf32, #tpu.memory_space<vmem>>, vector<1x1xf32>,
    } else {
    }
    return
  }
  func.func @transform_0(%arg0: i32) -> (i32, i32) {
    %add3A = arith.constant 8 : i32
    %add3A_0 = arith.addi %arg0, %add3A : i32
    %c0_i32 = arith.constant 0 : i32
    %c0_i32_1 = arith.constant 0 : i32
    return %c0_i32, %add3A_0 : i32, i32
  }
  func.func @transform_1(%arg0: i32) -> (i32, i32) {
    %add3A = arith.constant 8 : i32
    %add3A_0 = arith.addi %arg0, %add3A : i32
    %c0_i32 = arith.constant 0 : i32
    %c0_i32_1 = arith.constant 0 : i32
    return %c0_i32, %add3A_0 : i32, i32
  }
  func.func @transform_2(%arg0: i32) -> (i32, i32) {
    %c0_i32 = arith.constant 0 : i32
    %c0_i32_0 = arith.constant 0 : i32
    return %c0_i32, %arg0 : i32, i32
  }
  func.func @transform_3(%arg0: i32) -> (i32, i32) {
    %c0_i32 = arith.constant 0 : i32
    %c0_i32_0 = arith.constant 0 : i32
    %c0_i32_1 = arith.constant 0 : i32
    return %c0_i32, %c0_i32_0 : i32, i32
  }
}

module attributes {stable_mosaic.version = 14 : i64} {
  func.func @_stage_a_body(%arg0: i32, %arg1: memref<10x64000xf32, #tpu.memory_space<vmem>>, %arg2: memref<1x64000xf32, #tpu.memory_space<vmem>>, %arg3: memref<8x64000xi32, #tpu.memory_space<vmem>>, %arg4: memref<1x1xf32, #tpu.memory_space<vmem>>) attributes {dimension_semantics = [#tpu.dimension_semantics<arbitrary>], iteration_bounds = array<i64: 8>, scalar_prefetch = 0 : i64, scratch_operands = 0 : i64, tpu.core_type = #tpu.core_type<tc>, window_params = [{transform_indices = @transform_0, window_bounds = array<i64: 10, 64000>}, {transform_indices = @transform_1, window_bounds = array<i64: 1, 64000>}, {transform_indices = @transform_2, window_bounds = array<i64: 8, 64000>}, {pipeline_mode = #tpu.pipeline_mode<synchronous>, transform_indices = @transform_3, window_bounds = array<i64: 1, 1>}]} {
    %add3A = arith.constant 0 : i32
    %add3A_0 = arith.addi %arg0, %add3A : i32
    %get3A = arith.constant 0 : index
    %get3A_1 = arith.constant 0 : index
    %get3A_2 = vector.load %arg1[%get3A, %get3A_1] : memref<10x64000xf32, #tpu.memory_space<vmem>>, vector<10x64000xf32>
    %get3A_3 = arith.constant 0 : index
    %get3A_4 = arith.constant 0 : index
    %get3A_5 = vector.load %arg2[%get3A_3, %get3A_4] : memref<1x64000xf32, #tpu.memory_space<vmem>>, vector<1x64000xf32>
    %exp3A = math.exp %get3A_2 : vector<10x64000xf32>
    %reduce_sum3A = arith.constant dense<0.000000e+00> : vector<64000xf32>
    %reduce_sum3A_6 = vector.multi_reduction <add>, %exp3A, %reduce_sum3A [0] : vector<10x64000xf32> to vector<64000xf32>
    %broadcast_in_dim3A = vector.shape_cast %reduce_sum3A_6 : vector<64000xf32> to vector<1x64000xf32>
    %div3A = arith.constant 1.000000e+00 : f32
    %div3A_7 = vector.broadcast %div3A : f32 to vector<1x64000xf32>
    %div3A_8 = arith.divf %div3A_7, %broadcast_in_dim3A : vector<1x64000xf32>
    %mul3A = vector.broadcast %div3A_8 : vector<1x64000xf32> to vector<10x64000xf32>
    %mul3A_9 = arith.mulf %exp3A, %mul3A : vector<10x64000xf32>
    %slice3A = vector.extract_strided_slice %mul3A_9 {offsets = [1, 0], sizes = [8, 64000], strides = [1, 1]} : vector<10x64000xf32> to vector<8x64000xf32>
    %mul3A_10 = arith.constant 8.000000e+02 : f32
    %mul3A_11 = vector.broadcast %mul3A_10 : f32 to vector<8x64000xf32>
    %mul3A_12 = arith.mulf %slice3A, %mul3A_11 : vector<8x64000xf32>
    %convert_element_type3A = arith.fptosi %mul3A_12 : vector<8x64000xf32> to vector<8x64000xi32>
    %and3A = arith.constant -16 : i32
    %and3A_13 = vector.broadcast %and3A : i32 to vector<8x64000xi32>
    %and3A_14 = arith.andi %convert_element_type3A, %and3A_13 : vector<8x64000xi32>
    %iota3A = tpu.iota {dimensions = array<i32: 0>} : vector<8x1xi32>
    %add3A_15 = arith.constant 1 : i32
    %add3A_16 = vector.broadcast %add3A_15 : i32 to vector<8x1xi32>
    %add3A_17 = arith.addi %iota3A, %add3A_16 : vector<8x1xi32>
    %convert_element_type3A_18 = arith.sitofp %add3A_17 : vector<8x1xi32> to vector<8x1xf32>
    %eq3A = vector.broadcast %get3A_5 : vector<1x64000xf32> to vector<8x64000xf32>
    %eq3A_19 = vector.broadcast %convert_element_type3A_18 : vector<8x1xf32> to vector<8x64000xf32>
    %eq3A_20 = arith.cmpf oeq, %eq3A, %eq3A_19 : vector<8x64000xf32>
    %mul3A_21 = arith.constant 1024 : i32
    %mul3A_22 = vector.broadcast %mul3A_21 : i32 to vector<8x1xi32>
    %mul3A_23 = arith.muli %add3A_17, %mul3A_22 : vector<8x1xi32>
    %add3A_24 = arith.constant 10240 : i32
    %add3A_25 = vector.broadcast %add3A_24 : i32 to vector<8x1xi32>
    %add3A_26 = arith.addi %mul3A_23, %add3A_25 : vector<8x1xi32>
    %mul3A_27 = arith.constant 1024 : i32
    %mul3A_28 = vector.broadcast %mul3A_27 : i32 to vector<8x1xi32>
    %mul3A_29 = arith.muli %add3A_17, %mul3A_28 : vector<8x1xi32>
    %broadcast_in_dim3A_30 = vector.shape_cast %add3A_26 : vector<8x1xi32> to vector<8x1xi32>
    %broadcast_in_dim3A_31 = vector.broadcast %broadcast_in_dim3A_30 : vector<8x1xi32> to vector<8x64000xi32>
    %broadcast_in_dim3A_32 = vector.shape_cast %mul3A_29 : vector<8x1xi32> to vector<8x1xi32>
    %broadcast_in_dim3A_33 = vector.broadcast %broadcast_in_dim3A_32 : vector<8x1xi32> to vector<8x64000xi32>
    %select_n3A = arith.select %eq3A_20, %broadcast_in_dim3A_31, %broadcast_in_dim3A_33 : vector<8x64000xi1>, vector<8x64000xi32>
    %add3A_34 = arith.addi %and3A_14, %select_n3A : vector<8x64000xi32>
    %eq3A_35 = arith.constant 0 : i32
    %eq3A_36 = arith.cmpi eq, %arg0, %eq3A_35 : i32
    %convert_element_type3A_37 = arith.extui %eq3A_36 : i1 to i32
    %cond3A = arith.constant 0 : i32
    %cond3A_38 = arith.cmpi ne, %convert_element_type3A_37, %cond3A : i32
    scf.if %cond3A_38 {
      %broadcast_in_dim3A_47 = arith.constant 0.000000e+00 : f32
      %broadcast_in_dim3A_48 = vector.broadcast %broadcast_in_dim3A_47 : f32 to vector<1x1xf32>
      %swap3A = arith.constant 0 : index
      %swap3A_49 = arith.constant 0 : index
      %swap3A_50 = vector.load %arg4[%swap3A, %swap3A_49] : memref<1x1xf32, #tpu.memory_space<vmem>>, vector<1x1xf32>
      tpu.vector_store %arg4[%swap3A, %swap3A_49], %broadcast_in_dim3A_48 {strides = array<i32>} : memref<1x1xf32, #tpu.memory_space<vmem>>, vector<1x1xf32>,
    } else {
    }
    %lt3A = arith.constant 15 : i32
    %lt3A_39 = arith.cmpi slt, %add3A_0, %lt3A : i32
    %convert_element_type3A_40 = arith.extui %lt3A_39 : i1 to i32
    %cond3A_41 = arith.constant 0 : i32
    %cond3A_42 = arith.cmpi ne, %convert_element_type3A_40, %cond3A_41 : i32
    scf.if %cond3A_42 {
      %swap3A = arith.constant 0 : index
      %swap3A_47 = arith.constant 0 : index
      %swap3A_48 = vector.load %arg3[%swap3A, %swap3A_47] : memref<8x64000xi32, #tpu.memory_space<vmem>>, vector<8x64000xi32>
      tpu.vector_store %arg3[%swap3A, %swap3A_47], %add3A_34 {strides = array<i32>} : memref<8x64000xi32, #tpu.memory_space<vmem>>, vector<8x64000xi32>,
      %sub3A = vector.broadcast %get3A_5 : vector<1x64000xf32> to vector<10x64000xf32>
      %sub3A_49 = arith.subf %get3A_2, %sub3A : vector<10x64000xf32>
      %get3A_50 = arith.constant 0 : index
      %get3A_51 = arith.constant 0 : index
      %get3A_52 = vector.load %arg4[%get3A_50, %get3A_51] : memref<1x1xf32, #tpu.memory_space<vmem>>, vector<1x1xf32>
      %mul3A_53 = arith.mulf %sub3A_49, %sub3A_49 : vector<10x64000xf32>
      %reduce_sum3A_54 = vector.shape_cast %mul3A_53 : vector<10x64000xf32> to vector<1x10x64000xf32>
      %reduce_sum3A_55 = arith.constant dense<0.000000e+00> : vector<1xf32>
      %reduce_sum3A_56 = vector.multi_reduction <add>, %reduce_sum3A_54, %reduce_sum3A_55 [1, 2] : vector<1x10x64000xf32> to vector<1xf32>
      %reduce_sum3A_57 = vector.shape_cast %reduce_sum3A_56 : vector<1xf32> to vector<1x1x1xf32>
      %reduce_sum3A_58 = vector.extract %reduce_sum3A_57[0, 0, 0] : f32 from vector<1x1x1xf32>
      %reshape3A = vector.broadcast %reduce_sum3A_58 : f32 to vector<1x1xf32>
      %add3A_59 = arith.addf %get3A_52, %reshape3A : vector<1x1xf32>
      %swap3A_60 = arith.constant 0 : index
      %swap3A_61 = arith.constant 0 : index
      %swap3A_62 = vector.load %arg4[%swap3A_60, %swap3A_61] : memref<1x1xf32, #tpu.memory_space<vmem>>, vector<1x1xf32>
      tpu.vector_store %arg4[%swap3A_60, %swap3A_61], %add3A_59 {strides = array<i32>} : memref<1x1xf32, #tpu.memory_space<vmem>>, vector<1x1xf32>,
    } else {
    }
    %ge3A = arith.constant 15 : i32
    %ge3A_43 = arith.cmpi sge, %add3A_0, %ge3A : i32
    %convert_element_type3A_44 = arith.extui %ge3A_43 : i1 to i32
    %cond3A_45 = arith.constant 0 : i32
    %cond3A_46 = arith.cmpi ne, %convert_element_type3A_44, %cond3A_45 : i32
    scf.if %cond3A_46 {
      %iota3A_47 = tpu.iota {dimensions = array<i32: 1>} : vector<1x64000xi32>
      %mul3A_48 = arith.constant 64000 : i32
      %mul3A_49 = arith.muli %add3A_0, %mul3A_48 : i32
      %add3A_50 = vector.broadcast %mul3A_49 : i32 to vector<1x64000xi32>
      %add3A_51 = arith.addi %iota3A_47, %add3A_50 : vector<1x64000xi32>
      %lt3A_52 = arith.constant 1000000 : i32
      %lt3A_53 = vector.broadcast %lt3A_52 : i32 to vector<1x64000xi32>
      %lt3A_54 = arith.cmpi slt, %add3A_51, %lt3A_53 : vector<1x64000xi32>
      %jit3A = arith.constant 20480 : i32
      %broadcast_in_dim3A_55 = vector.shape_cast %lt3A_54 : vector<1x64000xi1> to vector<1x64000xi1>
      %broadcast_in_dim3A_56 = vector.broadcast %broadcast_in_dim3A_55 : vector<1x64000xi1> to vector<8x64000xi1>
      %broadcast_in_dim3A_57 = vector.broadcast %jit3A : i32 to vector<8x64000xi32>
      %select_n3A_58 = arith.select %broadcast_in_dim3A_56, %add3A_34, %broadcast_in_dim3A_57 : vector<8x64000xi1>, vector<8x64000xi32>
      %swap3A = arith.constant 0 : index
      %swap3A_59 = arith.constant 0 : index
      %swap3A_60 = vector.load %arg3[%swap3A, %swap3A_59] : memref<8x64000xi32, #tpu.memory_space<vmem>>, vector<8x64000xi32>
      tpu.vector_store %arg3[%swap3A, %swap3A_59], %select_n3A_58 {strides = array<i32>} : memref<8x64000xi32, #tpu.memory_space<vmem>>, vector<8x64000xi32>,
      %sub3A = vector.broadcast %get3A_5 : vector<1x64000xf32> to vector<10x64000xf32>
      %sub3A_61 = arith.subf %get3A_2, %sub3A : vector<10x64000xf32>
      %jit3A_62 = arith.constant 0.000000e+00 : f32
      %broadcast_in_dim3A_63 = vector.shape_cast %lt3A_54 : vector<1x64000xi1> to vector<1x64000xi1>
      %broadcast_in_dim3A_64 = vector.broadcast %broadcast_in_dim3A_63 : vector<1x64000xi1> to vector<10x64000xi1>
      %broadcast_in_dim3A_65 = vector.broadcast %jit3A_62 : f32 to vector<10x64000xf32>
      %select_n3A_66 = arith.select %broadcast_in_dim3A_64, %sub3A_61, %broadcast_in_dim3A_65 : vector<10x64000xi1>, vector<10x64000xf32>
      %get3A_67 = arith.constant 0 : index
      %get3A_68 = arith.constant 0 : index
      %get3A_69 = vector.load %arg4[%get3A_67, %get3A_68] : memref<1x1xf32, #tpu.memory_space<vmem>>, vector<1x1xf32>
      %mul3A_70 = arith.mulf %select_n3A_66, %select_n3A_66 : vector<10x64000xf32>
      %reduce_sum3A_71 = vector.shape_cast %mul3A_70 : vector<10x64000xf32> to vector<1x10x64000xf32>
      %reduce_sum3A_72 = arith.constant dense<0.000000e+00> : vector<1xf32>
      %reduce_sum3A_73 = vector.multi_reduction <add>, %reduce_sum3A_71, %reduce_sum3A_72 [1, 2] : vector<1x10x64000xf32> to vector<1xf32>
      %reduce_sum3A_74 = vector.shape_cast %reduce_sum3A_73 : vector<1xf32> to vector<1x1x1xf32>
      %reduce_sum3A_75 = vector.extract %reduce_sum3A_74[0, 0, 0] : f32 from vector<1x1x1xf32>
      %reshape3A = vector.broadcast %reduce_sum3A_75 : f32 to vector<1x1xf32>
      %add3A_76 = arith.addf %get3A_69, %reshape3A : vector<1x1xf32>
      %swap3A_77 = arith.constant 0 : index
      %swap3A_78 = arith.constant 0 : index
      %swap3A_79 = vector.load %arg4[%swap3A_77, %swap3A_78] : memref<1x1xf32, #tpu.memory_space<vmem>>, vector<1x1xf32>
      tpu.vector_store %arg4[%swap3A_77, %swap3A_78], %add3A_76 {strides = array<i32>} : memref<1x1xf32, #tpu.memory_space<vmem>>, vector<1x1xf32>,
    } else {
    }
    return
  }
  func.func @transform_0(%arg0: i32) -> (i32, i32) {
    %add3A = arith.constant 0 : i32
    %add3A_0 = arith.addi %arg0, %add3A : i32
    %c0_i32 = arith.constant 0 : i32
    %c0_i32_1 = arith.constant 0 : i32
    return %c0_i32, %add3A_0 : i32, i32
  }
  func.func @transform_1(%arg0: i32) -> (i32, i32) {
    %add3A = arith.constant 0 : i32
    %add3A_0 = arith.addi %arg0, %add3A : i32
    %c0_i32 = arith.constant 0 : i32
    %c0_i32_1 = arith.constant 0 : i32
    return %c0_i32, %add3A_0 : i32, i32
  }
  func.func @transform_2(%arg0: i32) -> (i32, i32) {
    %c0_i32 = arith.constant 0 : i32
    %c0_i32_0 = arith.constant 0 : i32
    return %c0_i32, %arg0 : i32, i32
  }
  func.func @transform_3(%arg0: i32) -> (i32, i32) {
    %c0_i32 = arith.constant 0 : i32
    %c0_i32_0 = arith.constant 0 : i32
    %c0_i32_1 = arith.constant 0 : i32
    return %c0_i32, %c0_i32_0 : i32, i32
  }
}

</mosaic_0001>

<sc_bundles>
// kernel: kernel.10.cloned.1.call-start
scs
__scs_entry_jumppad:
0x0: {  	(pc) =	sbr.rel $0x88, $3  }
0x1: {  	(tag) =	ssettag $0x0;
	lr =	simm.s32 $0x1  }
0x2: {  	[smem:$0x3F9E] =	sst lr;
	_ =	strace $0xD0000000  }
0x3: {  	_ = 	snop  }
0x4: {  	_ = 	snop  }
0x5: {  	_ = 	snop  }
0x6: {  	_ = 	snop  }
0x7: {  	_ = 	snop  }
__scs_overlays_trampoline_lowered:
0x8: {  	[smem:$0x3FAD] =	sst s0  }
0x9: {  	[smem:$0x3FAE] =	sst s1  }
0xa: {  	[smem:$0x3FAF] =	sst s2  }
0xb: {  	[smem:$0x3FB0] =	sst s3  }
0xc: {  	[smem:$0x3FB1] =	sst s4  }
0xd: {  	[smem:$0x3FB2] =	sst s5  }
0xe: {  	[smem:$0x3FB3] =	sst s6  }
0xf: {  	[smem:$0x3FB4] =	sst s7  }
0x10: {  	[smem:$0x3FB5] =	sst s8  }
0x11: {  	[smem:$0x3FB6] =	sst s9;
	s0 =	simm.s32 @!p0 $0x0  }
0x12: {  	s1 =	sld [smem:$0x3F9C];
	s0 =	simm.s32 @p0 $0x1  }
0x13: {  	[smem:$0x3FB7] =	sst s0;
	s0 =	simm.s32 @!p1 $0x0  }
0x14: {  	s2 =	sld [smem:$0x3F9B];
	s0 =	simm.s32 @p1 $0x1  }
0x15: {  	[smem:$0x3FB8] =	sst s0;
	s0 =	simm.s32 @!p2 $0x0  }
0x16: {  	s3 =	sld [smem:$0x3FDB];
	s0 =	simm.s32 @p2 $0x1  }
0x17: {  	s4 =	simm.s32 $0x1BF5;
	[smem:$0x3FBA] =	sst s0  }
0x18: {  	s0 =	sld [smem:$0x3F9D];
	_ =	swait.ge [sflag:s4], $0x0  }
0x19: {  	s7 =	sld [smem:$0x3F9E]  }
0x1a: {  	s8 =	sadd.s32 $0xFFFFE003, lr  }
0x1b: {  	s9 =	sadd.s32 $0xFFFFFEF7, lr;
	s5 =	simm.s32 $0xFFFFFFFF;
	p2 =	slt.u32 s8, $0xFFFFF086  }
0x1c: {  	p1 =	slt.u32 s9, $0xF7A;
	s5 =	simm.s32 @!p2 $0x0  }
0x1d: {  	s5 =	simm.s32 @p1 $0x1;
	p0 =	seq.s32 s7, s2  }
0x1e: {  	s7 =	smul.u32 @!p0 $0xF7A, s2;
	p2 =	seq.s32 @!p0 s5, $0x0  }
0x1f: {  	s9 =	smul.u32 $0xF7A, s1;
	s8 =	simm.s32 @!p0 $0x1BF5;
	p2 =	por !p2, p0  }
0x20: {  	[sflag:s8] =	ssyncset.s32 @!p0 $0xFFFFF086;
	s6 =	sadd.s32 @!p0 s3, s7;
	s7 =	simm.s32 @!p0 $0x108  }
0x21: {  	s3 =	sadd.s32 s3, s9;
	s6 =	sadd.s32 @!p0 $0x88, s6;
	s7 =	simm.s32 @p2 $0x1082  }
0x22: {  	[simem:s7], [sflag:s8] =	dma.local @!p0 [hbm:s6], $0xF7A  }
0x23: {  	s9 =	sor.u32 $0xD0000000, s2;
	s6 =	simm.s32 $0x108;
	_ =	swait.ge @!p0 [sflag:s8], $0x0  }
0x24: {  	s3 =	sadd.s32 $0x88, s3;
	s6 =	simm.s32 @!p1 $0x1082;
	[sflag:s4] =	ssyncset.s32 $0xFFFFF086  }
0x25: {  	[simem:s6], [sflag:s4] =	dma.local [hbm:s3], $0xF7A  }
0x26: {  	[smem:$0x3F9E] =	sst s1;
	(tag) =	ssettag s2;
	_ =	strace s9  }
0x27: {  	s1 =	sld [smem:$0x3FAE]  }
0x28: {  	s2 =	sld [smem:$0x3FAF]  }
0x29: {  	s4 =	sld [smem:$0x3FB1]  }
0x2a: {  	p0 =	seq.s32 s5, $0x0;
	s5 =	sld [smem:$0x3FB2]  }
0x2b: {  	s6 =	sld [smem:$0x3FB3]  }
0x2c: {  	s7 =	sld [smem:$0x3FB4]  }
0x2d: {  	s3 =	simm.s32 $0x108;
	s8 =	sld [smem:$0x3FB5]  }
0x2e: {  	s3 =	simm.s32 @!p0 $0x1082;
	s9 =	sld [smem:$0x3FB6]  }
0x2f: {  	lr =	sadd.s32 s0, s3;
	s0 =	sld [smem:$0x3FAD]  }
0x30: {  	s3 =	sld [smem:$0x3FB0]  }
0x31: {  	[smem:$0x3FB9] =	sst s10  }
0x32: {  	s10 =	sld [smem:$0x3FB7];
	_ =	sdelay $0x3  }
0x33: {  	p0 =	seq.s32 s10, $0x1;
	s10 =	sld [smem:$0x3FB9];
	_ =	sdelay $0x3  }
0x34: {  	[smem:$0x3FB9] =	sst s10  }
0x35: {  	s10 =	sld [smem:$0x3FB8];
	_ =	sdelay $0x3  }
0x36: {  	p1 =	seq.s32 s10, $0x1;
	s10 =	sld [smem:$0x3FB9];
	_ =	sdelay $0x3  }
0x37: {  	[smem:$0x3FB9] =	sst s10  }
0x38: {  	s10 =	sld [smem:$0x3FBA]  }
0x39: {  	_ = 	snop;
	(pc) =	sbr.ind lr, $3  }
0x3a: {  	_ = 	snop  }
0x3b: {  	_ = 	snop  }
0x3c: {  	p2 =	seq.s32 s10, $0x1;
	s10 =	sld [smem:$0x3FB9]  }
0x3d: {  	_ =	shalt  }
0x3e: {  	_ =	shalt  }
0x3f: {  	_ =	shalt  }
0x40: {  	_ =	shalt  }
0x41: {  	_ =	shalt  }
0x42: {  	_ =	shalt  }
0x43: {  	_ =	shalt  }
0x44: {  	_ =	shalt  }
0x45: {  	_ =	shalt  }
0x46: {  	_ =	shalt  }
0x47: {  	_ =	shalt  }
0x48: {  	_ =	shalt  }
0x49: {  	_ =	shalt  }
0x4a: {  	_ =	shalt  }
0x4b: {  	_ =	shalt  }
0x4c: {  	_ =	shalt  }
0x4d: {  	_ =	shalt  }
0x4e: {  	_ =	shalt  }
0x4f: {  	_ =	shalt  }
0x50: {  	_ =	shalt  }
0x51: {  	_ =	shalt  }
0x52: {  	_ =	shalt  }
0x53: {  	_ =	shalt  }
0x54: {  	_ =	shalt  }
0x55: {  	_ =	shalt  }
0x56: {  	_ =	shalt  }
0x57: {  	_ =	shalt  }
0x58: {  	_ =	shalt  }
0x59: {  	_ =	shalt  }
0x5a: {  	_ =	shalt  }
0x5b: {  	_ =	shalt  }
0x5c: {  	_ =	shalt  }
0x5d: {  	_ =	shalt  }
0x5e: {  	_ =	shalt  }
0x5f: {  	_ =	shalt  }
0x60: {  	_ =	shalt  }
0x61: {  	_ =	shalt  }
0x62: {  	_ =	shalt  }
0x63: {  	_ =	shalt  }
0x64: {  	_ =	shalt  }
0x65: {  	_ =	shalt  }
0x66: {  	_ =	shalt  }
0x67: {  	_ =	shalt  }
0x68: {  	_ =	shalt  }
0x69: {  	_ =	shalt  }
0x6a: {  	_ =	shalt  }
0x6b: {  	_ =	shalt  }
0x6c: {  	_ =	shalt  }
0x6d: {  	_ =	shalt  }
0x6e: {  	_ =	shalt  }
0x6f: {  	_ =	shalt  }
0x70: {  	_ =	shalt  }
0x71: {  	_ =	shalt  }
0x72: {  	_ =	shalt  }
0x73: {  	_ =	shalt  }
0x74: {  	_ =	shalt  }
0x75: {  	_ =	shalt  }
0x76: {  	_ =	shalt  }
0x77: {  	_ =	shalt  }
0x78: {  	_ =	shalt  }
0x79: {  	_ =	shalt  }
0x7a: {  	_ =	shalt  }
0x7b: {  	_ =	shalt  }
0x7c: {  	_ =	shalt  }
0x7d: {  	_ =	shalt  }
0x7e: {  	_ =	shalt  }
0x7f: {  	_ =	shalt  }
0x80: {  	_ =	shalt  }
0x81: {  	_ =	shalt  }
0x82: {  	_ =	shalt  }
0x83: {  	_ =	shalt  }
0x84: {  	_ =	shalt  }
0x85: {  	_ =	shalt  }
0x86: {  	_ =	shalt  }
0x87: {  	_ =	shalt  }
.Lfunc_end0:
.L_simem_size_0:
called_computation.1_lowered:
.L_overlay_start_0:
0x88: {  	s2 =	sld [smem:$0x3FD9]  }
0x89: {  	s3 =	sld [smem:$0x3FFE];
	_ =	sdelay $0x1  }
0x8a: {  	s1 =	srdreg.scid  }
0x8b: {  	s0 =	sand.u32 $0x1, s1  }
0x8c: {  	s16 =	sshll.u32 s0, $0xA;
	s2 =	sadd.s32 s3, s2  }
0x8d: {  	s2 =	sadd.s32 s2, s16  }
0x8e: {  	[smem:$0x3FC5] =	sst s2  }
0x8f: {  	_ = 	snop  }
0x90: {  	(tm) =	ssettm $0x1  }
0x91: {  	s17 =	sld [smem:$0x3FFB];
	_ =	sdelay $0x3  }
0x92: {  	_ =	strace s17  }
0x93: {  	s2 =	sld [smem:$0x3FFC];
	_ =	sdelay $0x3  }
0x94: {  	_ =	strace s2  }
0x95: {  	s2 =	sld [smem:$0x3FFD];
	_ =	sdelay $0x3  }
0x96: {  	_ =	strace s2  }
0x97: {  	_ =	strace $0x8FFFFFFF  }
0x98: {  	s18 =	sld [smem:$0x3FDB];
	_ =	sdelay $0x1  }
0x99: {  	s19 =	simm.s32 $_scs_section_size  }
0x9a: {  	s4 =	simm.s32 $_size__tile_overlayer_lowered;
	s5 =	simm.s32 $_tile_overlayer_lowered  }
0x9b: {  	s22 =	simm.s32 $0x1BFF;
	s21 =	sshll.u32 s5, $0x1;
	s2 =	sadd.s32 s19, s18  }
0x9c: {  	s6 =	simm.s32 $0x0;
	s20 =	sshll.u32 s4, $0x1;
	s4 =	sadd.s32 s21, s2  }
0x9d: {  	[timem:s6], [sflag:s22] =	dma.local [hbm:s4], s20  }
0x9e: {  	_ =	swait.ge [sflag:s22], s20  }
0x9f: {  	s3 =	ssub.s32 $0x0, s20;
	[sflag:s22] =	ssyncset.done $0x0  }
0xa0: {  	[sflag:s22] =	ssyncadd.s32 s3;
	_ =	sdelay $0x1  }
0xa1: {  	s23 =	simm.s32 $0x1B8B  }
0xa2: {  	_ =	swait.ge [sflag:s23], $0x1  }
0xa3: {  	[sflag:s23] =	ssyncset.done $0x0  }
0xa4: {  	s25 =	simm.s32 $0x1B8E;
	s24 =	sld [smem:$0x3FFE];
	[sflag:s23] =	ssyncadd.s32 $0xFFFFFFFF  }
0xa5: {  	s26 =	simm.s32 $execute0_lowered;
	[smem:$0x3FD2] =	sst s25  }
0xa6: {  	s4 =	sshll.u32 s26, $0x1;
	_ =	strace $0x80000046;
	[dreg:$0x1] =	wrdreg $0xFFFFFFFF  }
0xa7: {  	s28 =	simm.s32 $_size_execute0_lowered;
	s2 =	sadd.s32 s2, s4;
	[dreg:$0x0] =	wrdreg $0x0  }
0xa8: {  	s4 =	sshll.u32 s28, $0x1;
	[dreg:$0x2] =	wrdreg s2  }
0xa9: {  	[dreg:$0x3] =	wrdreg s4  }
0xaa: {  	[dreg:$0x4] =	wrdreg $0xC0  }
0xab: {  	_ =	task [dreg:s6], $0x5FFFF  }
0xac: {  	[dreg:$0x1] =	wrdreg $0xFFFFFFFF  }
0xad: {  	[dreg:$0x0] =	wrdreg $0x60  }
0xae: {  	[dreg:$0x2] =	wrdreg s24  }
0xaf: {  	[dreg:$0x3] =	wrdreg $0xA  }
0xb0: {  	_ =	task.clear_ibuf [dreg:s6], $0x4FFFF;
	_ =	strace $0x90000046  }
0xb1: {  	s29 =	simm.s32 $0xA;
	_ =	strace $0x80000048  }
0xb2: {  	_ =	swait.ge [sflag:s29], $0x1  }
0xb3: {  	[sflag:s29] =	ssyncadd.s32 $0xFFFFFFFF  }
0xb4: {  	_ =	strace $0x90000048  }
0xb5: {  	_ =	sfence  }
0xb6: {  	s30 =	sld [smem:$0x0];
	_ =	sdelay $0x2  }
0xb7: {  	s31 =	sshll.u32 s1, $0xD;
	s1 =	sshrl.u32 s1, $0x2  }
0xb8: {  	s3 =	sand.u32 $0x4000, s31;
	s1 =	sadd.s32 s1, s30  }
0xb9: {  	s0 =	sor.u32 s3, s0;
	s1 =	sshll.u32 s1, $0x11  }
0xba: {  	s0 =	sor.u32 s1, s0  }
0xbb: {  	s0 =	sadd.s32 $0x8F2B, s0  }
0xbc: {  	[sflag:s0] =	ssyncadd.remote.s32 $0x1  }
0xbd: {  	_ =	sfence.sel $0xFFFF  }
0xbe: {  	[dreg:$0x0] =	wrdreg $0xFFFFFFFF;
	(pc) =	sbr.abs _section_cstart, $3  }
0xbf: {  	[dreg:$0x1] =	wrdreg $0xFFFFFFFF  }
0xc0: {  	_ =	task.clear_ibuf [dreg:s6], $0x2FFFF;
	_ =	strace $0x9FFFFFFF  }
0xc1: {  	(tm) =	ssettm $0x7FFFFFFF  }
tec
execute0_lowered:
.L_overlay_start_1:
0x0: {  	(tag) =	ssettag $0x1  }
0x1: {  	s3 =	rddreg [dreg:$0x0]  }
0x2: {  	s0 =	rddreg [dreg:$0x1]  }
0x3: {  	s4 =	srdreg.scid;
	s1 =	stileid.u32;
	s2 =	simm.s32 $0x0  }
0x4: {  	s11 =	simm.s32 $0x1;
	s12 =	simm.s32 $0xC800;
	s13 =	simm.s32 $0x11900  }
0x5: {  	v0 =	vlaneseq.u32;
	s14 =	simm.s32 $0x2;
	s4 =	sand.u32 $0x1, s4;
	s5 =	sshll.u32 s1, $0x1  }
0x6: {  	s15 =	simm.s32 $0x16A00;
	s16 =	simm.s32 $0x3;
	v1 =	vmul.u32 $0x10, v0;
	s5 =	sor.u32 s4, s5  }
0x7: {  	s17 =	simm.s32 $0x0;
	[smem:$0x7FF] =	sst s2;
	s6 =	smul.u32 $0x6400, s5  }
0x8: {  	v2 =	vimm.f32 $0.0e+00;
	v3 =	vimm.f32 $1.000000000e+00;
	s7 =	sadd.s32 $0x1600, s3;
	s4 =	ssub.s32 $0x2, s4;
	s8 =	smul.u32 $0xA2, s5;
	v4 =	vor.u32 $0x5000, v1  }
0x9: {  	_ =	strace $0x80000047;
	s9 =	sshrl.u32 s4, $0x1;
	s5 =	smul.u32 $0xC80, s5;
	v5 =	vor.u32 $0x5001, v1;
	v6 =	vor.u32 $0x5002, v1;
	v7 =	vor.u32 $0x5003, v1  }
0xa: {  	v8 =	vor.u32 $0x5004, v1;
	v9 =	vor.u32 $0x5005, v1;
	v10 =	vor.u32 $0x5006, v1;
	s9 =	ssub.s32 s4, s9;
	s6 =	sshrl.u32 s6, $0x3;
	s8 =	sadd.s32 s8, s3  }
0xb: {  	v11 =	vor.u32 $0x5007, v1;
	v12 =	vor.u32 $0x5008, v1;
	v13 =	vor.u32 $0x5009, v1;
	s3 =	sadd.s32 s7, s5;
	s9 =	smax.u32 s9, $0x1;
	s10 =	sadd.s32 s7, s6  }
0xc: {  	v14 =	vor.u32 $0x500A, v1;
	v15 =	vor.u32 $0x500B, v1;
	v16 =	vor.u32 $0x500C, v1;
	s8 =	sadd.s32 $0x7E600, s8;
	s4 =	sadd.s32 $0x19000, s10;
	s5 =	sadd.s32 $0x32000, s10  }
0xd: {  	v17 =	vor.u32 $0x500D, v1;
	v18 =	vor.u32 $0x500E, v1;
	v19 =	vor.u32 $0x500F, v1;
	s6 =	sadd.s32 $0x4B000, s10;
	s7 =	sadd.s32 $0x64000, s10;
	s10 =	simm.s32 $0x6400  }
.LBB2_1:
0xe: {  	s18 =	simm.s32 $0xC840  }
0xf: {  	[tilespmem:s18+$0x30] =	vst v2  }
0x10: {  	[tilespmem:s18+$0xFFFFFFF0] =	vst v2  }
0x11: {  	[tilespmem:s18+$0xFFFFFFC0] =	vst v2  }
0x12: {  	[tilespmem:s18+$0xFFFFFFE0] =	vst v2  }
0x13: {  	[tilespmem:s18+$0x10] =	vst v2  }
0x14: {  	[tilespmem:s18+$0x20] =	vst v2  }
0x15: {  	[tilespmem:s18+$0x0] =	vst v2  }
0x16: {  	s19 =	simm.s32 $0x11940;
	[tilespmem:s18+$0xFFFFFFD0] =	vst v2  }
0x17: {  	[tilespmem:s19+$0xFFFFFFC0] =	vst v2  }
0x18: {  	[tilespmem:s19+$0x30] =	vst v2  }
0x19: {  	[tilespmem:s19+$0x20] =	vst v2  }
0x1a: {  	[tilespmem:s19+$0x10] =	vst v2  }
0x1b: {  	[tilespmem:s19+$0xFFFFFFE0] =	vst v2  }
0x1c: {  	[tilespmem:s19+$0x0] =	vst v2  }
0x1d: {  	s20 =	simm.s32 $0x0;
	[tilespmem:s19+$0xFFFFFFF0] =	vst v2  }
.LBB2_2:
0x1e: {  	s20 =	sadd.s32 $0x8, s20;
	[tilespmem:s19+$0xFFFFFFD0] =	vst v2;
	s18 =	sadd.s32 $0x80, s18;
	s19 =	sadd.s32 $0x80, s19  }
0x1f: {  	[tilespmem:s18+$0x30] =	vst v2;
	p0 =	slt.u32 s20, $0x508  }
0x20: {  	[tilespmem:s18+$0xFFFFFFF0] =	vst v2  }
0x21: {  	[tilespmem:s18+$0xFFFFFFC0] =	vst v2  }
0x22: {  	[tilespmem:s19+$0xFFFFFFC0] =	vst v2  }
0x23: {  	[tilespmem:s19+$0x30] =	vst v2  }
0x24: {  	[tilespmem:s18+$0xFFFFFFE0] =	vst v2  }
0x25: {  	[tilespmem:s18+$0x10] =	vst v2  }
0x26: {  	[tilespmem:s18+$0x20] =	vst v2  }
0x27: {  	[tilespmem:s19+$0x20] =	vst v2  }
0x28: {  	[tilespmem:s19+$0x10] =	vst v2  }
.Ltmp0:
0x29: {  	[tilespmem:s19+$0xFFFFFFE0] =	vst v2;
	(pc) =	sbr.rel @p0 .LBB2_2-.Ltmp0, $4  }
0x2a: {  	[tilespmem:s18+$0x0] =	vst v2  }
0x2b: {  	[tilespmem:s19+$0x0] =	vst v2  }
0x2c: {  	[tilespmem:s19+$0xFFFFFFF0] =	vst v2  }
0x2d: {  	[tilespmem:s18+$0xFFFFFFD0] =	vst v2  }
0x2e: {  	[tilespmem:s19+$0xFFFFFFD0] =	vst v2;
	s18 =	simm.s32 $0x0  }
0x2f: {  	[tilespmem:s18], [sflag:$0x1] =	stream.linear.gather [hbm4b:s3+s18], $0x6400, $0x38;
	[tilespmem:$0x16F80] =	vst v63  }
0x30: {  	_ = 	snop  }
0x31: {  	[tilespmem:s10], [sflag:$0x2] =	stream.linear.gather [hbm4b:s4+s18], $0x6400, $0x38;
	[tilespmem:$0x16F80] =	vst v63  }
0x32: {  	_ =	swait.ge [sflag:s11], $0x6400  }
0x33: {  	[sflag:s11] =	ssyncset.done $0x0  }
0x34: {  	s19 =	simm.s32 $0x40;
	[sflag:s11] =	ssyncadd.s32 $0xFFFF9C00  }
.LBB2_4:
0x35: {  	v20 =	vld [tilespmem:s19+$0x20];
	_ =	sdelay $0x1  }
0x36: {  	v21 =	vld [tilespmem:s19+$0xFFFFFFC0]  }
0x37: {  	v22 =	vld [tilespmem:s19+$0xFFFFFFE0]  }
0x38: {  	v23 =	vld [tilespmem:s19+$0x0]  }
0x39: {  	v20 =	vadd.s32 v0, v20  }
0x3a: {  	s20 =	sadd.s32 $0x400, s19  }
0x3b: {  	v24 =	vld [tilespmem:s20+$0x20];
	v21 =	vadd.s32 v0, v21  }
0x3c: {  	v25 =	vld [tilespmem:s20+$0xFFFFFFC0];
	v22 =	vadd.s32 v0, v22  }
0x3d: {  	v26 =	vld [tilespmem:s20+$0x0];
	v23 =	vadd.s32 v0, v23  }
0x3e: {  	[tilespmem:v20+s12+$0x0] =	vst.idx.add.f32.msk $0xffff, v3  }
0x3f: {  	v20 =	vld [tilespmem:s19+$0x30]  }
0x40: {  	[tilespmem:v21+s12+$0x0] =	vst.idx.add.f32.msk $0xffff, v3  }
0x41: {  	[tilespmem:v22+s12+$0x0] =	vst.idx.add.f32.msk $0xffff, v3  }
0x42: {  	v25 =	vadd.s32 v0, v25;
	[tilespmem:v23+s12+$0x0] =	vst.idx.add.f32.msk $0xffff, v3  }
0x43: {  	v23 =	vadd.s32 v0, v24;
	v21 =	vld [tilespmem:s19+$0xFFFFFFD0]  }
0x44: {  	v22 =	vld [tilespmem:s20+$0xFFFFFFE0];
	v20 =	vadd.s32 v0, v20  }
0x45: {  	v63 =	vld [tilespmem:s19+$0xFFFFFFF0]  }
0x46: {  	v26 =	vadd.s32 v0, v26;
	v27 =	vld [tilespmem:s19+$0x10]  }
0x47: {  	[tilespmem:v25+s12+$0x0] =	vst.idx.add.f32.msk $0xffff, v3  }
0x48: {  	[tilespmem:v23+s12+$0x0] =	vst.idx.add.f32.msk $0xffff, v3;
	v21 =	vadd.s32 v0, v21  }
0x49: {  	[tilespmem:v20+s13+$0x0] =	vst.idx.add.f32.msk $0xffff, v3;
	v20 =	vadd.s32 v0, v22  }
0x4a: {  	v22 =	vld [tilespmem:s20+$0x30]  }
0x4b: {  	[tilespmem:v26+s12+$0x0] =	vst.idx.add.f32.msk $0xffff, v3  }
0x4c: {  	v23 =	vld [tilespmem:s20+$0xFFFFFFD0]  }
0x4d: {  	[tilespmem:v21+s13+$0x0] =	vst.idx.add.f32.msk $0xffff, v3  }
0x4e: {  	s21 =	simm.s32 $0x8;
	s22 =	sadd.s32 $0x400, s20;
	v21 =	vadd.s32 v0, v27;
	[tilespmem:v20+s12+$0x0] =	vst.idx.add.f32.msk $0xffff, v3;
	v20 =	vadd.s32 v0, v63  }
.LBB2_5:
0x4f: {  	v24 =	vld [tilespmem:s22+$0x20];
	s21 =	sadd.s32 $0x8, s21;
	v22 =	vadd.s32 v0, v22  }
0x50: {  	v25 =	vld [tilespmem:s22+$0xFFFFFFE0];
	p0 =	slt.u32 s21, $0xC0  }
0x51: {  	v26 =	vld [tilespmem:s22+$0x0]  }
0x52: {  	v27 =	vld [tilespmem:s22+$0xFFFFFFC0]  }
0x53: {  	v23 =	vadd.s32 v0, v23;
	v28 =	vld [tilespmem:s20+$0xFFFFFFF0]  }
0x54: {  	v24 =	vadd.s32 v0, v24;
	[tilespmem:v22+s13+$0x0] =	vst.idx.add.f32.msk $0xffff, v3  }
0x55: {  	v25 =	vadd.s32 v0, v25;
	v29 =	vld [tilespmem:s20+$0x10];
	s20 =	smov.u32 s22  }
0x56: {  	v26 =	vadd.s32 v0, v26;
	[tilespmem:v20+s13+$0x0] =	vst.idx.add.f32.msk $0xffff, v3  }
0x57: {  	v27 =	vadd.s32 v0, v27;
	[tilespmem:v21+s13+$0x0] =	vst.idx.add.f32.msk $0xffff, v3  }
0x58: {  	[tilespmem:v23+s13+$0x0] =	vst.idx.add.f32.msk $0xffff, v3;
	v20 =	vadd.s32 v0, v28  }
0x59: {  	[tilespmem:v24+s12+$0x0] =	vst.idx.add.f32.msk $0xffff, v3  }
.Ltmp1:
0x5a: {  	v22 =	vld [tilespmem:s22+$0x30];
	v21 =	vadd.s32 v0, v29;
	(pc) =	sbr.rel @p0 .LBB2_5-.Ltmp1, $4  }
0x5b: {  	[tilespmem:v25+s12+$0x0] =	vst.idx.add.f32.msk $0xffff, v3  }
0x5c: {  	[tilespmem:v27+s12+$0x0] =	vst.idx.add.f32.msk $0xffff, v3  }
0x5d: {  	[tilespmem:v26+s12+$0x0] =	vst.idx.add.f32.msk $0xffff, v3  }
0x5e: {  	s22 =	sadd.s32 $0x400, s22;
	v23 =	vld [tilespmem:s20+$0xFFFFFFD0]  }
0x5f: {  	v24 =	vld [tilespmem:s20+$0xFFFFFFF0]  }
0x60: {  	v25 =	vld [tilespmem:s20+$0x10];
	_ =	sdelay $0x1  }
0x61: {  	v22 =	vadd.s32 v0, v22  }
0x62: {  	v23 =	vadd.s32 v0, v23  }
0x63: {  	s18 =	sadd.s32 $0x1, s18;
	v24 =	vadd.s32 v0, v24  }
0x64: {  	[tilespmem:v20+s13+$0x0] =	vst.idx.add.f32.msk $0xffff, v3;
	p0 =	sne.s32 s18, $0x8;
	v63 =	vadd.s32 v0, v25  }
.Ltmp2:
0x65: {  	[tilespmem:v21+s13+$0x0] =	vst.idx.add.f32.msk $0xffff, v3;
	(pc) =	sbr.rel @p0 .LBB2_4-.Ltmp2, $4  }
0x66: {  	[tilespmem:v22+s13+$0x0] =	vst.idx.add.f32.msk $0xffff, v3  }
0x67: {  	[tilespmem:v23+s13+$0x0] =	vst.idx.add.f32.msk $0xffff, v3  }
0x68: {  	[tilespmem:v24+s13+$0x0] =	vst.idx.add.f32.msk $0xffff, v3  }
0x69: {  	s19 =	sadd.s32 $0x80, s19;
	[tilespmem:v63+s13+$0x0] =	vst.idx.add.f32.msk $0xffff, v3  }
0x6a: {  	s18 =	simm.s32 $0x0  }
0x6b: {  	[tilespmem:s18], [sflag:$0x1] =	stream.linear.gather [hbm4b:s5+s18], $0x6400, $0x38;
	[tilespmem:$0x16F80] =	vst v63  }
0x6c: {  	_ =	swait.ge [sflag:s14], $0x6400  }
0x6d: {  	[sflag:s14] =	ssyncset.done $0x0  }
0x6e: {  	s19 =	simm.s32 $0x6440;
	[sflag:s14] =	ssyncadd.s32 $0xFFFF9C00  }
.LBB2_8:
0x6f: {  	v20 =	vld [tilespmem:s19+$0x20];
	_ =	sdelay $0x1  }
0x70: {  	v21 =	vld [tilespmem:s19+$0xFFFFFFC0]  }
0x71: {  	v22 =	vld [tilespmem:s19+$0xFFFFFFE0]  }
0x72: {  	v23 =	vld [tilespmem:s19+$0x0]  }
0x73: {  	v20 =	vadd.s32 v0, v20  }
0x74: {  	s20 =	sadd.s32 $0x400, s19  }
0x75: {  	v24 =	vld [tilespmem:s20+$0x20];
	v21 =	vadd.s32 v0, v21  }
0x76: {  	v25 =	vld [tilespmem:s20+$0xFFFFFFC0];
	v22 =	vadd.s32 v0, v22  }
0x77: {  	v26 =	vld [tilespmem:s20+$0x0];
	v23 =	vadd.s32 v0, v23  }
0x78: {  	[tilespmem:v20+s12+$0x0] =	vst.idx.add.f32.msk $0xffff, v3  }
0x79: {  	v20 =	vld [tilespmem:s19+$0x30]  }
0x7a: {  	[tilespmem:v21+s12+$0x0] =	vst.idx.add.f32.msk $0xffff, v3  }
0x7b: {  	[tilespmem:v22+s12+$0x0] =	vst.idx.add.f32.msk $0xffff, v3  }
0x7c: {  	v25 =	vadd.s32 v0, v25;
	[tilespmem:v23+s12+$0x0] =	vst.idx.add.f32.msk $0xffff, v3  }
0x7d: {  	v23 =	vadd.s32 v0, v24;
	v21 =	vld [tilespmem:s19+$0xFFFFFFD0]  }
0x7e: {  	v22 =	vld [tilespmem:s20+$0xFFFFFFE0];
	v20 =	vadd.s32 v0, v20  }
0x7f: {  	v63 =	vld [tilespmem:s19+$0xFFFFFFF0]  }
0x80: {  	v26 =	vadd.s32 v0, v26;
	v27 =	vld [tilespmem:s19+$0x10]  }
0x81: {  	[tilespmem:v25+s12+$0x0] =	vst.idx.add.f32.msk $0xffff, v3  }
0x82: {  	[tilespmem:v23+s12+$0x0] =	vst.idx.add.f32.msk $0xffff, v3;
	v21 =	vadd.s32 v0, v21  }
0x83: {  	[tilespmem:v20+s13+$0x0] =	vst.idx.add.f32.msk $0xffff, v3;
	v20 =	vadd.s32 v0, v22  }
0x84: {  	v22 =	vld [tilespmem:s20+$0x30]  }
0x85: {  	[tilespmem:v26+s12+$0x0] =	vst.idx.add.f32.msk $0xffff, v3  }
0x86: {  	v23 =	vld [tilespmem:s20+$0xFFFFFFD0]  }
0x87: {  	[tilespmem:v21+s13+$0x0] =	vst.idx.add.f32.msk $0xffff, v3  }
0x88: {  	s21 =	simm.s32 $0x8;
	s22 =	sadd.s32 $0x400, s20;
	v21 =	vadd.s32 v0, v27;
	[tilespmem:v20+s12+$0x0] =	vst.idx.add.f32.msk $0xffff, v3;
	v20 =	vadd.s32 v0, v63  }
.LBB2_9:
0x89: {  	v24 =	vld [tilespmem:s22+$0x20];
	s21 =	sadd.s32 $0x8, s21;
	v22 =	vadd.s32 v0, v22  }
0x8a: {  	v25 =	vld [tilespmem:s22+$0xFFFFFFE0];
	p0 =	slt.u32 s21, $0xC0  }
0x8b: {  	v26 =	vld [tilespmem:s22+$0x0]  }
0x8c: {  	v27 =	vld [tilespmem:s22+$0xFFFFFFC0]  }
0x8d: {  	v23 =	vadd.s32 v0, v23;
	v28 =	vld [tilespmem:s20+$0xFFFFFFF0]  }
0x8e: {  	v24 =	vadd.s32 v0, v24;
	[tilespmem:v22+s13+$0x0] =	vst.idx.add.f32.msk $0xffff, v3  }
0x8f: {  	v25 =	vadd.s32 v0, v25;
	v29 =	vld [tilespmem:s20+$0x10];
	s20 =	smov.u32 s22  }
0x90: {  	v26 =	vadd.s32 v0, v26;
	[tilespmem:v20+s13+$0x0] =	vst.idx.add.f32.msk $0xffff, v3  }
0x91: {  	v27 =	vadd.s32 v0, v27;
	[tilespmem:v21+s13+$0x0] =	vst.idx.add.f32.msk $0xffff, v3  }
0x92: {  	[tilespmem:v23+s13+$0x0] =	vst.idx.add.f32.msk $0xffff, v3;
	v20 =	vadd.s32 v0, v28  }
0x93: {  	[tilespmem:v24+s12+$0x0] =	vst.idx.add.f32.msk $0xffff, v3  }
.Ltmp3:
0x94: {  	v22 =	vld [tilespmem:s22+$0x30];
	v21 =	vadd.s32 v0, v29;
	(pc) =	sbr.rel @p0 .LBB2_9-.Ltmp3, $4  }
0x95: {  	[tilespmem:v25+s12+$0x0] =	vst.idx.add.f32.msk $0xffff, v3  }
0x96: {  	[tilespmem:v27+s12+$0x0] =	vst.idx.add.f32.msk $0xffff, v3  }
0x97: {  	[tilespmem:v26+s12+$0x0] =	vst.idx.add.f32.msk $0xffff, v3  }
0x98: {  	s22 =	sadd.s32 $0x400, s22;
	v23 =	vld [tilespmem:s20+$0xFFFFFFD0]  }
0x99: {  	v24 =	vld [tilespmem:s20+$0xFFFFFFF0]  }
0x9a: {  	v25 =	vld [tilespmem:s20+$0x10];
	_ =	sdelay $0x1  }
0x9b: {  	v22 =	vadd.s32 v0, v22  }
0x9c: {  	v23 =	vadd.s32 v0, v23  }
0x9d: {  	s18 =	sadd.s32 $0x1, s18;
	v24 =	vadd.s32 v0, v24  }
0x9e: {  	[tilespmem:v20+s13+$0x0] =	vst.idx.add.f32.msk $0xffff, v3;
	p0 =	sne.s32 s18, $0x8;
	v63 =	vadd.s32 v0, v25  }
.Ltmp4:
0x9f: {  	[tilespmem:v21+s13+$0x0] =	vst.idx.add.f32.msk $0xffff, v3;
	(pc) =	sbr.rel @p0 .LBB2_8-.Ltmp4, $4  }
0xa0: {  	[tilespmem:v22+s13+$0x0] =	vst.idx.add.f32.msk $0xffff, v3  }
0xa1: {  	[tilespmem:v23+s13+$0x0] =	vst.idx.add.f32.msk $0xffff, v3  }
0xa2: {  	[tilespmem:v24+s13+$0x0] =	vst.idx.add.f32.msk $0xffff, v3  }
0xa3: {  	s19 =	sadd.s32 $0x80, s19;
	[tilespmem:v63+s13+$0x0] =	vst.idx.add.f32.msk $0xffff, v3  }
0xa4: {  	s18 =	simm.s32 $0x0  }
0xa5: {  	[tilespmem:s10], [sflag:$0x2] =	stream.linear.gather [hbm4b:s6+s18], $0x6400, $0x38;
	[tilespmem:$0x16F80] =	vst v63  }
0xa6: {  	_ =	swait.ge [sflag:s11], $0x6400  }
0xa7: {  	[sflag:s11] =	ssyncset.done $0x0  }
0xa8: {  	s19 =	simm.s32 $0x40;
	[sflag:s11] =	ssyncadd.s32 $0xFFFF9C00  }
.LBB2_12:
0xa9: {  	v20 =	vld [tilespmem:s19+$0x20];
	_ =	sdelay $0x1  }
0xaa: {  	v21 =	vld [tilespmem:s19+$0xFFFFFFC0]  }
0xab: {  	v22 =	vld [tilespmem:s19+$0xFFFFFFE0]  }
0xac: {  	v23 =	vld [tilespmem:s19+$0x0]  }
0xad: {  	v20 =	vadd.s32 v0, v20  }
0xae: {  	s20 =	sadd.s32 $0x400, s19  }
0xaf: {  	v24 =	vld [tilespmem:s20+$0x20];
	v21 =	vadd.s32 v0, v21  }
0xb0: {  	v25 =	vld [tilespmem:s20+$0xFFFFFFC0];
	v22 =	vadd.s32 v0, v22  }
0xb1: {  	v26 =	vld [tilespmem:s20+$0x0];
	v23 =	vadd.s32 v0, v23  }
0xb2: {  	[tilespmem:v20+s12+$0x0] =	vst.idx.add.f32.msk $0xffff, v3  }
0xb3: {  	v20 =	vld [tilespmem:s19+$0x30]  }
0xb4: {  	[tilespmem:v21+s12+$0x0] =	vst.idx.add.f32.msk $0xffff, v3  }
0xb5: {  	[tilespmem:v22+s12+$0x0] =	vst.idx.add.f32.msk $0xffff, v3  }
0xb6: {  	v25 =	vadd.s32 v0, v25;
	[tilespmem:v23+s12+$0x0] =	vst.idx.add.f32.msk $0xffff, v3  }
0xb7: {  	v23 =	vadd.s32 v0, v24;
	v21 =	vld [tilespmem:s19+$0xFFFFFFD0]  }
0xb8: {  	v22 =	vld [tilespmem:s20+$0xFFFFFFE0];
	v20 =	vadd.s32 v0, v20  }
0xb9: {  	v63 =	vld [tilespmem:s19+$0xFFFFFFF0]  }
0xba: {  	v26 =	vadd.s32 v0, v26;
	v27 =	vld [tilespmem:s19+$0x10]  }
0xbb: {  	[tilespmem:v25+s12+$0x0] =	vst.idx.add.f32.msk $0xffff, v3  }
0xbc: {  	[tilespmem:v23+s12+$0x0] =	vst.idx.add.f32.msk $0xffff, v3;
	v21 =	vadd.s32 v0, v21  }
0xbd: {  	[tilespmem:v20+s13+$0x0] =	vst.idx.add.f32.msk $0xffff, v3;
	v20 =	vadd.s32 v0, v22  }
0xbe: {  	v22 =	vld [tilespmem:s20+$0x30]  }
0xbf: {  	[tilespmem:v26+s12+$0x0] =	vst.idx.add.f32.msk $0xffff, v3  }
0xc0: {  	v23 =	vld [tilespmem:s20+$0xFFFFFFD0]  }
0xc1: {  	[tilespmem:v21+s13+$0x0] =	vst.idx.add.f32.msk $0xffff, v3  }
0xc2: {  	s21 =	simm.s32 $0x8;
	s22 =	sadd.s32 $0x400, s20;
	v21 =	vadd.s32 v0, v27;
	[tilespmem:v20+s12+$0x0] =	vst.idx.add.f32.msk $0xffff, v3;
	v20 =	vadd.s32 v0, v63  }
.LBB2_13:
0xc3: {  	v24 =	vld [tilespmem:s22+$0x20];
	s21 =	sadd.s32 $0x8, s21;
	v22 =	vadd.s32 v0, v22  }
0xc4: {  	v25 =	vld [tilespmem:s22+$0xFFFFFFE0];
	p0 =	slt.u32 s21, $0xC0  }
0xc5: {  	v26 =	vld [tilespmem:s22+$0x0]  }
0xc6: {  	v27 =	vld [tilespmem:s22+$0xFFFFFFC0]  }
0xc7: {  	v23 =	vadd.s32 v0, v23;
	v28 =	vld [tilespmem:s20+$0xFFFFFFF0]  }
0xc8: {  	v24 =	vadd.s32 v0, v24;
	[tilespmem:v22+s13+$0x0] =	vst.idx.add.f32.msk $0xffff, v3  }
0xc9: {  	v25 =	vadd.s32 v0, v25;
	v29 =	vld [tilespmem:s20+$0x10];
	s20 =	smov.u32 s22  }
0xca: {  	v26 =	vadd.s32 v0, v26;
	[tilespmem:v20+s13+$0x0] =	vst.idx.add.f32.msk $0xffff, v3  }
0xcb: {  	v27 =	vadd.s32 v0, v27;
	[tilespmem:v21+s13+$0x0] =	vst.idx.add.f32.msk $0xffff, v3  }
0xcc: {  	[tilespmem:v23+s13+$0x0] =	vst.idx.add.f32.msk $0xffff, v3;
	v20 =	vadd.s32 v0, v28  }
0xcd: {  	[tilespmem:v24+s12+$0x0] =	vst.idx.add.f32.msk $0xffff, v3  }
.Ltmp5:
0xce: {  	v22 =	vld [tilespmem:s22+$0x30];
	v21 =	vadd.s32 v0, v29;
	(pc) =	sbr.rel @p0 .LBB2_13-.Ltmp5, $4  }
0xcf: {  	[tilespmem:v25+s12+$0x0] =	vst.idx.add.f32.msk $0xffff, v3  }
0xd0: {  	[tilespmem:v27+s12+$0x0] =	vst.idx.add.f32.msk $0xffff, v3  }
0xd1: {  	[tilespmem:v26+s12+$0x0] =	vst.idx.add.f32.msk $0xffff, v3  }
0xd2: {  	s22 =	sadd.s32 $0x400, s22;
	v23 =	vld [tilespmem:s20+$0xFFFFFFD0]  }
0xd3: {  	v24 =	vld [tilespmem:s20+$0xFFFFFFF0]  }
0xd4: {  	v25 =	vld [tilespmem:s20+$0x10];
	_ =	sdelay $0x1  }
0xd5: {  	v22 =	vadd.s32 v0, v22  }
0xd6: {  	v23 =	vadd.s32 v0, v23  }
0xd7: {  	s18 =	sadd.s32 $0x1, s18;
	v24 =	vadd.s32 v0, v24  }
0xd8: {  	[tilespmem:v20+s13+$0x0] =	vst.idx.add.f32.msk $0xffff, v3;
	p0 =	sne.s32 s18, $0x8;
	v63 =	vadd.s32 v0, v25  }
.Ltmp6:
0xd9: {  	[tilespmem:v21+s13+$0x0] =	vst.idx.add.f32.msk $0xffff, v3;
	(pc) =	sbr.rel @p0 .LBB2_12-.Ltmp6, $4  }
0xda: {  	[tilespmem:v22+s13+$0x0] =	vst.idx.add.f32.msk $0xffff, v3  }
0xdb: {  	[tilespmem:v23+s13+$0x0] =	vst.idx.add.f32.msk $0xffff, v3  }
0xdc: {  	[tilespmem:v24+s13+$0x0] =	vst.idx.add.f32.msk $0xffff, v3  }
0xdd: {  	s19 =	sadd.s32 $0x80, s19;
	[tilespmem:v63+s13+$0x0] =	vst.idx.add.f32.msk $0xffff, v3  }
0xde: {  	s18 =	simm.s32 $0x0  }
0xdf: {  	[tilespmem:s18], [sflag:$0x1] =	stream.linear.gather [hbm4b:s7+s18], $0x6400, $0x38;
	[tilespmem:$0x16F80] =	vst v63  }
0xe0: {  	_ =	swait.ge [sflag:s14], $0x6400  }
0xe1: {  	[sflag:s14] =	ssyncset.done $0x0  }
0xe2: {  	s19 =	simm.s32 $0x6440;
	[sflag:s14] =	ssyncadd.s32 $0xFFFF9C00  }
.LBB2_16:
0xe3: {  	v20 =	vld [tilespmem:s19+$0x20];
	_ =	sdelay $0x1  }
0xe4: {  	v21 =	vld [tilespmem:s19+$0xFFFFFFC0]  }
0xe5: {  	v22 =	vld [tilespmem:s19+$0xFFFFFFE0]  }
0xe6: {  	v23 =	vld [tilespmem:s19+$0x0]  }
0xe7: {  	v20 =	vadd.s32 v0, v20  }
0xe8: {  	s20 =	sadd.s32 $0x400, s19  }
0xe9: {  	v24 =	vld [tilespmem:s20+$0x20];
	v21 =	vadd.s32 v0, v21  }
0xea: {  	v25 =	vld [tilespmem:s20+$0xFFFFFFC0];
	v22 =	vadd.s32 v0, v22  }
0xeb: {  	v26 =	vld [tilespmem:s20+$0x0];
	v23 =	vadd.s32 v0, v23  }
0xec: {  	[tilespmem:v20+s12+$0x0] =	vst.idx.add.f32.msk $0xffff, v3  }
0xed: {  	v20 =	vld [tilespmem:s19+$0x30]  }
0xee: {  	[tilespmem:v21+s12+$0x0] =	vst.idx.add.f32.msk $0xffff, v3  }
0xef: {  	[tilespmem:v22+s12+$0x0] =	vst.idx.add.f32.msk $0xffff, v3  }
0xf0: {  	v25 =	vadd.s32 v0, v25;
	[tilespmem:v23+s12+$0x0] =	vst.idx.add.f32.msk $0xffff, v3  }
0xf1: {  	v23 =	vadd.s32 v0, v24;
	v21 =	vld [tilespmem:s19+$0xFFFFFFD0]  }
0xf2: {  	v22 =	vld [tilespmem:s20+$0xFFFFFFE0];
	v20 =	vadd.s32 v0, v20  }
0xf3: {  	v63 =	vld [tilespmem:s19+$0xFFFFFFF0]  }
0xf4: {  	v26 =	vadd.s32 v0, v26;
	v27 =	vld [tilespmem:s19+$0x10]  }
0xf5: {  	[tilespmem:v25+s12+$0x0] =	vst.idx.add.f32.msk $0xffff, v3  }
0xf6: {  	[tilespmem:v23+s12+$0x0] =	vst.idx.add.f32.msk $0xffff, v3;
	v21 =	vadd.s32 v0, v21  }
0xf7: {  	[tilespmem:v20+s13+$0x0] =	vst.idx.add.f32.msk $0xffff, v3;
	v20 =	vadd.s32 v0, v22  }
0xf8: {  	v22 =	vld [tilespmem:s20+$0x30]  }
0xf9: {  	[tilespmem:v26+s12+$0x0] =	vst.idx.add.f32.msk $0xffff, v3  }
0xfa: {  	v23 =	vld [tilespmem:s20+$0xFFFFFFD0]  }
0xfb: {  	[tilespmem:v21+s13+$0x0] =	vst.idx.add.f32.msk $0xffff, v3  }
0xfc: {  	s21 =	simm.s32 $0x8;
	s22 =	sadd.s32 $0x400, s20;
	v21 =	vadd.s32 v0, v27;
	[tilespmem:v20+s12+$0x0] =	vst.idx.add.f32.msk $0xffff, v3;
	v20 =	vadd.s32 v0, v63  }
.LBB2_17:
0xfd: {  	v24 =	vld [tilespmem:s22+$0x20];
	s21 =	sadd.s32 $0x8, s21;
	v22 =	vadd.s32 v0, v22  }
0xfe: {  	v25 =	vld [tilespmem:s22+$0xFFFFFFE0];
	p0 =	slt.u32 s21, $0xC0  }
0xff: {  	v26 =	vld [tilespmem:s22+$0x0]  }
0x100: {  	v27 =	vld [tilespmem:s22+$0xFFFFFFC0]  }
0x101: {  	v23 =	vadd.s32 v0, v23;
	v28 =	vld [tilespmem:s20+$0xFFFFFFF0]  }
0x102: {  	v24 =	vadd.s32 v0, v24;
	[tilespmem:v22+s13+$0x0] =	vst.idx.add.f32.msk $0xffff, v3  }
0x103: {  	v25 =	vadd.s32 v0, v25;
	v29 =	vld [tilespmem:s20+$0x10];
	s20 =	smov.u32 s22  }
0x104: {  	v26 =	vadd.s32 v0, v26;
	[tilespmem:v20+s13+$0x0] =	vst.idx.add.f32.msk $0xffff, v3  }
0x105: {  	v27 =	vadd.s32 v0, v27;
	[tilespmem:v21+s13+$0x0] =	vst.idx.add.f32.msk $0xffff, v3  }
0x106: {  	[tilespmem:v23+s13+$0x0] =	vst.idx.add.f32.msk $0xffff, v3;
	v20 =	vadd.s32 v0, v28  }
0x107: {  	[tilespmem:v24+s12+$0x0] =	vst.idx.add.f32.msk $0xffff, v3  }
.Ltmp7:
0x108: {  	v22 =	vld [tilespmem:s22+$0x30];
	v21 =	vadd.s32 v0, v29;
	(pc) =	sbr.rel @p0 .LBB2_17-.Ltmp7, $4  }
0x109: {  	[tilespmem:v25+s12+$0x0] =	vst.idx.add.f32.msk $0xffff, v3  }
0x10a: {  	[tilespmem:v27+s12+$0x0] =	vst.idx.add.f32.msk $0xffff, v3  }
0x10b: {  	[tilespmem:v26+s12+$0x0] =	vst.idx.add.f32.msk $0xffff, v3  }
0x10c: {  	s22 =	sadd.s32 $0x400, s22;
	v23 =	vld [tilespmem:s20+$0xFFFFFFD0]  }
0x10d: {  	v24 =	vld [tilespmem:s20+$0xFFFFFFF0]  }
0x10e: {  	v25 =	vld [tilespmem:s20+$0x10];
	_ =	sdelay $0x1  }
0x10f: {  	v22 =	vadd.s32 v0, v22  }
0x110: {  	v23 =	vadd.s32 v0, v23  }
0x111: {  	s18 =	sadd.s32 $0x1, s18;
	v24 =	vadd.s32 v0, v24  }
0x112: {  	[tilespmem:v20+s13+$0x0] =	vst.idx.add.f32.msk $0xffff, v3;
	p0 =	sne.s32 s18, $0x8;
	v63 =	vadd.s32 v0, v25  }
.Ltmp8:
0x113: {  	[tilespmem:v21+s13+$0x0] =	vst.idx.add.f32.msk $0xffff, v3;
	(pc) =	sbr.rel @p0 .LBB2_16-.Ltmp8, $4  }
0x114: {  	[tilespmem:v22+s13+$0x0] =	vst.idx.add.f32.msk $0xffff, v3  }
0x115: {  	[tilespmem:v23+s13+$0x0] =	vst.idx.add.f32.msk $0xffff, v3  }
0x116: {  	[tilespmem:v24+s13+$0x0] =	vst.idx.add.f32.msk $0xffff, v3  }
0x117: {  	s19 =	sadd.s32 $0x80, s19;
	[tilespmem:v63+s13+$0x0] =	vst.idx.add.f32.msk $0xffff, v3  }
0x118: {  	_ =	swait.ge [sflag:s11], $0x6400  }
0x119: {  	[sflag:s11] =	ssyncset.done $0x0  }
0x11a: {  	s18 =	simm.s32 $0x0;
	s19 =	simm.s32 $0x40;
	[sflag:s11] =	ssyncadd.s32 $0xFFFF9C00  }
.LBB2_20:
0x11b: {  	v20 =	vld [tilespmem:s19+$0x20];
	_ =	sdelay $0x1  }
0x11c: {  	v21 =	vld [tilespmem:s19+$0xFFFFFFC0]  }
0x11d: {  	v22 =	vld [tilespmem:s19+$0xFFFFFFE0]  }
0x11e: {  	v23 =	vld [tilespmem:s19+$0x0]  }
0x11f: {  	v20 =	vadd.s32 v0, v20  }
0x120: {  	s20 =	sadd.s32 $0x400, s19  }
0x121: {  	v24 =	vld [tilespmem:s20+$0x20];
	v21 =	vadd.s32 v0, v21  }
0x122: {  	v25 =	vld [tilespmem:s20+$0xFFFFFFC0];
	v22 =	vadd.s32 v0, v22  }
0x123: {  	v26 =	vld [tilespmem:s20+$0x0];
	v23 =	vadd.s32 v0, v23  }
0x124: {  	[tilespmem:v20+s12+$0x0] =	vst.idx.add.f32.msk $0xffff, v3  }
0x125: {  	v20 =	vld [tilespmem:s19+$0x30]  }
0x126: {  	[tilespmem:v21+s12+$0x0] =	vst.idx.add.f32.msk $0xffff, v3  }
0x127: {  	[tilespmem:v22+s12+$0x0] =	vst.idx.add.f32.msk $0xffff, v3  }
0x128: {  	v25 =	vadd.s32 v0, v25;
	[tilespmem:v23+s12+$0x0] =	vst.idx.add.f32.msk $0xffff, v3  }
0x129: {  	v23 =	vadd.s32 v0, v24;
	v21 =	vld [tilespmem:s19+$0xFFFFFFD0]  }
0x12a: {  	v22 =	vld [tilespmem:s20+$0xFFFFFFE0];
	v20 =	vadd.s32 v0, v20  }
0x12b: {  	v63 =	vld [tilespmem:s19+$0xFFFFFFF0]  }
0x12c: {  	v26 =	vadd.s32 v0, v26;
	v27 =	vld [tilespmem:s19+$0x10]  }
0x12d: {  	[tilespmem:v25+s12+$0x0] =	vst.idx.add.f32.msk $0xffff, v3  }
0x12e: {  	[tilespmem:v23+s12+$0x0] =	vst.idx.add.f32.msk $0xffff, v3;
	v21 =	vadd.s32 v0, v21  }
0x12f: {  	[tilespmem:v20+s13+$0x0] =	vst.idx.add.f32.msk $0xffff, v3;
	v20 =	vadd.s32 v0, v22  }
0x130: {  	v22 =	vld [tilespmem:s20+$0x30]  }
0x131: {  	[tilespmem:v26+s12+$0x0] =	vst.idx.add.f32.msk $0xffff, v3  }
0x132: {  	v23 =	vld [tilespmem:s20+$0xFFFFFFD0]  }
0x133: {  	[tilespmem:v21+s13+$0x0] =	vst.idx.add.f32.msk $0xffff, v3  }
0x134: {  	s21 =	simm.s32 $0x8;
	s22 =	sadd.s32 $0x400, s20;
	v21 =	vadd.s32 v0, v27;
	[tilespmem:v20+s12+$0x0] =	vst.idx.add.f32.msk $0xffff, v3;
	v20 =	vadd.s32 v0, v63  }
.LBB2_21:
0x135: {  	v24 =	vld [tilespmem:s22+$0x20];
	s21 =	sadd.s32 $0x8, s21;
	v22 =	vadd.s32 v0, v22  }
0x136: {  	v25 =	vld [tilespmem:s22+$0xFFFFFFE0];
	p0 =	slt.u32 s21, $0xC0  }
0x137: {  	v26 =	vld [tilespmem:s22+$0x0]  }
0x138: {  	v27 =	vld [tilespmem:s22+$0xFFFFFFC0]  }
0x139: {  	v23 =	vadd.s32 v0, v23;
	v28 =	vld [tilespmem:s20+$0xFFFFFFF0]  }
0x13a: {  	v24 =	vadd.s32 v0, v24;
	[tilespmem:v22+s13+$0x0] =	vst.idx.add.f32.msk $0xffff, v3  }
0x13b: {  	v25 =	vadd.s32 v0, v25;
	v29 =	vld [tilespmem:s20+$0x10];
	s20 =	smov.u32 s22  }
0x13c: {  	v26 =	vadd.s32 v0, v26;
	[tilespmem:v20+s13+$0x0] =	vst.idx.add.f32.msk $0xffff, v3  }
0x13d: {  	v27 =	vadd.s32 v0, v27;
	[tilespmem:v21+s13+$0x0] =	vst.idx.add.f32.msk $0xffff, v3  }
0x13e: {  	[tilespmem:v23+s13+$0x0] =	vst.idx.add.f32.msk $0xffff, v3;
	v20 =	vadd.s32 v0, v28  }
0x13f: {  	[tilespmem:v24+s12+$0x0] =	vst.idx.add.f32.msk $0xffff, v3  }
.Ltmp9:
0x140: {  	v22 =	vld [tilespmem:s22+$0x30];
	v21 =	vadd.s32 v0, v29;
	(pc) =	sbr.rel @p0 .LBB2_21-.Ltmp9, $4  }
0x141: {  	[tilespmem:v25+s12+$0x0] =	vst.idx.add.f32.msk $0xffff, v3  }
0x142: {  	[tilespmem:v27+s12+$0x0] =	vst.idx.add.f32.msk $0xffff, v3  }
0x143: {  	[tilespmem:v26+s12+$0x0] =	vst.idx.add.f32.msk $0xffff, v3  }
0x144: {  	s22 =	sadd.s32 $0x400, s22;
	v23 =	vld [tilespmem:s20+$0xFFFFFFD0]  }
0x145: {  	v24 =	vld [tilespmem:s20+$0xFFFFFFF0]  }
0x146: {  	v25 =	vld [tilespmem:s20+$0x10];
	_ =	sdelay $0x1  }
0x147: {  	v22 =	vadd.s32 v0, v22  }
0x148: {  	v23 =	vadd.s32 v0, v23  }
0x149: {  	s18 =	sadd.s32 $0x1, s18;
	v24 =	vadd.s32 v0, v24  }
0x14a: {  	[tilespmem:v20+s13+$0x0] =	vst.idx.add.f32.msk $0xffff, v3;
	p0 =	sne.s32 s18, $0x8;
	v63 =	vadd.s32 v0, v25  }
.Ltmp10:
0x14b: {  	[tilespmem:v21+s13+$0x0] =	vst.idx.add.f32.msk $0xffff, v3;
	(pc) =	sbr.rel @p0 .LBB2_20-.Ltmp10, $4  }
0x14c: {  	[tilespmem:v22+s13+$0x0] =	vst.idx.add.f32.msk $0xffff, v3  }
0x14d: {  	[tilespmem:v23+s13+$0x0] =	vst.idx.add.f32.msk $0xffff, v3  }
0x14e: {  	[tilespmem:v24+s13+$0x0] =	vst.idx.add.f32.msk $0xffff, v3  }
0x14f: {  	s19 =	sadd.s32 $0x80, s19;
	[tilespmem:v63+s13+$0x0] =	vst.idx.add.f32.msk $0xffff, v3  }
0x150: {  	s18 =	simm.s32 $0x10  }
0x151: {  	s19 =	simm.s32 $0x0;
	v20 =	vmov s18  }
0x152: {  	v21 =	vmov s19;
	v20 =	vshll.u32 v20, $0x4  }
0x153: {  	v21 =	vshll.u32 v21, $0x4;
	v20 =	vor.u32 v1, v20  }
0x154: {  	v21 =	vor.u32 v1, v21;
	_ =	sdelay $0x2  }
0x155: {  	v22 =	vor.u32 $0x1, v21  }
0x156: {  	v24 =	vld.idx.msk [tilespmem:v20+s12+$0x0], $0xffff  }
0x157: {  	v23 =	vor.u32 $0x2, v21;
	v25 =	vld.idx.msk [tilespmem:v21+s12+$0x0], $0xffff  }
0x158: {  	v26 =	vld.idx.msk [tilespmem:v21+s13+$0x0], $0xffff  }
0x159: {  	v27 =	vor.u32 $0x3, v21;
	v63 =	vld.idx.msk [tilespmem:v20+s13+$0x0], $0xffff  }
0x15a: {  	v28 =	vld.idx.msk [tilespmem:v22+s12+$0x0], $0xffff  }
0x15b: {  	v29 =	vor.u32 $0x4, v21;
	v22 =	vld.idx.msk [tilespmem:v22+s13+$0x0], $0xffff  }
0x15c: {  	v30 =	vld.idx.msk [tilespmem:v23+s12+$0x0], $0xffff  }
0x15d: {  	v31 =	vor.u32 $0x5, v21;
	v23 =	vld.idx.msk [tilespmem:v23+s13+$0x0], $0xffff  }
0x15e: {  	v32 =	vld.idx.msk [tilespmem:v27+s12+$0x0], $0xffff  }
0x15f: {  	v33 =	vor.u32 $0x6, v21;
	v27 =	vld.idx.msk [tilespmem:v27+s13+$0x0], $0xffff  }
0x160: {  	v34 =	vld.idx.msk [tilespmem:v29+s12+$0x0], $0xffff  }
0x161: {  	v35 =	vor.u32 $0x7, v21;
	v29 =	vld.idx.msk [tilespmem:v29+s13+$0x0], $0xffff  }
0x162: {  	v36 =	vld.idx.msk [tilespmem:v31+s12+$0x0], $0xffff  }
0x163: {  	v37 =	vor.u32 $0x8, v21;
	v31 =	vld.idx.msk [tilespmem:v31+s13+$0x0], $0xffff  }
0x164: {  	v38 =	vld.idx.msk [tilespmem:v33+s12+$0x0], $0xffff  }
0x165: {  	v39 =	vor.u32 $0x9, v21;
	v33 =	vld.idx.msk [tilespmem:v33+s13+$0x0], $0xffff  }
0x166: {  	v40 =	vld.idx.msk [tilespmem:v35+s12+$0x0], $0xffff  }
0x167: {  	v41 =	vor.u32 $0xA, v21;
	v35 =	vld.idx.msk [tilespmem:v35+s13+$0x0], $0xffff  }
0x168: {  	v42 =	vld.idx.msk [tilespmem:v37+s12+$0x0], $0xffff  }
0x169: {  	v58 =	vor.u32 $0x1, v20;
	v37 =	vld.idx.msk [tilespmem:v37+s13+$0x0], $0xffff  }
0x16a: {  	v59 =	vor.u32 $0x2, v20;
	v44 =	vld.idx.msk [tilespmem:v39+s12+$0x0], $0xffff  }
0x16b: {  	v39 =	vld.idx.msk [tilespmem:v39+s13+$0x0], $0xffff  }
0x16c: {  	v60 =	vor.u32 $0x3, v20;
	v46 =	vld.idx.msk [tilespmem:v41+s12+$0x0], $0xffff;
	v25 =	vadd.f32 v28, v25  }
0x16d: {  	v62 =	vor.u32 $0x4, v20;
	v41 =	vld.idx.msk [tilespmem:v41+s13+$0x0], $0xffff;
	v22 =	vadd.f32 v22, v26  }
0x16e: {  	v49 =	vor.u32 $0x5, v20;
	v61 =	vld.idx.msk [tilespmem:v58+s12+$0x0], $0xffff;
	v25 =	vadd.f32 v30, v25  }
0x16f: {  	v43 =	vor.u32 $0xB, v21;
	v48 =	vld.idx.msk [tilespmem:v59+s12+$0x0], $0xffff;
	v22 =	vadd.f32 v23, v22  }
0x170: {  	v50 =	vld.idx.msk [tilespmem:v59+s13+$0x0], $0xffff;
	v25 =	vadd.f32 v32, v25  }
0x171: {  	v45 =	vor.u32 $0xC, v21;
	v51 =	vld.idx.msk [tilespmem:v60+s12+$0x0], $0xffff;
	v22 =	vadd.f32 v27, v22  }
0x172: {  	v53 =	vld.idx.msk [tilespmem:v62+s12+$0x0], $0xffff;
	v25 =	vadd.f32 v34, v25  }
0x173: {  	v47 =	vor.u32 $0xD, v21;
	v55 =	vld.idx.msk [tilespmem:v49+s12+$0x0], $0xffff;
	v22 =	vadd.f32 v29, v22  }
0x174: {  	v26 =	vld.idx.msk [tilespmem:v43+s12+$0x0], $0xffff;
	v25 =	vadd.f32 v36, v25  }
0x175: {  	v28 =	vld.idx.msk [tilespmem:v43+s13+$0x0], $0xffff;
	v22 =	vadd.f32 v31, v22  }
0x176: {  	v57 =	vor.u32 $0xE, v21;
	v23 =	vld.idx.msk [tilespmem:v45+s12+$0x0], $0xffff;
	v25 =	vadd.f32 v38, v25  }
0x177: {  	v30 =	vld.idx.msk [tilespmem:v45+s13+$0x0], $0xffff;
	v22 =	vadd.f32 v33, v22  }
0x178: {  	v52 =	vor.u32 $0x6, v20;
	v45 =	vld.idx.msk [tilespmem:v47+s13+$0x0], $0xffff;
	v25 =	vadd.f32 v40, v25  }
0x179: {  	v27 =	vld.idx.msk [tilespmem:v47+s12+$0x0], $0xffff;
	v22 =	vadd.f32 v35, v22  }
0x17a: {  	v21 =	vor.u32 $0xF, v21;
	v32 =	vld.idx.msk [tilespmem:v58+s13+$0x0], $0xffff;
	v25 =	vadd.f32 v42, v25  }
0x17b: {  	v29 =	vld.idx.msk [tilespmem:v57+s12+$0x0], $0xffff;
	v22 =	vadd.f32 v37, v22  }
0x17c: {  	v34 =	vld.idx.msk [tilespmem:v57+s13+$0x0], $0xffff;
	v25 =	vadd.f32 v44, v25  }
0x17d: {  	v57 =	vld.idx.msk [tilespmem:v52+s12+$0x0], $0xffff;
	v22 =	vadd.f32 v39, v22  }
0x17e: {  	v54 =	vor.u32 $0x7, v20;
	v24 =	vadd.f32 v61, v24;
	v36 =	vld.idx.msk [tilespmem:v60+s13+$0x0], $0xffff;
	v25 =	vadd.f32 v46, v25  }
0x17f: {  	v31 =	vld.idx.msk [tilespmem:v21+s12+$0x0], $0xffff;
	v32 =	vadd.f32 v32, v63;
	v22 =	vadd.f32 v41, v22  }
0x180: {  	v24 =	vadd.f32 v48, v24;
	v38 =	vld.idx.msk [tilespmem:v62+s13+$0x0], $0xffff;
	v25 =	vadd.f32 v26, v25  }
0x181: {  	v58 =	vor.u32 $0x9, v20;
	v21 =	vld.idx.msk [tilespmem:v21+s13+$0x0], $0xffff;
	v22 =	vadd.f32 v28, v22;
	v28 =	vadd.f32 v50, v32  }
0x182: {  	v56 =	vor.u32 $0x8, v20;
	v24 =	vadd.f32 v51, v24;
	v26 =	vld.idx.msk [tilespmem:v49+s13+$0x0], $0xffff;
	v23 =	vadd.f32 v23, v25  }
0x183: {  	v60 =	vld.idx.msk [tilespmem:v54+s13+$0x0], $0xffff;
	v22 =	vadd.f32 v30, v22;
	v28 =	vadd.f32 v36, v28  }
0x184: {  	v61 =	vor.u32 $0xB, v20;
	v24 =	vadd.f32 v53, v24;
	v25 =	vld.idx.msk [tilespmem:v52+s13+$0x0], $0xffff;
	v23 =	vadd.f32 v27, v23  }
0x185: {  	v30 =	vld.idx.msk [tilespmem:v54+s12+$0x0], $0xffff;
	v22 =	vadd.f32 v45, v22;
	v27 =	vadd.f32 v38, v28  }
0x186: {  	v59 =	vor.u32 $0xA, v20;
	v24 =	vadd.f32 v55, v24;
	v63 =	vld.idx.msk [tilespmem:v58+s12+$0x0], $0xffff;
	v23 =	vadd.f32 v29, v23  }
0x187: {  	v28 =	vld.idx.msk [tilespmem:v56+s12+$0x0], $0xffff;
	v29 =	vadd.f32 v34, v22;
	v26 =	vadd.f32 v26, v27  }
0x188: {  	v62 =	vld.idx.msk [tilespmem:v56+s13+$0x0], $0xffff;
	v24 =	vadd.f32 v57, v24;
	v23 =	vadd.f32 v31, v23  }
0x189: {  	v37 =	vld.idx.msk [tilespmem:v61+s12+$0x0], $0xffff;
	v22 =	vor.u32 $0xC, v20;
	v21 =	vadd.f32 v21, v29;
	v29 =	vadd.f32 v25, v26  }
0x18a: {  	v27 =	vld.idx.msk [tilespmem:v58+s13+$0x0], $0xffff;
	v24 =	vadd.f32 v30, v24  }
0x18b: {  	v26 =	vld.idx.msk [tilespmem:v59+s12+$0x0], $0xffff;
	v30 =	vadd.f32 v21, v23;
	v29 =	vadd.f32 v60, v29;
	v23 =	vor.u32 $0xD, v20  }
0x18c: {  	v25 =	vld.idx.msk [tilespmem:v59+s13+$0x0], $0xffff;
	v24 =	vadd.f32 v28, v24  }
0x18d: {  	s18 =	simm.s32 $0x16A10;
	v39 =	vld.idx.msk [tilespmem:v61+s13+$0x0], $0xffff;
	v21 =	vor.u32 $0xE, v20;
	v28 =	vadd.f32 v62, v29  }
0x18e: {  	s20 =	simm.s32 $0x30;
	s19 =	simm.s32 $0x0;
	v20 =	vor.u32 $0xF, v20;
	v24 =	vadd.f32 v63, v24;
	v38 =	vld.idx.msk [tilespmem:v22+s12+$0x0], $0xffff;
	[tilespmem:s18+$0xFFFFFFF0] =	vst v30  }
.LBB2_24:
0x18f: {  	s21 =	sadd.s32 $0xFFFFFFF0, s20;
	v29 =	vmov s20;
	v27 =	vadd.f32 v27, v28;
	v40 =	vld.idx.msk [tilespmem:v22+s13+$0x0], $0xffff  }
0x190: {  	v22 =	vmov s21;
	v28 =	vshll.u32 v29, $0x4;
	v41 =	vadd.f32 v26, v24;
	v42 =	vld.idx.msk [tilespmem:v23+s12+$0x0], $0xffff  }
0x191: {  	s19 =	sadd.s32 $0x2, s19;
	v22 =	vshll.u32 v22, $0x4;
	v33 =	vor.u32 v1, v28;
	v43 =	vadd.f32 v25, v27;
	v44 =	vld.idx.msk [tilespmem:v23+s13+$0x0], $0xffff  }
0x192: {  	p0 =	slt.u32 s19, $0x4E;
	v45 =	vor.u32 v1, v22;
	v35 =	vor.u32 $0x1, v33;
	v34 =	vor.u32 $0x2, v33;
	v46 =	vld.idx.msk [tilespmem:v21+s12+$0x0], $0xffff  }
0x193: {  	v32 =	vor.u32 $0x3, v33;
	v31 =	vor.u32 $0x4, v33;
	v30 =	vor.u32 $0x5, v33;
	v47 =	vld.idx.msk [tilespmem:v21+s13+$0x0], $0xffff  }
0x194: {  	v29 =	vor.u32 $0x6, v33;
	v28 =	vor.u32 $0x7, v33;
	v48 =	vor.u32 $0x1, v45;
	v49 =	vld.idx.msk [tilespmem:v20+s12+$0x0], $0xffff  }
0x195: {  	v27 =	vor.u32 $0x8, v33;
	v26 =	vor.u32 $0x9, v33;
	v25 =	vor.u32 $0xA, v33;
	v50 =	vld.idx.msk [tilespmem:v20+s13+$0x0], $0xffff  }
0x196: {  	v24 =	vor.u32 $0xB, v33;
	v22 =	vor.u32 $0xC, v33;
	v51 =	vor.u32 $0x2, v45;
	v36 =	vld.idx.msk [tilespmem:v33+s12+$0x0], $0xffff  }
0x197: {  	v23 =	vor.u32 $0xD, v33;
	v37 =	vadd.f32 v37, v41;
	v39 =	vadd.f32 v39, v43;
	v52 =	vld.idx.msk [tilespmem:v45+s12+$0x0], $0xffff  }
0x198: {  	v43 =	vor.u32 $0x3, v45;
	v21 =	vor.u32 $0xE, v33;
	v20 =	vor.u32 $0xF, v33;
	v41 =	vld.idx.msk [tilespmem:v45+s13+$0x0], $0xffff  }
0x199: {  	v37 =	vadd.f32 v38, v37;
	v38 =	vadd.f32 v40, v39;
	v53 =	vld.idx.msk [tilespmem:v48+s12+$0x0], $0xffff  }
0x19a: {  	v40 =	vor.u32 $0x4, v45;
	v39 =	vld.idx.msk [tilespmem:v48+s13+$0x0], $0xffff  }
0x19b: {  	v37 =	vadd.f32 v42, v37;
	v38 =	vadd.f32 v44, v38;
	v48 =	vld.idx.msk [tilespmem:v51+s12+$0x0], $0xffff  }
0x19c: {  	v44 =	vor.u32 $0x5, v45;
	v42 =	vld.idx.msk [tilespmem:v51+s13+$0x0], $0xffff  }
0x19d: {  	v37 =	vadd.f32 v46, v37;
	v38 =	vadd.f32 v47, v38;
	v51 =	vld.idx.msk [tilespmem:v43+s12+$0x0], $0xffff  }
0x19e: {  	v46 =	vor.u32 $0x6, v45;
	v43 =	vld.idx.msk [tilespmem:v43+s13+$0x0], $0xffff  }
0x19f: {  	v37 =	vadd.f32 v49, v37;
	v38 =	vadd.f32 v50, v38;
	v47 =	vld.idx.msk [tilespmem:v40+s12+$0x0], $0xffff  }
0x1a0: {  	v49 =	vadd.f32 v53, v52;
	v39 =	vadd.f32 v39, v41;
	v41 =	vor.u32 $0x7, v45;
	v40 =	vld.idx.msk [tilespmem:v40+s13+$0x0], $0xffff  }
0x1a1: {  	v37 =	vadd.f32 v38, v37;
	v50 =	vld.idx.msk [tilespmem:v44+s12+$0x0], $0xffff  }
0x1a2: {  	v38 =	vadd.f32 v48, v49;
	v39 =	vadd.f32 v42, v39;
	v42 =	vld.idx.msk [tilespmem:v44+s13+$0x0], $0xffff;
	v44 =	vor.u32 $0x8, v45  }
0x1a3: {  	v48 =	vld.idx.msk [tilespmem:v46+s12+$0x0], $0xffff;
	[tilespmem:s18+$0x0] =	vst v37  }
0x1a4: {  	v37 =	vadd.f32 v51, v38;
	v38 =	vadd.f32 v43, v39;
	v43 =	vor.u32 $0x9, v45;
	v39 =	vld.idx.msk [tilespmem:v46+s13+$0x0], $0xffff  }
0x1a5: {  	v46 =	vld.idx.msk [tilespmem:v41+s12+$0x0], $0xffff  }
0x1a6: {  	v37 =	vadd.f32 v47, v37;
	v38 =	vadd.f32 v40, v38;
	v40 =	vld.idx.msk [tilespmem:v41+s13+$0x0], $0xffff;
	v41 =	vor.u32 $0xA, v45  }
0x1a7: {  	v47 =	vld.idx.msk [tilespmem:v44+s12+$0x0], $0xffff  }
0x1a8: {  	v37 =	vadd.f32 v50, v37;
	v38 =	vadd.f32 v42, v38;
	v42 =	vld.idx.msk [tilespmem:v44+s13+$0x0], $0xffff;
	v44 =	vor.u32 $0xB, v45  }
0x1a9: {  	v49 =	vld.idx.msk [tilespmem:v43+s12+$0x0], $0xffff  }
0x1aa: {  	v37 =	vadd.f32 v48, v37;
	v38 =	vadd.f32 v39, v38;
	v39 =	vld.idx.msk [tilespmem:v43+s13+$0x0], $0xffff;
	v43 =	vor.u32 $0xC, v45  }
0x1ab: {  	v48 =	vld.idx.msk [tilespmem:v41+s12+$0x0], $0xffff  }
0x1ac: {  	v37 =	vadd.f32 v46, v37;
	v38 =	vadd.f32 v40, v38;
	v40 =	vld.idx.msk [tilespmem:v41+s13+$0x0], $0xffff;
	v41 =	vor.u32 $0xD, v45  }
0x1ad: {  	v46 =	vld.idx.msk [tilespmem:v44+s12+$0x0], $0xffff  }
0x1ae: {  	v37 =	vadd.f32 v47, v37;
	v38 =	vadd.f32 v42, v38;
	v42 =	vld.idx.msk [tilespmem:v44+s13+$0x0], $0xffff;
	v44 =	vor.u32 $0xE, v45  }
0x1af: {  	v47 =	vld.idx.msk [tilespmem:v43+s12+$0x0], $0xffff  }
0x1b0: {  	v37 =	vadd.f32 v49, v37;
	v38 =	vadd.f32 v39, v38;
	v39 =	vld.idx.msk [tilespmem:v43+s13+$0x0], $0xffff;
	v43 =	vor.u32 $0xF, v45  }
0x1b1: {  	v45 =	vld.idx.msk [tilespmem:v41+s12+$0x0], $0xffff  }
0x1b2: {  	v37 =	vadd.f32 v48, v37;
	v38 =	vadd.f32 v40, v38;
	v40 =	vld.idx.msk [tilespmem:v41+s13+$0x0], $0xffff  }
0x1b3: {  	v41 =	vld.idx.msk [tilespmem:v44+s12+$0x0], $0xffff  }
0x1b4: {  	v37 =	vadd.f32 v46, v37;
	v38 =	vadd.f32 v42, v38;
	v42 =	vld.idx.msk [tilespmem:v44+s13+$0x0], $0xffff  }
0x1b5: {  	v44 =	vld.idx.msk [tilespmem:v43+s12+$0x0], $0xffff  }
0x1b6: {  	v37 =	vadd.f32 v47, v37;
	v38 =	vadd.f32 v39, v38;
	v39 =	vld.idx.msk [tilespmem:v43+s13+$0x0], $0xffff  }
0x1b7: {  	v43 =	vld.idx.msk [tilespmem:v35+s12+$0x0], $0xffff  }
0x1b8: {  	v37 =	vadd.f32 v45, v37;
	v38 =	vadd.f32 v40, v38;
	v35 =	vld.idx.msk [tilespmem:v35+s13+$0x0], $0xffff  }
0x1b9: {  	v33 =	vld.idx.msk [tilespmem:v33+s13+$0x0], $0xffff  }
0x1ba: {  	v37 =	vadd.f32 v41, v37;
	v38 =	vadd.f32 v42, v38;
	v40 =	vld.idx.msk [tilespmem:v34+s12+$0x0], $0xffff  }
0x1bb: {  	v34 =	vld.idx.msk [tilespmem:v34+s13+$0x0], $0xffff  }
0x1bc: {  	v37 =	vadd.f32 v44, v37;
	v38 =	vadd.f32 v39, v38;
	v39 =	vld.idx.msk [tilespmem:v32+s12+$0x0], $0xffff  }
0x1bd: {  	v36 =	vadd.f32 v43, v36;
	v32 =	vld.idx.msk [tilespmem:v32+s13+$0x0], $0xffff  }
0x1be: {  	v37 =	vadd.f32 v38, v37;
	v38 =	vld.idx.msk [tilespmem:v31+s12+$0x0], $0xffff  }
0x1bf: {  	s18 =	sadd.s32 $0x20, s18;
	v33 =	vadd.f32 v35, v33;
	v31 =	vld.idx.msk [tilespmem:v31+s13+$0x0], $0xffff  }
0x1c0: {  	v35 =	vadd.f32 v40, v36;
	[tilespmem:s18+$0xFFFFFFF0] =	vst v37;
	v36 =	vld.idx.msk [tilespmem:v30+s12+$0x0], $0xffff  }
0x1c1: {  	v33 =	vadd.f32 v34, v33;
	v30 =	vld.idx.msk [tilespmem:v30+s13+$0x0], $0xffff  }
0x1c2: {  	v34 =	vadd.f32 v39, v35;
	v35 =	vld.idx.msk [tilespmem:v29+s12+$0x0], $0xffff  }
0x1c3: {  	v32 =	vadd.f32 v32, v33;
	v29 =	vld.idx.msk [tilespmem:v29+s13+$0x0], $0xffff  }
0x1c4: {  	v33 =	vadd.f32 v38, v34;
	v34 =	vld.idx.msk [tilespmem:v28+s12+$0x0], $0xffff  }
0x1c5: {  	v31 =	vadd.f32 v31, v32;
	v28 =	vld.idx.msk [tilespmem:v28+s13+$0x0], $0xffff  }
0x1c6: {  	v32 =	vadd.f32 v36, v33;
	v33 =	vld.idx.msk [tilespmem:v27+s12+$0x0], $0xffff  }
0x1c7: {  	v30 =	vadd.f32 v30, v31;
	v31 =	vld.idx.msk [tilespmem:v27+s13+$0x0], $0xffff  }
0x1c8: {  	v32 =	vadd.f32 v35, v32;
	v35 =	vld.idx.msk [tilespmem:v26+s12+$0x0], $0xffff  }
0x1c9: {  	v29 =	vadd.f32 v29, v30;
	v27 =	vld.idx.msk [tilespmem:v26+s13+$0x0], $0xffff  }
.Ltmp11:
0x1ca: {  	v30 =	vadd.f32 v34, v32;
	v26 =	vld.idx.msk [tilespmem:v25+s12+$0x0], $0xffff;
	(pc) =	sbr.rel @p0 .LBB2_24-.Ltmp11, $4  }
0x1cb: {  	v28 =	vadd.f32 v28, v29;
	v25 =	vld.idx.msk [tilespmem:v25+s13+$0x0], $0xffff  }
0x1cc: {  	v29 =	vadd.f32 v33, v30;
	v37 =	vld.idx.msk [tilespmem:v24+s12+$0x0], $0xffff  }
0x1cd: {  	v28 =	vadd.f32 v31, v28;
	v39 =	vld.idx.msk [tilespmem:v24+s13+$0x0], $0xffff  }
0x1ce: {  	s20 =	sadd.s32 $0x20, s20;
	v24 =	vadd.f32 v35, v29;
	v38 =	vld.idx.msk [tilespmem:v22+s12+$0x0], $0xffff  }
0x1cf: {  	_ =	sdelay $0x2  }
0x1d0: {  	v27 =	vadd.f32 v27, v28  }
0x1d1: {  	v22 =	vld.idx.msk [tilespmem:v22+s13+$0x0], $0xffff  }
0x1d2: {  	v59 =	vld.idx.msk [tilespmem:v23+s12+$0x0], $0xffff;
	v24 =	vadd.f32 v26, v24;
	v25 =	vadd.f32 v25, v27  }
0x1d3: {  	v60 =	vld.idx.msk [tilespmem:v23+s13+$0x0], $0xffff  }
0x1d4: {  	v61 =	vld.idx.msk [tilespmem:v21+s12+$0x0], $0xffff;
	v24 =	vadd.f32 v37, v24;
	v25 =	vadd.f32 v39, v25  }
0x1d5: {  	v62 =	vld.idx.msk [tilespmem:v21+s13+$0x0], $0xffff  }
0x1d6: {  	v63 =	vld.idx.msk [tilespmem:v20+s12+$0x0], $0xffff;
	v24 =	vadd.f32 v38, v24;
	v22 =	vadd.f32 v22, v25  }
0x1d7: {  	v20 =	vld.idx.msk [tilespmem:v20+s13+$0x0], $0xffff  }
0x1d8: {  	v24 =	vadd.f32 v59, v24;
	v22 =	vadd.f32 v60, v22;
	_ =	sdelay $0x1  }
0x1d9: {  	v31 =	vadd.f32 v61, v24;
	v21 =	vadd.f32 v62, v22;
	_ =	sdelay $0x1  }
0x1da: {  	v32 =	vadd.f32 v63, v31;
	v20 =	vadd.f32 v20, v21;
	_ =	sdelay $0x1  }
0x1db: {  	v20 =	vadd.f32 v20, v32;
	_ =	sdelay $0x1  }
0x1dc: {  	[tilespmem:s18+$0x0] =	vst v20  }
0x1dd: {  	v20 =	vld.idx.msk [tilespmem:v4+s12+$0x0], $0xffff  }
0x1de: {  	v33 =	vld.idx.msk [tilespmem:v4+s13+$0x0], $0xffff  }
0x1df: {  	v34 =	vld.idx.msk [tilespmem:v5+s12+$0x0], $0xffff  }
0x1e0: {  	v35 =	vld.idx.msk [tilespmem:v5+s13+$0x0], $0xffff  }
0x1e1: {  	v36 =	vld.idx.msk [tilespmem:v6+s12+$0x0], $0xffff  }
0x1e2: {  	v37 =	vld.idx.msk [tilespmem:v6+s13+$0x0], $0xffff  }
0x1e3: {  	v38 =	vld.idx.msk [tilespmem:v7+s12+$0x0], $0xffff  }
0x1e4: {  	v39 =	vld.idx.msk [tilespmem:v7+s13+$0x0], $0xffff  }
0x1e5: {  	v40 =	vld.idx.msk [tilespmem:v8+s12+$0x0], $0xffff;
	v20 =	vadd.f32 v34, v20;
	v21 =	vadd.f32 v35, v33  }
0x1e6: {  	v41 =	vld.idx.msk [tilespmem:v8+s13+$0x0], $0xffff  }
0x1e7: {  	v42 =	vld.idx.msk [tilespmem:v9+s12+$0x0], $0xffff;
	v20 =	vadd.f32 v36, v20;
	v21 =	vadd.f32 v37, v21  }
0x1e8: {  	v43 =	vld.idx.msk [tilespmem:v9+s13+$0x0], $0xffff  }
0x1e9: {  	v44 =	vld.idx.msk [tilespmem:v10+s12+$0x0], $0xffff;
	v20 =	vadd.f32 v38, v20;
	v21 =	vadd.f32 v39, v21  }
0x1ea: {  	v45 =	vld.idx.msk [tilespmem:v10+s13+$0x0], $0xffff  }
0x1eb: {  	v46 =	vld.idx.msk [tilespmem:v11+s12+$0x0], $0xffff;
	v20 =	vadd.f32 v40, v20;
	v21 =	vadd.f32 v41, v21  }
0x1ec: {  	v47 =	vld.idx.msk [tilespmem:v11+s13+$0x0], $0xffff  }
0x1ed: {  	v48 =	vld.idx.msk [tilespmem:v12+s12+$0x0], $0xffff;
	v20 =	vadd.f32 v42, v20;
	v21 =	vadd.f32 v43, v21  }
0x1ee: {  	v49 =	vld.idx.msk [tilespmem:v12+s13+$0x0], $0xffff  }
0x1ef: {  	v50 =	vld.idx.msk [tilespmem:v13+s12+$0x0], $0xffff;
	v20 =	vadd.f32 v44, v20;
	v21 =	vadd.f32 v45, v21  }
0x1f0: {  	v51 =	vld.idx.msk [tilespmem:v13+s13+$0x0], $0xffff  }
0x1f1: {  	v52 =	vld.idx.msk [tilespmem:v14+s12+$0x0], $0xffff;
	v20 =	vadd.f32 v46, v20;
	v21 =	vadd.f32 v47, v21  }
0x1f2: {  	v53 =	vld.idx.msk [tilespmem:v14+s13+$0x0], $0xffff  }
0x1f3: {  	v54 =	vld.idx.msk [tilespmem:v15+s12+$0x0], $0xffff;
	v20 =	vadd.f32 v48, v20;
	v21 =	vadd.f32 v49, v21  }
0x1f4: {  	v55 =	vld.idx.msk [tilespmem:v15+s13+$0x0], $0xffff  }
0x1f5: {  	v56 =	vld.idx.msk [tilespmem:v16+s12+$0x0], $0xffff;
	v20 =	vadd.f32 v50, v20;
	v21 =	vadd.f32 v51, v21  }
0x1f6: {  	v57 =	vld.idx.msk [tilespmem:v16+s13+$0x0], $0xffff  }
0x1f7: {  	v58 =	vld.idx.msk [tilespmem:v17+s12+$0x0], $0xffff;
	v20 =	vadd.f32 v52, v20;
	v21 =	vadd.f32 v53, v21  }
0x1f8: {  	v59 =	vld.idx.msk [tilespmem:v17+s13+$0x0], $0xffff  }
0x1f9: {  	v60 =	vld.idx.msk [tilespmem:v18+s12+$0x0], $0xffff;
	v20 =	vadd.f32 v54, v20;
	v21 =	vadd.f32 v55, v21  }
0x1fa: {  	v61 =	vld.idx.msk [tilespmem:v18+s13+$0x0], $0xffff  }
0x1fb: {  	v62 =	vld.idx.msk [tilespmem:v19+s12+$0x0], $0xffff;
	v20 =	vadd.f32 v56, v20;
	v21 =	vadd.f32 v57, v21  }
0x1fc: {  	v63 =	vld.idx.msk [tilespmem:v19+s13+$0x0], $0xffff  }
0x1fd: {  	v20 =	vadd.f32 v58, v20;
	v21 =	vadd.f32 v59, v21;
	_ =	sdelay $0x1  }
0x1fe: {  	v20 =	vadd.f32 v60, v20;
	v21 =	vadd.f32 v61, v21;
	_ =	sdelay $0x1  }
0x1ff: {  	v20 =	vadd.f32 v62, v20;
	v21 =	vadd.f32 v63, v21;
	_ =	sdelay $0x1  }
0x200: {  	s17 =	sadd.s32 $0x1, s17;
	v20 =	vadd.f32 v21, v20  }
0x201: {  	p0 =	sne.s32 s17, s9  }
.Ltmp12:
0x202: {  	[tilespmem:$0x16F00] =	vst v20;
	(pc) =	sbr.rel @p0 .LBB2_1-.Ltmp12, $4  }
0x203: {  	[hbm4b:s8+s2] =	stream.linear.scatter [tilespmem:s15], [sflag:$0x3], $0x510, $0x38;
	[tilespmem:$0x16F80] =	vst v63  }
0x204: {  	_ =	swait.ge [sflag:s16], $0x510  }
0x205: {  	[sflag:s16] =	ssyncset.done $0x0  }
0x206: {  	[sflag:s16] =	ssyncadd.s32 $0xFFFFFAF0  }
0x207: {  	_ =	sfence.sel $0x180000  }
0x208: {  	[bflag:$0x0] =	sbarrier.arrive $0xFFFF  }
0x209: {  	p0 =	sne.s32 s1, $0x0;
	_ =	strace $0x90000047  }
0x20a: {  	s0 =	sadd.s32 @!p0 $0x100000, s0;
	[bflag:$0x2] =	sbarrier.arrive $0xFFFF  }
0x20b: {  	[sflag:s0] =	ssyncadd.tile.s32 @!p0 $0x1;
	_ =	shalt  }
.Lfunc_end2:
_tile_overlayer_lowered:
.L_overlay_start_2:
0x20c: {  	(tag) =	ssettag $0x2  }
0x20d: {  	s0 =	rddreg [dreg:$0x0];
	s2 =	stileid.u32  }
0x20e: {  	s1 =	rddreg [dreg:$0x1];
	p0 =	sne.s32 s2, $0x0  }
0x20f: {  	s3 =	rddreg [dreg:$0x2];
	[bflag:$0x3] =	sbarrier.arrive $0xFFFF;
	s2 =	simm.s32 @!p0 $0x1C03  }
0x210: {  	[timem:s3], [sflag:s2] =	dma.local @!p0 [hbm:s0], s1  }
0x211: {  	s0 =	simm.s32 @!p0 $0x3  }
0x212: {  	_ =	swait.ge @!p0 [sflag:s0], s1  }
0x213: {  	s1 =	ssub.s32 @!p0 $0x0, s1;
	[sflag:s0] =	ssyncset.done @!p0 $0x0  }
0x214: {  	[sflag:s0] =	ssyncadd.s32 @!p0 s1  }
0x215: {  	[bflag:$0x3] =	sbarrier.arrive $0xFFFF  }
0x216: {  	_ =	shalt  }

// kernel: kernel.7.cloned.1.call-start
scs
__scs_entry_jumppad:
0x0: {  	(pc) =	sbr.rel $0x88, $3  }
0x1: {  	(tag) =	ssettag $0x0;
	lr =	simm.s32 $0x1  }
0x2: {  	[smem:$0x3F9E] =	sst lr;
	_ =	strace $0xD0000000  }
0x3: {  	_ = 	snop  }
0x4: {  	_ = 	snop  }
0x5: {  	_ = 	snop  }
0x6: {  	_ = 	snop  }
0x7: {  	_ = 	snop  }
__scs_overlays_trampoline_lowered:
0x8: {  	[smem:$0x3FAD] =	sst s0  }
0x9: {  	[smem:$0x3FAE] =	sst s1  }
0xa: {  	[smem:$0x3FAF] =	sst s2  }
0xb: {  	[smem:$0x3FB0] =	sst s3  }
0xc: {  	[smem:$0x3FB1] =	sst s4  }
0xd: {  	[smem:$0x3FB2] =	sst s5  }
0xe: {  	[smem:$0x3FB3] =	sst s6  }
0xf: {  	[smem:$0x3FB4] =	sst s7  }
0x10: {  	[smem:$0x3FB5] =	sst s8  }
0x11: {  	[smem:$0x3FB6] =	sst s9;
	s0 =	simm.s32 @!p0 $0x0  }
0x12: {  	s1 =	sld [smem:$0x3F9C];
	s0 =	simm.s32 @p0 $0x1  }
0x13: {  	[smem:$0x3FB7] =	sst s0;
	s0 =	simm.s32 @!p1 $0x0  }
0x14: {  	s2 =	sld [smem:$0x3F9B];
	s0 =	simm.s32 @p1 $0x1  }
0x15: {  	[smem:$0x3FB8] =	sst s0;
	s0 =	simm.s32 @!p2 $0x0  }
0x16: {  	s3 =	sld [smem:$0x3FDB];
	s0 =	simm.s32 @p2 $0x1  }
0x17: {  	s4 =	simm.s32 $0x1BF5;
	[smem:$0x3FBA] =	sst s0  }
0x18: {  	s0 =	sld [smem:$0x3F9D];
	_ =	swait.ge [sflag:s4], $0x0  }
0x19: {  	s7 =	sld [smem:$0x3F9E]  }
0x1a: {  	s8 =	sadd.s32 $0xFFFFE003, lr  }
0x1b: {  	s9 =	sadd.s32 $0xFFFFFEF7, lr;
	s5 =	simm.s32 $0xFFFFFFFF;
	p2 =	slt.u32 s8, $0xFFFFF086  }
0x1c: {  	p1 =	slt.u32 s9, $0xF7A;
	s5 =	simm.s32 @!p2 $0x0  }
0x1d: {  	s5 =	simm.s32 @p1 $0x1;
	p0 =	seq.s32 s7, s2  }
0x1e: {  	s7 =	smul.u32 @!p0 $0xF7A, s2;
	p2 =	seq.s32 @!p0 s5, $0x0  }
0x1f: {  	s9 =	smul.u32 $0xF7A, s1;
	s8 =	simm.s32 @!p0 $0x1BF5;
	p2 =	por !p2, p0  }
0x20: {  	[sflag:s8] =	ssyncset.s32 @!p0 $0xFFFFF086;
	s6 =	sadd.s32 @!p0 s3, s7;
	s7 =	simm.s32 @!p0 $0x108  }
0x21: {  	s3 =	sadd.s32 s3, s9;
	s6 =	sadd.s32 @!p0 $0x88, s6;
	s7 =	simm.s32 @p2 $0x1082  }
0x22: {  	[simem:s7], [sflag:s8] =	dma.local @!p0 [hbm:s6], $0xF7A  }
0x23: {  	s9 =	sor.u32 $0xD0000000, s2;
	s6 =	simm.s32 $0x108;
	_ =	swait.ge @!p0 [sflag:s8], $0x0  }
0x24: {  	s3 =	sadd.s32 $0x88, s3;
	s6 =	simm.s32 @!p1 $0x1082;
	[sflag:s4] =	ssyncset.s32 $0xFFFFF086  }
0x25: {  	[simem:s6], [sflag:s4] =	dma.local [hbm:s3], $0xF7A  }
0x26: {  	[smem:$0x3F9E] =	sst s1;
	(tag) =	ssettag s2;
	_ =	strace s9  }
0x27: {  	s1 =	sld [smem:$0x3FAE]  }
0x28: {  	s2 =	sld [smem:$0x3FAF]  }
0x29: {  	s4 =	sld [smem:$0x3FB1]  }
0x2a: {  	p0 =	seq.s32 s5, $0x0;
	s5 =	sld [smem:$0x3FB2]  }
0x2b: {  	s6 =	sld [smem:$0x3FB3]  }
0x2c: {  	s7 =	sld [smem:$0x3FB4]  }
0x2d: {  	s3 =	simm.s32 $0x108;
	s8 =	sld [smem:$0x3FB5]  }
0x2e: {  	s3 =	simm.s32 @!p0 $0x1082;
	s9 =	sld [smem:$0x3FB6]  }
0x2f: {  	lr =	sadd.s32 s0, s3;
	s0 =	sld [smem:$0x3FAD]  }
0x30: {  	s3 =	sld [smem:$0x3FB0]  }
0x31: {  	[smem:$0x3FB9] =	sst s10  }
0x32: {  	s10 =	sld [smem:$0x3FB7];
	_ =	sdelay $0x3  }
0x33: {  	p0 =	seq.s32 s10, $0x1;
	s10 =	sld [smem:$0x3FB9];
	_ =	sdelay $0x3  }
0x34: {  	[smem:$0x3FB9] =	sst s10  }
0x35: {  	s10 =	sld [smem:$0x3FB8];
	_ =	sdelay $0x3  }
0x36: {  	p1 =	seq.s32 s10, $0x1;
	s10 =	sld [smem:$0x3FB9];
	_ =	sdelay $0x3  }
0x37: {  	[smem:$0x3FB9] =	sst s10  }
0x38: {  	s10 =	sld [smem:$0x3FBA]  }
0x39: {  	_ = 	snop;
	(pc) =	sbr.ind lr, $3  }
0x3a: {  	_ = 	snop  }
0x3b: {  	_ = 	snop  }
0x3c: {  	p2 =	seq.s32 s10, $0x1;
	s10 =	sld [smem:$0x3FB9]  }
0x3d: {  	_ =	shalt  }
0x3e: {  	_ =	shalt  }
0x3f: {  	_ =	shalt  }
0x40: {  	_ =	shalt  }
0x41: {  	_ =	shalt  }
0x42: {  	_ =	shalt  }
0x43: {  	_ =	shalt  }
0x44: {  	_ =	shalt  }
0x45: {  	_ =	shalt  }
0x46: {  	_ =	shalt  }
0x47: {  	_ =	shalt  }
0x48: {  	_ =	shalt  }
0x49: {  	_ =	shalt  }
0x4a: {  	_ =	shalt  }
0x4b: {  	_ =	shalt  }
0x4c: {  	_ =	shalt  }
0x4d: {  	_ =	shalt  }
0x4e: {  	_ =	shalt  }
0x4f: {  	_ =	shalt  }
0x50: {  	_ =	shalt  }
0x51: {  	_ =	shalt  }
0x52: {  	_ =	shalt  }
0x53: {  	_ =	shalt  }
0x54: {  	_ =	shalt  }
0x55: {  	_ =	shalt  }
0x56: {  	_ =	shalt  }
0x57: {  	_ =	shalt  }
0x58: {  	_ =	shalt  }
0x59: {  	_ =	shalt  }
0x5a: {  	_ =	shalt  }
0x5b: {  	_ =	shalt  }
0x5c: {  	_ =	shalt  }
0x5d: {  	_ =	shalt  }
0x5e: {  	_ =	shalt  }
0x5f: {  	_ =	shalt  }
0x60: {  	_ =	shalt  }
0x61: {  	_ =	shalt  }
0x62: {  	_ =	shalt  }
0x63: {  	_ =	shalt  }
0x64: {  	_ =	shalt  }
0x65: {  	_ =	shalt  }
0x66: {  	_ =	shalt  }
0x67: {  	_ =	shalt  }
0x68: {  	_ =	shalt  }
0x69: {  	_ =	shalt  }
0x6a: {  	_ =	shalt  }
0x6b: {  	_ =	shalt  }
0x6c: {  	_ =	shalt  }
0x6d: {  	_ =	shalt  }
0x6e: {  	_ =	shalt  }
0x6f: {  	_ =	shalt  }
0x70: {  	_ =	shalt  }
0x71: {  	_ =	shalt  }
0x72: {  	_ =	shalt  }
0x73: {  	_ =	shalt  }
0x74: {  	_ =	shalt  }
0x75: {  	_ =	shalt  }
0x76: {  	_ =	shalt  }
0x77: {  	_ =	shalt  }
0x78: {  	_ =	shalt  }
0x79: {  	_ =	shalt  }
0x7a: {  	_ =	shalt  }
0x7b: {  	_ =	shalt  }
0x7c: {  	_ =	shalt  }
0x7d: {  	_ =	shalt  }
0x7e: {  	_ =	shalt  }
0x7f: {  	_ =	shalt  }
0x80: {  	_ =	shalt  }
0x81: {  	_ =	shalt  }
0x82: {  	_ =	shalt  }
0x83: {  	_ =	shalt  }
0x84: {  	_ =	shalt  }
0x85: {  	_ =	shalt  }
0x86: {  	_ =	shalt  }
0x87: {  	_ =	shalt  }
.Lfunc_end0:
.L_simem_size_0:
called_computation_lowered:
.L_overlay_start_0:
0x88: {  	s2 =	sld [smem:$0x3FD9]  }
0x89: {  	s3 =	sld [smem:$0x3FFE];
	_ =	sdelay $0x1  }
0x8a: {  	s1 =	srdreg.scid  }
0x8b: {  	s0 =	sand.u32 $0x1, s1  }
0x8c: {  	s17 =	sshll.u32 s0, $0xA;
	s2 =	sadd.s32 s3, s2  }
0x8d: {  	s2 =	sadd.s32 s2, s17  }
0x8e: {  	[smem:$0x3FC5] =	sst s2  }
0x8f: {  	_ = 	snop  }
0x90: {  	(tm) =	ssettm $0x1  }
0x91: {  	s18 =	sld [smem:$0x3FFB];
	_ =	sdelay $0x3  }
0x92: {  	_ =	strace s18  }
0x93: {  	s2 =	sld [smem:$0x3FFC];
	_ =	sdelay $0x3  }
0x94: {  	_ =	strace s2  }
0x95: {  	s2 =	sld [smem:$0x3FFD];
	_ =	sdelay $0x3  }
0x96: {  	_ =	strace s2  }
0x97: {  	_ =	strace $0x8FFFFFFF  }
0x98: {  	s19 =	sld [smem:$0x3FDB];
	_ =	sdelay $0x1  }
0x99: {  	s20 =	simm.s32 $_scs_section_size  }
0x9a: {  	s4 =	simm.s32 $_size__tile_overlayer_lowered;
	s5 =	simm.s32 $_tile_overlayer_lowered  }
0x9b: {  	s6 =	simm.s32 $0x1BFF;
	s21 =	sshll.u32 s5, $0x1;
	s3 =	sadd.s32 s20, s19  }
0x9c: {  	s22 =	simm.s32 $0x0;
	s4 =	sshll.u32 s4, $0x1;
	s5 =	sadd.s32 s21, s3  }
0x9d: {  	[timem:s22], [sflag:s6] =	dma.local [hbm:s5], s4  }
0x9e: {  	_ =	swait.ge [sflag:s6], s4  }
0x9f: {  	s4 =	ssub.s32 $0x0, s4;
	[sflag:s6] =	ssyncset.done $0x0  }
0xa0: {  	[sflag:s6] =	ssyncadd.s32 s4;
	_ =	sdelay $0x1  }
0xa1: {  	s23 =	simm.s32 $0x1B8B  }
0xa2: {  	_ =	swait.ge [sflag:s23], $0x1  }
0xa3: {  	[sflag:s23] =	ssyncset.done $0x0  }
0xa4: {  	[sflag:s23] =	ssyncadd.s32 $0xFFFFFFFF  }
0xa5: {  	s4 =	sld [smem:$0x0]  }
0xa6: {  	s5 =	sand.u32 $0xFFFFFFFE, s1  }
0xa7: {  	p0 =	sne.s32 s1, s5  }
0xa8: {  	s5 =	sshll.u32 @p0 s5, $0xE  }
0xa9: {  	s5 =	sadd.s32 @p0 $0x11B8D, s5;
	s6 =	sshll.u32 @p0 s4, $0x11  }
0xaa: {  	s5 =	sor.u32 @p0 s6, s5  }
0xab: {  	[sflag:s5] =	ssyncadd.remote.s32 @p0 $0x1;
	_ =	sdelay $0x1  }
0xac: {  	s5 =	simm.s32 @p0 $0x1B8D  }
0xad: {  	_ =	swait.eq @p0 [sflag:s5], $0x1  }
0xae: {  	[sflag:s5] =	ssyncadd.s32 @p0 $0xFFFFFFFF  }
0xaf: {  	s6 =	sshll.u32 @!p0 s1, $0xE  }
0xb0: {  	s6 =	sor.u32 @!p0 $0x4000, s6;
	s5 =	simm.s32 @!p0 $0x1B8D  }
0xb1: {  	s4 =	sshll.u32 @!p0 s4, $0x11;
	s6 =	sadd.s32 @!p0 $0x11B8D, s6;
	_ =	swait.eq @!p0 [sflag:s5], $0x1  }
0xb2: {  	s4 =	sor.u32 @!p0 s4, s6;
	[sflag:s5] =	ssyncadd.s32 @!p0 $0xFFFFFFFF  }
0xb3: {  	s25 =	simm.s32 $0x1B8E;
	s24 =	sld [smem:$0x3FFE];
	[sflag:s4] =	ssyncadd.remote.s32 @!p0 $0x1  }
0xb4: {  	s26 =	simm.s32 $execute0_lowered;
	[smem:$0x3FD2] =	sst s25  }
0xb5: {  	s5 =	sshll.u32 s26, $0x1;
	_ =	strace $0x80000049;
	[dreg:$0x1] =	wrdreg $0xFFFFFFFF  }
0xb6: {  	s28 =	simm.s32 $_size_execute0_lowered;
	s3 =	sadd.s32 s3, s5;
	[dreg:$0x0] =	wrdreg $0x0  }
0xb7: {  	s5 =	sshll.u32 s28, $0x1;
	[dreg:$0x2] =	wrdreg s3  }
0xb8: {  	[dreg:$0x3] =	wrdreg s5  }
0xb9: {  	[dreg:$0x4] =	wrdreg $0xC0  }
0xba: {  	_ =	task [dreg:s22], $0x5FFFF  }
0xbb: {  	[dreg:$0x1] =	wrdreg $0xFFFFFFFF  }
0xbc: {  	[dreg:$0x0] =	wrdreg $0x60  }
0xbd: {  	[dreg:$0x2] =	wrdreg s24  }
0xbe: {  	[dreg:$0x3] =	wrdreg $0x9  }
0xbf: {  	_ =	task.clear_ibuf [dreg:s22], $0x4FFFF;
	_ =	strace $0x90000049  }
0xc0: {  	s29 =	simm.s32 $0x9;
	_ =	strace $0x8000004B  }
0xc1: {  	_ =	swait.ge [sflag:s29], $0x1  }
0xc2: {  	[sflag:s29] =	ssyncadd.s32 $0xFFFFFFFF  }
0xc3: {  	_ =	strace $0x9000004B  }
0xc4: {  	_ =	sfence  }
0xc5: {  	s30 =	sld [smem:$0x0];
	_ =	sdelay $0x2  }
0xc6: {  	s31 =	sshll.u32 s1, $0xD;
	s1 =	sshrl.u32 s1, $0x2  }
0xc7: {  	s4 =	sand.u32 $0x4000, s31;
	s1 =	sadd.s32 s1, s30  }
0xc8: {  	s0 =	sor.u32 s4, s0;
	s1 =	sshll.u32 s1, $0x11  }
0xc9: {  	s0 =	sor.u32 s1, s0  }
0xca: {  	s0 =	sadd.s32 $0x8F2B, s0  }
0xcb: {  	[sflag:s0] =	ssyncadd.remote.s32 $0x1  }
0xcc: {  	_ =	sfence.sel $0xFFFF  }
0xcd: {  	[dreg:$0x0] =	wrdreg $0xFFFFFFFF;
	(pc) =	sbr.abs _section_cstart, $3  }
0xce: {  	[dreg:$0x1] =	wrdreg $0xFFFFFFFF  }
0xcf: {  	_ =	task.clear_ibuf [dreg:s22], $0x2FFFF;
	_ =	strace $0x9FFFFFFF  }
0xd0: {  	(tm) =	ssettm $0x7FFFFFFF  }
0xd1: {  	_ =	shalt  }
tec
execute0_lowered:
.L_overlay_start_1:
0x0: {  	(tag) =	ssettag $0x1  }
0x1: {  	s3 =	rddreg [dreg:$0x0]  }
0x2: {  	s0 =	rddreg [dreg:$0x1]  }
0x3: {  	s4 =	srdreg.scid;
	s1 =	stileid.u32;
	s2 =	simm.s32 $0x0  }
0x4: {  	s11 =	simm.s32 $0x1;
	s12 =	simm.s32 $0xC800;
	s13 =	simm.s32 $0x11900  }
0x5: {  	v0 =	vlaneseq.u32;
	s14 =	simm.s32 $0x2;
	s4 =	sand.u32 $0x1, s4;
	s5 =	sshll.u32 s1, $0x1  }
0x6: {  	s15 =	simm.s32 $0x16A00;
	s16 =	simm.s32 $0x3;
	v1 =	vmul.u32 $0x10, v0;
	s5 =	sor.u32 s4, s5  }
0x7: {  	s17 =	simm.s32 $0x0;
	[smem:$0x7FF] =	sst s2;
	s6 =	smul.u32 $0x6400, s5  }
0x8: {  	v2 =	vimm.f32 $0.0e+00;
	v3 =	vimm.f32 $1.000000000e+00;
	s7 =	sadd.s32 $0x7FE00, s3;
	s4 =	ssub.s32 $0x2, s4;
	s8 =	smul.u32 $0xA2, s5;
	v4 =	vor.u32 $0x5000, v1  }
0x9: {  	_ =	strace $0x8000004A;
	s9 =	sshrl.u32 s4, $0x1;
	s5 =	smul.u32 $0xC80, s5;
	v5 =	vor.u32 $0x5001, v1;
	v6 =	vor.u32 $0x5002, v1;
	v7 =	vor.u32 $0x5003, v1  }
0xa: {  	v8 =	vor.u32 $0x5004, v1;
	v9 =	vor.u32 $0x5005, v1;
	v10 =	vor.u32 $0x5006, v1;
	s9 =	ssub.s32 s4, s9;
	s6 =	sshrl.u32 s6, $0x3;
	s8 =	sadd.s32 s8, s3  }
0xb: {  	v11 =	vor.u32 $0x5007, v1;
	v12 =	vor.u32 $0x5008, v1;
	v13 =	vor.u32 $0x5009, v1;
	s3 =	sadd.s32 s7, s5;
	s9 =	smax.u32 s9, $0x1;
	s10 =	sadd.s32 s7, s6  }
0xc: {  	v14 =	vor.u32 $0x500A, v1;
	v15 =	vor.u32 $0x500B, v1;
	v16 =	vor.u32 $0x500C, v1;
	s8 =	sadd.s32 $0xFCE00, s8;
	s4 =	sadd.s32 $0x19000, s10;
	s5 =	sadd.s32 $0x32000, s10  }
0xd: {  	v17 =	vor.u32 $0x500D, v1;
	v18 =	vor.u32 $0x500E, v1;
	v19 =	vor.u32 $0x500F, v1;
	s6 =	sadd.s32 $0x4B000, s10;
	s7 =	sadd.s32 $0x64000, s10;
	s10 =	simm.s32 $0x6400  }
.LBB2_1:
0xe: {  	s18 =	simm.s32 $0xC840  }
0xf: {  	[tilespmem:s18+$0x30] =	vst v2  }
0x10: {  	[tilespmem:s18+$0xFFFFFFF0] =	vst v2  }
0x11: {  	[tilespmem:s18+$0xFFFFFFC0] =	vst v2  }
0x12: {  	[tilespmem:s18+$0xFFFFFFE0] =	vst v2  }
0x13: {  	[tilespmem:s18+$0x10] =	vst v2  }
0x14: {  	[tilespmem:s18+$0x20] =	vst v2  }
0x15: {  	[tilespmem:s18+$0x0] =	vst v2  }
0x16: {  	s19 =	simm.s32 $0x11940;
	[tilespmem:s18+$0xFFFFFFD0] =	vst v2  }
0x17: {  	[tilespmem:s19+$0xFFFFFFC0] =	vst v2  }
0x18: {  	[tilespmem:s19+$0x30] =	vst v2  }
0x19: {  	[tilespmem:s19+$0x20] =	vst v2  }
0x1a: {  	[tilespmem:s19+$0x10] =	vst v2  }
0x1b: {  	[tilespmem:s19+$0xFFFFFFE0] =	vst v2  }
0x1c: {  	[tilespmem:s19+$0x0] =	vst v2  }
0x1d: {  	s20 =	simm.s32 $0x0;
	[tilespmem:s19+$0xFFFFFFF0] =	vst v2  }
.LBB2_2:
0x1e: {  	s20 =	sadd.s32 $0x8, s20;
	[tilespmem:s19+$0xFFFFFFD0] =	vst v2;
	s18 =	sadd.s32 $0x80, s18;
	s19 =	sadd.s32 $0x80, s19  }
0x1f: {  	[tilespmem:s18+$0x30] =	vst v2;
	p0 =	slt.u32 s20, $0x508  }
0x20: {  	[tilespmem:s18+$0xFFFFFFF0] =	vst v2  }
0x21: {  	[tilespmem:s18+$0xFFFFFFC0] =	vst v2  }
0x22: {  	[tilespmem:s19+$0xFFFFFFC0] =	vst v2  }
0x23: {  	[tilespmem:s19+$0x30] =	vst v2  }
0x24: {  	[tilespmem:s18+$0xFFFFFFE0] =	vst v2  }
0x25: {  	[tilespmem:s18+$0x10] =	vst v2  }
0x26: {  	[tilespmem:s18+$0x20] =	vst v2  }
0x27: {  	[tilespmem:s19+$0x20] =	vst v2  }
0x28: {  	[tilespmem:s19+$0x10] =	vst v2  }
.Ltmp0:
0x29: {  	[tilespmem:s19+$0xFFFFFFE0] =	vst v2;
	(pc) =	sbr.rel @p0 .LBB2_2-.Ltmp0, $4  }
0x2a: {  	[tilespmem:s18+$0x0] =	vst v2  }
0x2b: {  	[tilespmem:s19+$0x0] =	vst v2  }
0x2c: {  	[tilespmem:s19+$0xFFFFFFF0] =	vst v2  }
0x2d: {  	[tilespmem:s18+$0xFFFFFFD0] =	vst v2  }
0x2e: {  	[tilespmem:s19+$0xFFFFFFD0] =	vst v2;
	s18 =	simm.s32 $0x0  }
0x2f: {  	[tilespmem:s18], [sflag:$0x1] =	stream.linear.gather [hbm4b:s3+s18], $0x6400, $0x38;
	[tilespmem:$0x16F80] =	vst v63  }
0x30: {  	_ = 	snop  }
0x31: {  	[tilespmem:s10], [sflag:$0x2] =	stream.linear.gather [hbm4b:s4+s18], $0x6400, $0x38;
	[tilespmem:$0x16F80] =	vst v63  }
0x32: {  	_ =	swait.ge [sflag:s11], $0x6400  }
0x33: {  	[sflag:s11] =	ssyncset.done $0x0  }
0x34: {  	s19 =	simm.s32 $0x40;
	[sflag:s11] =	ssyncadd.s32 $0xFFFF9C00  }
.LBB2_4:
0x35: {  	v20 =	vld [tilespmem:s19+$0x20];
	_ =	sdelay $0x1  }
0x36: {  	v21 =	vld [tilespmem:s19+$0xFFFFFFC0]  }
0x37: {  	v22 =	vld [tilespmem:s19+$0xFFFFFFE0]  }
0x38: {  	v23 =	vld [tilespmem:s19+$0x0]  }
0x39: {  	v20 =	vadd.s32 v0, v20  }
0x3a: {  	s20 =	sadd.s32 $0x400, s19  }
0x3b: {  	v24 =	vld [tilespmem:s20+$0x20];
	v21 =	vadd.s32 v0, v21  }
0x3c: {  	v25 =	vld [tilespmem:s20+$0xFFFFFFC0];
	v22 =	vadd.s32 v0, v22  }
0x3d: {  	v26 =	vld [tilespmem:s20+$0x0];
	v23 =	vadd.s32 v0, v23  }
0x3e: {  	[tilespmem:v20+s12+$0x0] =	vst.idx.add.f32.msk $0xffff, v3  }
0x3f: {  	v20 =	vld [tilespmem:s19+$0x30]  }
0x40: {  	[tilespmem:v21+s12+$0x0] =	vst.idx.add.f32.msk $0xffff, v3  }
0x41: {  	[tilespmem:v22+s12+$0x0] =	vst.idx.add.f32.msk $0xffff, v3  }
0x42: {  	v25 =	vadd.s32 v0, v25;
	[tilespmem:v23+s12+$0x0] =	vst.idx.add.f32.msk $0xffff, v3  }
0x43: {  	v23 =	vadd.s32 v0, v24;
	v21 =	vld [tilespmem:s19+$0xFFFFFFD0]  }
0x44: {  	v22 =	vld [tilespmem:s20+$0xFFFFFFE0];
	v20 =	vadd.s32 v0, v20  }
0x45: {  	v63 =	vld [tilespmem:s19+$0xFFFFFFF0]  }
0x46: {  	v26 =	vadd.s32 v0, v26;
	v27 =	vld [tilespmem:s19+$0x10]  }
0x47: {  	[tilespmem:v25+s12+$0x0] =	vst.idx.add.f32.msk $0xffff, v3  }
0x48: {  	[tilespmem:v23+s12+$0x0] =	vst.idx.add.f32.msk $0xffff, v3;
	v21 =	vadd.s32 v0, v21  }
0x49: {  	[tilespmem:v20+s13+$0x0] =	vst.idx.add.f32.msk $0xffff, v3;
	v20 =	vadd.s32 v0, v22  }
0x4a: {  	v22 =	vld [tilespmem:s20+$0x30]  }
0x4b: {  	[tilespmem:v26+s12+$0x0] =	vst.idx.add.f32.msk $0xffff, v3  }
0x4c: {  	v23 =	vld [tilespmem:s20+$0xFFFFFFD0]  }
0x4d: {  	[tilespmem:v21+s13+$0x0] =	vst.idx.add.f32.msk $0xffff, v3  }
0x4e: {  	s21 =	simm.s32 $0x8;
	s22 =	sadd.s32 $0x400, s20;
	v21 =	vadd.s32 v0, v27;
	[tilespmem:v20+s12+$0x0] =	vst.idx.add.f32.msk $0xffff, v3;
	v20 =	vadd.s32 v0, v63  }
.LBB2_5:
0x4f: {  	v24 =	vld [tilespmem:s22+$0x20];
	s21 =	sadd.s32 $0x8, s21;
	v22 =	vadd.s32 v0, v22  }
0x50: {  	v25 =	vld [tilespmem:s22+$0xFFFFFFE0];
	p0 =	slt.u32 s21, $0xC0  }
0x51: {  	v26 =	vld [tilespmem:s22+$0x0]  }
0x52: {  	v27 =	vld [tilespmem:s22+$0xFFFFFFC0]  }
0x53: {  	v23 =	vadd.s32 v0, v23;
	v28 =	vld [tilespmem:s20+$0xFFFFFFF0]  }
0x54: {  	v24 =	vadd.s32 v0, v24;
	[tilespmem:v22+s13+$0x0] =	vst.idx.add.f32.msk $0xffff, v3  }
0x55: {  	v25 =	vadd.s32 v0, v25;
	v29 =	vld [tilespmem:s20+$0x10];
	s20 =	smov.u32 s22  }
0x56: {  	v26 =	vadd.s32 v0, v26;
	[tilespmem:v20+s13+$0x0] =	vst.idx.add.f32.msk $0xffff, v3  }
0x57: {  	v27 =	vadd.s32 v0, v27;
	[tilespmem:v21+s13+$0x0] =	vst.idx.add.f32.msk $0xffff, v3  }
0x58: {  	[tilespmem:v23+s13+$0x0] =	vst.idx.add.f32.msk $0xffff, v3;
	v20 =	vadd.s32 v0, v28  }
0x59: {  	[tilespmem:v24+s12+$0x0] =	vst.idx.add.f32.msk $0xffff, v3  }
.Ltmp1:
0x5a: {  	v22 =	vld [tilespmem:s22+$0x30];
	v21 =	vadd.s32 v0, v29;
	(pc) =	sbr.rel @p0 .LBB2_5-.Ltmp1, $4  }
0x5b: {  	[tilespmem:v25+s12+$0x0] =	vst.idx.add.f32.msk $0xffff, v3  }
0x5c: {  	[tilespmem:v27+s12+$0x0] =	vst.idx.add.f32.msk $0xffff, v3  }
0x5d: {  	[tilespmem:v26+s12+$0x0] =	vst.idx.add.f32.msk $0xffff, v3  }
0x5e: {  	s22 =	sadd.s32 $0x400, s22;
	v23 =	vld [tilespmem:s20+$0xFFFFFFD0]  }
0x5f: {  	v24 =	vld [tilespmem:s20+$0xFFFFFFF0]  }
0x60: {  	v25 =	vld [tilespmem:s20+$0x10];
	_ =	sdelay $0x1  }
0x61: {  	v22 =	vadd.s32 v0, v22  }
0x62: {  	v23 =	vadd.s32 v0, v23  }
0x63: {  	s18 =	sadd.s32 $0x1, s18;
	v24 =	vadd.s32 v0, v24  }
0x64: {  	[tilespmem:v20+s13+$0x0] =	vst.idx.add.f32.msk $0xffff, v3;
	p0 =	sne.s32 s18, $0x8;
	v63 =	vadd.s32 v0, v25  }
.Ltmp2:
0x65: {  	[tilespmem:v21+s13+$0x0] =	vst.idx.add.f32.msk $0xffff, v3;
	(pc) =	sbr.rel @p0 .LBB2_4-.Ltmp2, $4  }
0x66: {  	[tilespmem:v22+s13+$0x0] =	vst.idx.add.f32.msk $0xffff, v3  }
0x67: {  	[tilespmem:v23+s13+$0x0] =	vst.idx.add.f32.msk $0xffff, v3  }
0x68: {  	[tilespmem:v24+s13+$0x0] =	vst.idx.add.f32.msk $0xffff, v3  }
0x69: {  	s19 =	sadd.s32 $0x80, s19;
	[tilespmem:v63+s13+$0x0] =	vst.idx.add.f32.msk $0xffff, v3  }
0x6a: {  	s18 =	simm.s32 $0x0  }
0x6b: {  	[tilespmem:s18], [sflag:$0x1] =	stream.linear.gather [hbm4b:s5+s18], $0x6400, $0x38;
	[tilespmem:$0x16F80] =	vst v63  }
0x6c: {  	_ =	swait.ge [sflag:s14], $0x6400  }
0x6d: {  	[sflag:s14] =	ssyncset.done $0x0  }
0x6e: {  	s19 =	simm.s32 $0x6440;
	[sflag:s14] =	ssyncadd.s32 $0xFFFF9C00  }
.LBB2_8:
0x6f: {  	v20 =	vld [tilespmem:s19+$0x20];
	_ =	sdelay $0x1  }
0x70: {  	v21 =	vld [tilespmem:s19+$0xFFFFFFC0]  }
0x71: {  	v22 =	vld [tilespmem:s19+$0xFFFFFFE0]  }
0x72: {  	v23 =	vld [tilespmem:s19+$0x0]  }
0x73: {  	v20 =	vadd.s32 v0, v20  }
0x74: {  	s20 =	sadd.s32 $0x400, s19  }
0x75: {  	v24 =	vld [tilespmem:s20+$0x20];
	v21 =	vadd.s32 v0, v21  }
0x76: {  	v25 =	vld [tilespmem:s20+$0xFFFFFFC0];
	v22 =	vadd.s32 v0, v22  }
0x77: {  	v26 =	vld [tilespmem:s20+$0x0];
	v23 =	vadd.s32 v0, v23  }
0x78: {  	[tilespmem:v20+s12+$0x0] =	vst.idx.add.f32.msk $0xffff, v3  }
0x79: {  	v20 =	vld [tilespmem:s19+$0x30]  }
0x7a: {  	[tilespmem:v21+s12+$0x0] =	vst.idx.add.f32.msk $0xffff, v3  }
0x7b: {  	[tilespmem:v22+s12+$0x0] =	vst.idx.add.f32.msk $0xffff, v3  }
0x7c: {  	v25 =	vadd.s32 v0, v25;
	[tilespmem:v23+s12+$0x0] =	vst.idx.add.f32.msk $0xffff, v3  }
0x7d: {  	v23 =	vadd.s32 v0, v24;
	v21 =	vld [tilespmem:s19+$0xFFFFFFD0]  }
0x7e: {  	v22 =	vld [tilespmem:s20+$0xFFFFFFE0];
	v20 =	vadd.s32 v0, v20  }
0x7f: {  	v63 =	vld [tilespmem:s19+$0xFFFFFFF0]  }
0x80: {  	v26 =	vadd.s32 v0, v26;
	v27 =	vld [tilespmem:s19+$0x10]  }
0x81: {  	[tilespmem:v25+s12+$0x0] =	vst.idx.add.f32.msk $0xffff, v3  }
0x82: {  	[tilespmem:v23+s12+$0x0] =	vst.idx.add.f32.msk $0xffff, v3;
	v21 =	vadd.s32 v0, v21  }
0x83: {  	[tilespmem:v20+s13+$0x0] =	vst.idx.add.f32.msk $0xffff, v3;
	v20 =	vadd.s32 v0, v22  }
0x84: {  	v22 =	vld [tilespmem:s20+$0x30]  }
0x85: {  	[tilespmem:v26+s12+$0x0] =	vst.idx.add.f32.msk $0xffff, v3  }
0x86: {  	v23 =	vld [tilespmem:s20+$0xFFFFFFD0]  }
0x87: {  	[tilespmem:v21+s13+$0x0] =	vst.idx.add.f32.msk $0xffff, v3  }
0x88: {  	s21 =	simm.s32 $0x8;
	s22 =	sadd.s32 $0x400, s20;
	v21 =	vadd.s32 v0, v27;
	[tilespmem:v20+s12+$0x0] =	vst.idx.add.f32.msk $0xffff, v3;
	v20 =	vadd.s32 v0, v63  }
.LBB2_9:
0x89: {  	v24 =	vld [tilespmem:s22+$0x20];
	s21 =	sadd.s32 $0x8, s21;
	v22 =	vadd.s32 v0, v22  }
0x8a: {  	v25 =	vld [tilespmem:s22+$0xFFFFFFE0];
	p0 =	slt.u32 s21, $0xC0  }
0x8b: {  	v26 =	vld [tilespmem:s22+$0x0]  }
0x8c: {  	v27 =	vld [tilespmem:s22+$0xFFFFFFC0]  }
0x8d: {  	v23 =	vadd.s32 v0, v23;
	v28 =	vld [tilespmem:s20+$0xFFFFFFF0]  }
0x8e: {  	v24 =	vadd.s32 v0, v24;
	[tilespmem:v22+s13+$0x0] =	vst.idx.add.f32.msk $0xffff, v3  }
0x8f: {  	v25 =	vadd.s32 v0, v25;
	v29 =	vld [tilespmem:s20+$0x10];
	s20 =	smov.u32 s22  }
0x90: {  	v26 =	vadd.s32 v0, v26;
	[tilespmem:v20+s13+$0x0] =	vst.idx.add.f32.msk $0xffff, v3  }
0x91: {  	v27 =	vadd.s32 v0, v27;
	[tilespmem:v21+s13+$0x0] =	vst.idx.add.f32.msk $0xffff, v3  }
0x92: {  	[tilespmem:v23+s13+$0x0] =	vst.idx.add.f32.msk $0xffff, v3;
	v20 =	vadd.s32 v0, v28  }
0x93: {  	[tilespmem:v24+s12+$0x0] =	vst.idx.add.f32.msk $0xffff, v3  }
.Ltmp3:
0x94: {  	v22 =	vld [tilespmem:s22+$0x30];
	v21 =	vadd.s32 v0, v29;
	(pc) =	sbr.rel @p0 .LBB2_9-.Ltmp3, $4  }
0x95: {  	[tilespmem:v25+s12+$0x0] =	vst.idx.add.f32.msk $0xffff, v3  }
0x96: {  	[tilespmem:v27+s12+$0x0] =	vst.idx.add.f32.msk $0xffff, v3  }
0x97: {  	[tilespmem:v26+s12+$0x0] =	vst.idx.add.f32.msk $0xffff, v3  }
0x98: {  	s22 =	sadd.s32 $0x400, s22;
	v23 =	vld [tilespmem:s20+$0xFFFFFFD0]  }
0x99: {  	v24 =	vld [tilespmem:s20+$0xFFFFFFF0]  }
0x9a: {  	v25 =	vld [tilespmem:s20+$0x10];
	_ =	sdelay $0x1  }
0x9b: {  	v22 =	vadd.s32 v0, v22  }
0x9c: {  	v23 =	vadd.s32 v0, v23  }
0x9d: {  	s18 =	sadd.s32 $0x1, s18;
	v24 =	vadd.s32 v0, v24  }
0x9e: {  	[tilespmem:v20+s13+$0x0] =	vst.idx.add.f32.msk $0xffff, v3;
	p0 =	sne.s32 s18, $0x8;
	v63 =	vadd.s32 v0, v25  }
.Ltmp4:
0x9f: {  	[tilespmem:v21+s13+$0x0] =	vst.idx.add.f32.msk $0xffff, v3;
	(pc) =	sbr.rel @p0 .LBB2_8-.Ltmp4, $4  }
0xa0: {  	[tilespmem:v22+s13+$0x0] =	vst.idx.add.f32.msk $0xffff, v3  }
0xa1: {  	[tilespmem:v23+s13+$0x0] =	vst.idx.add.f32.msk $0xffff, v3  }
0xa2: {  	[tilespmem:v24+s13+$0x0] =	vst.idx.add.f32.msk $0xffff, v3  }
0xa3: {  	s19 =	sadd.s32 $0x80, s19;
	[tilespmem:v63+s13+$0x0] =	vst.idx.add.f32.msk $0xffff, v3  }
0xa4: {  	s18 =	simm.s32 $0x0  }
0xa5: {  	[tilespmem:s10], [sflag:$0x2] =	stream.linear.gather [hbm4b:s6+s18], $0x6400, $0x38;
	[tilespmem:$0x16F80] =	vst v63  }
0xa6: {  	_ =	swait.ge [sflag:s11], $0x6400  }
0xa7: {  	[sflag:s11] =	ssyncset.done $0x0  }
0xa8: {  	s19 =	simm.s32 $0x40;
	[sflag:s11] =	ssyncadd.s32 $0xFFFF9C00  }
.LBB2_12:
0xa9: {  	v20 =	vld [tilespmem:s19+$0x20];
	_ =	sdelay $0x1  }
0xaa: {  	v21 =	vld [tilespmem:s19+$0xFFFFFFC0]  }
0xab: {  	v22 =	vld [tilespmem:s19+$0xFFFFFFE0]  }
0xac: {  	v23 =	vld [tilespmem:s19+$0x0]  }
0xad: {  	v20 =	vadd.s32 v0, v20  }
0xae: {  	s20 =	sadd.s32 $0x400, s19  }
0xaf: {  	v24 =	vld [tilespmem:s20+$0x20];
	v21 =	vadd.s32 v0, v21  }
0xb0: {  	v25 =	vld [tilespmem:s20+$0xFFFFFFC0];
	v22 =	vadd.s32 v0, v22  }
0xb1: {  	v26 =	vld [tilespmem:s20+$0x0];
	v23 =	vadd.s32 v0, v23  }
0xb2: {  	[tilespmem:v20+s12+$0x0] =	vst.idx.add.f32.msk $0xffff, v3  }
0xb3: {  	v20 =	vld [tilespmem:s19+$0x30]  }
0xb4: {  	[tilespmem:v21+s12+$0x0] =	vst.idx.add.f32.msk $0xffff, v3  }
0xb5: {  	[tilespmem:v22+s12+$0x0] =	vst.idx.add.f32.msk $0xffff, v3  }
0xb6: {  	v25 =	vadd.s32 v0, v25;
	[tilespmem:v23+s12+$0x0] =	vst.idx.add.f32.msk $0xffff, v3  }
0xb7: {  	v23 =	vadd.s32 v0, v24;
	v21 =	vld [tilespmem:s19+$0xFFFFFFD0]  }
0xb8: {  	v22 =	vld [tilespmem:s20+$0xFFFFFFE0];
	v20 =	vadd.s32 v0, v20  }
0xb9: {  	v63 =	vld [tilespmem:s19+$0xFFFFFFF0]  }
0xba: {  	v26 =	vadd.s32 v0, v26;
	v27 =	vld [tilespmem:s19+$0x10]  }
0xbb: {  	[tilespmem:v25+s12+$0x0] =	vst.idx.add.f32.msk $0xffff, v3  }
0xbc: {  	[tilespmem:v23+s12+$0x0] =	vst.idx.add.f32.msk $0xffff, v3;
	v21 =	vadd.s32 v0, v21  }
0xbd: {  	[tilespmem:v20+s13+$0x0] =	vst.idx.add.f32.msk $0xffff, v3;
	v20 =	vadd.s32 v0, v22  }
0xbe: {  	v22 =	vld [tilespmem:s20+$0x30]  }
0xbf: {  	[tilespmem:v26+s12+$0x0] =	vst.idx.add.f32.msk $0xffff, v3  }
0xc0: {  	v23 =	vld [tilespmem:s20+$0xFFFFFFD0]  }
0xc1: {  	[tilespmem:v21+s13+$0x0] =	vst.idx.add.f32.msk $0xffff, v3  }
0xc2: {  	s21 =	simm.s32 $0x8;
	s22 =	sadd.s32 $0x400, s20;
	v21 =	vadd.s32 v0, v27;
	[tilespmem:v20+s12+$0x0] =	vst.idx.add.f32.msk $0xffff, v3;
	v20 =	vadd.s32 v0, v63  }
.LBB2_13:
0xc3: {  	v24 =	vld [tilespmem:s22+$0x20];
	s21 =	sadd.s32 $0x8, s21;
	v22 =	vadd.s32 v0, v22  }
0xc4: {  	v25 =	vld [tilespmem:s22+$0xFFFFFFE0];
	p0 =	slt.u32 s21, $0xC0  }
0xc5: {  	v26 =	vld [tilespmem:s22+$0x0]  }
0xc6: {  	v27 =	vld [tilespmem:s22+$0xFFFFFFC0]  }
0xc7: {  	v23 =	vadd.s32 v0, v23;
	v28 =	vld [tilespmem:s20+$0xFFFFFFF0]  }
0xc8: {  	v24 =	vadd.s32 v0, v24;
	[tilespmem:v22+s13+$0x0] =	vst.idx.add.f32.msk $0xffff, v3  }
0xc9: {  	v25 =	vadd.s32 v0, v25;
	v29 =	vld [tilespmem:s20+$0x10];
	s20 =	smov.u32 s22  }
0xca: {  	v26 =	vadd.s32 v0, v26;
	[tilespmem:v20+s13+$0x0] =	vst.idx.add.f32.msk $0xffff, v3  }
0xcb: {  	v27 =	vadd.s32 v0, v27;
	[tilespmem:v21+s13+$0x0] =	vst.idx.add.f32.msk $0xffff, v3  }
0xcc: {  	[tilespmem:v23+s13+$0x0] =	vst.idx.add.f32.msk $0xffff, v3;
	v20 =	vadd.s32 v0, v28  }
0xcd: {  	[tilespmem:v24+s12+$0x0] =	vst.idx.add.f32.msk $0xffff, v3  }
.Ltmp5:
0xce: {  	v22 =	vld [tilespmem:s22+$0x30];
	v21 =	vadd.s32 v0, v29;
	(pc) =	sbr.rel @p0 .LBB2_13-.Ltmp5, $4  }
0xcf: {  	[tilespmem:v25+s12+$0x0] =	vst.idx.add.f32.msk $0xffff, v3  }
0xd0: {  	[tilespmem:v27+s12+$0x0] =	vst.idx.add.f32.msk $0xffff, v3  }
0xd1: {  	[tilespmem:v26+s12+$0x0] =	vst.idx.add.f32.msk $0xffff, v3  }
0xd2: {  	s22 =	sadd.s32 $0x400, s22;
	v23 =	vld [tilespmem:s20+$0xFFFFFFD0]  }
0xd3: {  	v24 =	vld [tilespmem:s20+$0xFFFFFFF0]  }
0xd4: {  	v25 =	vld [tilespmem:s20+$0x10];
	_ =	sdelay $0x1  }
0xd5: {  	v22 =	vadd.s32 v0, v22  }
0xd6: {  	v23 =	vadd.s32 v0, v23  }
0xd7: {  	s18 =	sadd.s32 $0x1, s18;
	v24 =	vadd.s32 v0, v24  }
0xd8: {  	[tilespmem:v20+s13+$0x0] =	vst.idx.add.f32.msk $0xffff, v3;
	p0 =	sne.s32 s18, $0x8;
	v63 =	vadd.s32 v0, v25  }
.Ltmp6:
0xd9: {  	[tilespmem:v21+s13+$0x0] =	vst.idx.add.f32.msk $0xffff, v3;
	(pc) =	sbr.rel @p0 .LBB2_12-.Ltmp6, $4  }
0xda: {  	[tilespmem:v22+s13+$0x0] =	vst.idx.add.f32.msk $0xffff, v3  }
0xdb: {  	[tilespmem:v23+s13+$0x0] =	vst.idx.add.f32.msk $0xffff, v3  }
0xdc: {  	[tilespmem:v24+s13+$0x0] =	vst.idx.add.f32.msk $0xffff, v3  }
0xdd: {  	s19 =	sadd.s32 $0x80, s19;
	[tilespmem:v63+s13+$0x0] =	vst.idx.add.f32.msk $0xffff, v3  }
0xde: {  	s18 =	simm.s32 $0x0  }
0xdf: {  	[tilespmem:s18], [sflag:$0x1] =	stream.linear.gather [hbm4b:s7+s18], $0x6400, $0x38;
	[tilespmem:$0x16F80] =	vst v63  }
0xe0: {  	_ =	swait.ge [sflag:s14], $0x6400  }
0xe1: {  	[sflag:s14] =	ssyncset.done $0x0  }
0xe2: {  	s19 =	simm.s32 $0x6440;
	[sflag:s14] =	ssyncadd.s32 $0xFFFF9C00  }
.LBB2_16:
0xe3: {  	v20 =	vld [tilespmem:s19+$0x20];
	_ =	sdelay $0x1  }
0xe4: {  	v21 =	vld [tilespmem:s19+$0xFFFFFFC0]  }
0xe5: {  	v22 =	vld [tilespmem:s19+$0xFFFFFFE0]  }
0xe6: {  	v23 =	vld [tilespmem:s19+$0x0]  }
0xe7: {  	v20 =	vadd.s32 v0, v20  }
0xe8: {  	s20 =	sadd.s32 $0x400, s19  }
0xe9: {  	v24 =	vld [tilespmem:s20+$0x20];
	v21 =	vadd.s32 v0, v21  }
0xea: {  	v25 =	vld [tilespmem:s20+$0xFFFFFFC0];
	v22 =	vadd.s32 v0, v22  }
0xeb: {  	v26 =	vld [tilespmem:s20+$0x0];
	v23 =	vadd.s32 v0, v23  }
0xec: {  	[tilespmem:v20+s12+$0x0] =	vst.idx.add.f32.msk $0xffff, v3  }
0xed: {  	v20 =	vld [tilespmem:s19+$0x30]  }
0xee: {  	[tilespmem:v21+s12+$0x0] =	vst.idx.add.f32.msk $0xffff, v3  }
0xef: {  	[tilespmem:v22+s12+$0x0] =	vst.idx.add.f32.msk $0xffff, v3  }
0xf0: {  	v25 =	vadd.s32 v0, v25;
	[tilespmem:v23+s12+$0x0] =	vst.idx.add.f32.msk $0xffff, v3  }
0xf1: {  	v23 =	vadd.s32 v0, v24;
	v21 =	vld [tilespmem:s19+$0xFFFFFFD0]  }
0xf2: {  	v22 =	vld [tilespmem:s20+$0xFFFFFFE0];
	v20 =	vadd.s32 v0, v20  }
0xf3: {  	v63 =	vld [tilespmem:s19+$0xFFFFFFF0]  }
0xf4: {  	v26 =	vadd.s32 v0, v26;
	v27 =	vld [tilespmem:s19+$0x10]  }
0xf5: {  	[tilespmem:v25+s12+$0x0] =	vst.idx.add.f32.msk $0xffff, v3  }
0xf6: {  	[tilespmem:v23+s12+$0x0] =	vst.idx.add.f32.msk $0xffff, v3;
	v21 =	vadd.s32 v0, v21  }
0xf7: {  	[tilespmem:v20+s13+$0x0] =	vst.idx.add.f32.msk $0xffff, v3;
	v20 =	vadd.s32 v0, v22  }
0xf8: {  	v22 =	vld [tilespmem:s20+$0x30]  }
0xf9: {  	[tilespmem:v26+s12+$0x0] =	vst.idx.add.f32.msk $0xffff, v3  }
0xfa: {  	v23 =	vld [tilespmem:s20+$0xFFFFFFD0]  }
0xfb: {  	[tilespmem:v21+s13+$0x0] =	vst.idx.add.f32.msk $0xffff, v3  }
0xfc: {  	s21 =	simm.s32 $0x8;
	s22 =	sadd.s32 $0x400, s20;
	v21 =	vadd.s32 v0, v27;
	[tilespmem:v20+s12+$0x0] =	vst.idx.add.f32.msk $0xffff, v3;
	v20 =	vadd.s32 v0, v63  }
.LBB2_17:
0xfd: {  	v24 =	vld [tilespmem:s22+$0x20];
	s21 =	sadd.s32 $0x8, s21;
	v22 =	vadd.s32 v0, v22  }
0xfe: {  	v25 =	vld [tilespmem:s22+$0xFFFFFFE0];
	p0 =	slt.u32 s21, $0xC0  }
0xff: {  	v26 =	vld [tilespmem:s22+$0x0]  }
0x100: {  	v27 =	vld [tilespmem:s22+$0xFFFFFFC0]  }
0x101: {  	v23 =	vadd.s32 v0, v23;
	v28 =	vld [tilespmem:s20+$0xFFFFFFF0]  }
0x102: {  	v24 =	vadd.s32 v0, v24;
	[tilespmem:v22+s13+$0x0] =	vst.idx.add.f32.msk $0xffff, v3  }
0x103: {  	v25 =	vadd.s32 v0, v25;
	v29 =	vld [tilespmem:s20+$0x10];
	s20 =	smov.u32 s22  }
0x104: {  	v26 =	vadd.s32 v0, v26;
	[tilespmem:v20+s13+$0x0] =	vst.idx.add.f32.msk $0xffff, v3  }
0x105: {  	v27 =	vadd.s32 v0, v27;
	[tilespmem:v21+s13+$0x0] =	vst.idx.add.f32.msk $0xffff, v3  }
0x106: {  	[tilespmem:v23+s13+$0x0] =	vst.idx.add.f32.msk $0xffff, v3;
	v20 =	vadd.s32 v0, v28  }
0x107: {  	[tilespmem:v24+s12+$0x0] =	vst.idx.add.f32.msk $0xffff, v3  }
.Ltmp7:
0x108: {  	v22 =	vld [tilespmem:s22+$0x30];
	v21 =	vadd.s32 v0, v29;
	(pc) =	sbr.rel @p0 .LBB2_17-.Ltmp7, $4  }
0x109: {  	[tilespmem:v25+s12+$0x0] =	vst.idx.add.f32.msk $0xffff, v3  }
0x10a: {  	[tilespmem:v27+s12+$0x0] =	vst.idx.add.f32.msk $0xffff, v3  }
0x10b: {  	[tilespmem:v26+s12+$0x0] =	vst.idx.add.f32.msk $0xffff, v3  }
0x10c: {  	s22 =	sadd.s32 $0x400, s22;
	v23 =	vld [tilespmem:s20+$0xFFFFFFD0]  }
0x10d: {  	v24 =	vld [tilespmem:s20+$0xFFFFFFF0]  }
0x10e: {  	v25 =	vld [tilespmem:s20+$0x10];
	_ =	sdelay $0x1  }
0x10f: {  	v22 =	vadd.s32 v0, v22  }
0x110: {  	v23 =	vadd.s32 v0, v23  }
0x111: {  	s18 =	sadd.s32 $0x1, s18;
	v24 =	vadd.s32 v0, v24  }
0x112: {  	[tilespmem:v20+s13+$0x0] =	vst.idx.add.f32.msk $0xffff, v3;
	p0 =	sne.s32 s18, $0x8;
	v63 =	vadd.s32 v0, v25  }
.Ltmp8:
0x113: {  	[tilespmem:v21+s13+$0x0] =	vst.idx.add.f32.msk $0xffff, v3;
	(pc) =	sbr.rel @p0 .LBB2_16-.Ltmp8, $4  }
0x114: {  	[tilespmem:v22+s13+$0x0] =	vst.idx.add.f32.msk $0xffff, v3  }
0x115: {  	[tilespmem:v23+s13+$0x0] =	vst.idx.add.f32.msk $0xffff, v3  }
0x116: {  	[tilespmem:v24+s13+$0x0] =	vst.idx.add.f32.msk $0xffff, v3  }
0x117: {  	s19 =	sadd.s32 $0x80, s19;
	[tilespmem:v63+s13+$0x0] =	vst.idx.add.f32.msk $0xffff, v3  }
0x118: {  	_ =	swait.ge [sflag:s11], $0x6400  }
0x119: {  	[sflag:s11] =	ssyncset.done $0x0  }
0x11a: {  	s18 =	simm.s32 $0x0;
	s19 =	simm.s32 $0x40;
	[sflag:s11] =	ssyncadd.s32 $0xFFFF9C00  }
.LBB2_20:
0x11b: {  	v20 =	vld [tilespmem:s19+$0x20];
	_ =	sdelay $0x1  }
0x11c: {  	v21 =	vld [tilespmem:s19+$0xFFFFFFC0]  }
0x11d: {  	v22 =	vld [tilespmem:s19+$0xFFFFFFE0]  }
0x11e: {  	v23 =	vld [tilespmem:s19+$0x0]  }
0x11f: {  	v20 =	vadd.s32 v0, v20  }
0x120: {  	s20 =	sadd.s32 $0x400, s19  }
0x121: {  	v24 =	vld [tilespmem:s20+$0x20];
	v21 =	vadd.s32 v0, v21  }
0x122: {  	v25 =	vld [tilespmem:s20+$0xFFFFFFC0];
	v22 =	vadd.s32 v0, v22  }
0x123: {  	v26 =	vld [tilespmem:s20+$0x0];
	v23 =	vadd.s32 v0, v23  }
0x124: {  	[tilespmem:v20+s12+$0x0] =	vst.idx.add.f32.msk $0xffff, v3  }
0x125: {  	v20 =	vld [tilespmem:s19+$0x30]  }
0x126: {  	[tilespmem:v21+s12+$0x0] =	vst.idx.add.f32.msk $0xffff, v3  }
0x127: {  	[tilespmem:v22+s12+$0x0] =	vst.idx.add.f32.msk $0xffff, v3  }
0x128: {  	v25 =	vadd.s32 v0, v25;
	[tilespmem:v23+s12+$0x0] =	vst.idx.add.f32.msk $0xffff, v3  }
0x129: {  	v23 =	vadd.s32 v0, v24;
	v21 =	vld [tilespmem:s19+$0xFFFFFFD0]  }
0x12a: {  	v22 =	vld [tilespmem:s20+$0xFFFFFFE0];
	v20 =	vadd.s32 v0, v20  }
0x12b: {  	v63 =	vld [tilespmem:s19+$0xFFFFFFF0]  }
0x12c: {  	v26 =	vadd.s32 v0, v26;
	v27 =	vld [tilespmem:s19+$0x10]  }
0x12d: {  	[tilespmem:v25+s12+$0x0] =	vst.idx.add.f32.msk $0xffff, v3  }
0x12e: {  	[tilespmem:v23+s12+$0x0] =	vst.idx.add.f32.msk $0xffff, v3;
	v21 =	vadd.s32 v0, v21  }
0x12f: {  	[tilespmem:v20+s13+$0x0] =	vst.idx.add.f32.msk $0xffff, v3;
	v20 =	vadd.s32 v0, v22  }
0x130: {  	v22 =	vld [tilespmem:s20+$0x30]  }
0x131: {  	[tilespmem:v26+s12+$0x0] =	vst.idx.add.f32.msk $0xffff, v3  }
0x132: {  	v23 =	vld [tilespmem:s20+$0xFFFFFFD0]  }
0x133: {  	[tilespmem:v21+s13+$0x0] =	vst.idx.add.f32.msk $0xffff, v3  }
0x134: {  	s21 =	simm.s32 $0x8;
	s22 =	sadd.s32 $0x400, s20;
	v21 =	vadd.s32 v0, v27;
	[tilespmem:v20+s12+$0x0] =	vst.idx.add.f32.msk $0xffff, v3;
	v20 =	vadd.s32 v0, v63  }
.LBB2_21:
0x135: {  	v24 =	vld [tilespmem:s22+$0x20];
	s21 =	sadd.s32 $0x8, s21;
	v22 =	vadd.s32 v0, v22  }
0x136: {  	v25 =	vld [tilespmem:s22+$0xFFFFFFE0];
	p0 =	slt.u32 s21, $0xC0  }
0x137: {  	v26 =	vld [tilespmem:s22+$0x0]  }
0x138: {  	v27 =	vld [tilespmem:s22+$0xFFFFFFC0]  }
0x139: {  	v23 =	vadd.s32 v0, v23;
	v28 =	vld [tilespmem:s20+$0xFFFFFFF0]  }
0x13a: {  	v24 =	vadd.s32 v0, v24;
	[tilespmem:v22+s13+$0x0] =	vst.idx.add.f32.msk $0xffff, v3  }
0x13b: {  	v25 =	vadd.s32 v0, v25;
	v29 =	vld [tilespmem:s20+$0x10];
	s20 =	smov.u32 s22  }
0x13c: {  	v26 =	vadd.s32 v0, v26;
	[tilespmem:v20+s13+$0x0] =	vst.idx.add.f32.msk $0xffff, v3  }
0x13d: {  	v27 =	vadd.s32 v0, v27;
	[tilespmem:v21+s13+$0x0] =	vst.idx.add.f32.msk $0xffff, v3  }
0x13e: {  	[tilespmem:v23+s13+$0x0] =	vst.idx.add.f32.msk $0xffff, v3;
	v20 =	vadd.s32 v0, v28  }
0x13f: {  	[tilespmem:v24+s12+$0x0] =	vst.idx.add.f32.msk $0xffff, v3  }
.Ltmp9:
0x140: {  	v22 =	vld [tilespmem:s22+$0x30];
	v21 =	vadd.s32 v0, v29;
	(pc) =	sbr.rel @p0 .LBB2_21-.Ltmp9, $4  }
0x141: {  	[tilespmem:v25+s12+$0x0] =	vst.idx.add.f32.msk $0xffff, v3  }
0x142: {  	[tilespmem:v27+s12+$0x0] =	vst.idx.add.f32.msk $0xffff, v3  }
0x143: {  	[tilespmem:v26+s12+$0x0] =	vst.idx.add.f32.msk $0xffff, v3  }
0x144: {  	s22 =	sadd.s32 $0x400, s22;
	v23 =	vld [tilespmem:s20+$0xFFFFFFD0]  }
0x145: {  	v24 =	vld [tilespmem:s20+$0xFFFFFFF0]  }
0x146: {  	v25 =	vld [tilespmem:s20+$0x10];
	_ =	sdelay $0x1  }
0x147: {  	v22 =	vadd.s32 v0, v22  }
0x148: {  	v23 =	vadd.s32 v0, v23  }
0x149: {  	s18 =	sadd.s32 $0x1, s18;
	v24 =	vadd.s32 v0, v24  }
0x14a: {  	[tilespmem:v20+s13+$0x0] =	vst.idx.add.f32.msk $0xffff, v3;
	p0 =	sne.s32 s18, $0x8;
	v63 =	vadd.s32 v0, v25  }
.Ltmp10:
0x14b: {  	[tilespmem:v21+s13+$0x0] =	vst.idx.add.f32.msk $0xffff, v3;
	(pc) =	sbr.rel @p0 .LBB2_20-.Ltmp10, $4  }
0x14c: {  	[tilespmem:v22+s13+$0x0] =	vst.idx.add.f32.msk $0xffff, v3  }
0x14d: {  	[tilespmem:v23+s13+$0x0] =	vst.idx.add.f32.msk $0xffff, v3  }
0x14e: {  	[tilespmem:v24+s13+$0x0] =	vst.idx.add.f32.msk $0xffff, v3  }
0x14f: {  	s19 =	sadd.s32 $0x80, s19;
	[tilespmem:v63+s13+$0x0] =	vst.idx.add.f32.msk $0xffff, v3  }
0x150: {  	s18 =	simm.s32 $0x10  }
0x151: {  	s19 =	simm.s32 $0x0;
	v20 =	vmov s18  }
0x152: {  	v21 =	vmov s19;
	v20 =	vshll.u32 v20, $0x4  }
0x153: {  	v21 =	vshll.u32 v21, $0x4;
	v20 =	vor.u32 v1, v20  }
0x154: {  	v21 =	vor.u32 v1, v21;
	_ =	sdelay $0x2  }
0x155: {  	v22 =	vor.u32 $0x1, v21  }
0x156: {  	v24 =	vld.idx.msk [tilespmem:v20+s12+$0x0], $0xffff  }
0x157: {  	v23 =	vor.u32 $0x2, v21;
	v25 =	vld.idx.msk [tilespmem:v21+s12+$0x0], $0xffff  }
0x158: {  	v26 =	vld.idx.msk [tilespmem:v21+s13+$0x0], $0xffff  }
0x159: {  	v27 =	vor.u32 $0x3, v21;
	v63 =	vld.idx.msk [tilespmem:v20+s13+$0x0], $0xffff  }
0x15a: {  	v28 =	vld.idx.msk [tilespmem:v22+s12+$0x0], $0xffff  }
0x15b: {  	v29 =	vor.u32 $0x4, v21;
	v22 =	vld.idx.msk [tilespmem:v22+s13+$0x0], $0xffff  }
0x15c: {  	v30 =	vld.idx.msk [tilespmem:v23+s12+$0x0], $0xffff  }
0x15d: {  	v31 =	vor.u32 $0x5, v21;
	v23 =	vld.idx.msk [tilespmem:v23+s13+$0x0], $0xffff  }
0x15e: {  	v32 =	vld.idx.msk [tilespmem:v27+s12+$0x0], $0xffff  }
0x15f: {  	v33 =	vor.u32 $0x6, v21;
	v27 =	vld.idx.msk [tilespmem:v27+s13+$0x0], $0xffff  }
0x160: {  	v34 =	vld.idx.msk [tilespmem:v29+s12+$0x0], $0xffff  }
0x161: {  	v35 =	vor.u32 $0x7, v21;
	v29 =	vld.idx.msk [tilespmem:v29+s13+$0x0], $0xffff  }
0x162: {  	v36 =	vld.idx.msk [tilespmem:v31+s12+$0x0], $0xffff  }
0x163: {  	v37 =	vor.u32 $0x8, v21;
	v31 =	vld.idx.msk [tilespmem:v31+s13+$0x0], $0xffff  }
0x164: {  	v38 =	vld.idx.msk [tilespmem:v33+s12+$0x0], $0xffff  }
0x165: {  	v39 =	vor.u32 $0x9, v21;
	v33 =	vld.idx.msk [tilespmem:v33+s13+$0x0], $0xffff  }
0x166: {  	v40 =	vld.idx.msk [tilespmem:v35+s12+$0x0], $0xffff  }
0x167: {  	v41 =	vor.u32 $0xA, v21;
	v35 =	vld.idx.msk [tilespmem:v35+s13+$0x0], $0xffff  }
0x168: {  	v42 =	vld.idx.msk [tilespmem:v37+s12+$0x0], $0xffff  }
0x169: {  	v58 =	vor.u32 $0x1, v20;
	v37 =	vld.idx.msk [tilespmem:v37+s13+$0x0], $0xffff  }
0x16a: {  	v59 =	vor.u32 $0x2, v20;
	v44 =	vld.idx.msk [tilespmem:v39+s12+$0x0], $0xffff  }
0x16b: {  	v39 =	vld.idx.msk [tilespmem:v39+s13+$0x0], $0xffff  }
0x16c: {  	v60 =	vor.u32 $0x3, v20;
	v46 =	vld.idx.msk [tilespmem:v41+s12+$0x0], $0xffff;
	v25 =	vadd.f32 v28, v25  }
0x16d: {  	v62 =	vor.u32 $0x4, v20;
	v41 =	vld.idx.msk [tilespmem:v41+s13+$0x0], $0xffff;
	v22 =	vadd.f32 v22, v26  }
0x16e: {  	v49 =	vor.u32 $0x5, v20;
	v61 =	vld.idx.msk [tilespmem:v58+s12+$0x0], $0xffff;
	v25 =	vadd.f32 v30, v25  }
0x16f: {  	v43 =	vor.u32 $0xB, v21;
	v48 =	vld.idx.msk [tilespmem:v59+s12+$0x0], $0xffff;
	v22 =	vadd.f32 v23, v22  }
0x170: {  	v50 =	vld.idx.msk [tilespmem:v59+s13+$0x0], $0xffff;
	v25 =	vadd.f32 v32, v25  }
0x171: {  	v45 =	vor.u32 $0xC, v21;
	v51 =	vld.idx.msk [tilespmem:v60+s12+$0x0], $0xffff;
	v22 =	vadd.f32 v27, v22  }
0x172: {  	v53 =	vld.idx.msk [tilespmem:v62+s12+$0x0], $0xffff;
	v25 =	vadd.f32 v34, v25  }
0x173: {  	v47 =	vor.u32 $0xD, v21;
	v55 =	vld.idx.msk [tilespmem:v49+s12+$0x0], $0xffff;
	v22 =	vadd.f32 v29, v22  }
0x174: {  	v26 =	vld.idx.msk [tilespmem:v43+s12+$0x0], $0xffff;
	v25 =	vadd.f32 v36, v25  }
0x175: {  	v28 =	vld.idx.msk [tilespmem:v43+s13+$0x0], $0xffff;
	v22 =	vadd.f32 v31, v22  }
0x176: {  	v57 =	vor.u32 $0xE, v21;
	v23 =	vld.idx.msk [tilespmem:v45+s12+$0x0], $0xffff;
	v25 =	vadd.f32 v38, v25  }
0x177: {  	v30 =	vld.idx.msk [tilespmem:v45+s13+$0x0], $0xffff;
	v22 =	vadd.f32 v33, v22  }
0x178: {  	v52 =	vor.u32 $0x6, v20;
	v45 =	vld.idx.msk [tilespmem:v47+s13+$0x0], $0xffff;
	v25 =	vadd.f32 v40, v25  }
0x179: {  	v27 =	vld.idx.msk [tilespmem:v47+s12+$0x0], $0xffff;
	v22 =	vadd.f32 v35, v22  }
0x17a: {  	v21 =	vor.u32 $0xF, v21;
	v32 =	vld.idx.msk [tilespmem:v58+s13+$0x0], $0xffff;
	v25 =	vadd.f32 v42, v25  }
0x17b: {  	v29 =	vld.idx.msk [tilespmem:v57+s12+$0x0], $0xffff;
	v22 =	vadd.f32 v37, v22  }
0x17c: {  	v34 =	vld.idx.msk [tilespmem:v57+s13+$0x0], $0xffff;
	v25 =	vadd.f32 v44, v25  }
0x17d: {  	v57 =	vld.idx.msk [tilespmem:v52+s12+$0x0], $0xffff;
	v22 =	vadd.f32 v39, v22  }
0x17e: {  	v54 =	vor.u32 $0x7, v20;
	v24 =	vadd.f32 v61, v24;
	v36 =	vld.idx.msk [tilespmem:v60+s13+$0x0], $0xffff;
	v25 =	vadd.f32 v46, v25  }
0x17f: {  	v31 =	vld.idx.msk [tilespmem:v21+s12+$0x0], $0xffff;
	v32 =	vadd.f32 v32, v63;
	v22 =	vadd.f32 v41, v22  }
0x180: {  	v24 =	vadd.f32 v48, v24;
	v38 =	vld.idx.msk [tilespmem:v62+s13+$0x0], $0xffff;
	v25 =	vadd.f32 v26, v25  }
0x181: {  	v58 =	vor.u32 $0x9, v20;
	v21 =	vld.idx.msk [tilespmem:v21+s13+$0x0], $0xffff;
	v22 =	vadd.f32 v28, v22;
	v28 =	vadd.f32 v50, v32  }
0x182: {  	v56 =	vor.u32 $0x8, v20;
	v24 =	vadd.f32 v51, v24;
	v26 =	vld.idx.msk [tilespmem:v49+s13+$0x0], $0xffff;
	v23 =	vadd.f32 v23, v25  }
0x183: {  	v60 =	vld.idx.msk [tilespmem:v54+s13+$0x0], $0xffff;
	v22 =	vadd.f32 v30, v22;
	v28 =	vadd.f32 v36, v28  }
0x184: {  	v61 =	vor.u32 $0xB, v20;
	v24 =	vadd.f32 v53, v24;
	v25 =	vld.idx.msk [tilespmem:v52+s13+$0x0], $0xffff;
	v23 =	vadd.f32 v27, v23  }
0x185: {  	v30 =	vld.idx.msk [tilespmem:v54+s12+$0x0], $0xffff;
	v22 =	vadd.f32 v45, v22;
	v27 =	vadd.f32 v38, v28  }
0x186: {  	v59 =	vor.u32 $0xA, v20;
	v24 =	vadd.f32 v55, v24;
	v63 =	vld.idx.msk [tilespmem:v58+s12+$0x0], $0xffff;
	v23 =	vadd.f32 v29, v23  }
0x187: {  	v28 =	vld.idx.msk [tilespmem:v56+s12+$0x0], $0xffff;
	v29 =	vadd.f32 v34, v22;
	v26 =	vadd.f32 v26, v27  }
0x188: {  	v62 =	vld.idx.msk [tilespmem:v56+s13+$0x0], $0xffff;
	v24 =	vadd.f32 v57, v24;
	v23 =	vadd.f32 v31, v23  }
0x189: {  	v37 =	vld.idx.msk [tilespmem:v61+s12+$0x0], $0xffff;
	v22 =	vor.u32 $0xC, v20;
	v21 =	vadd.f32 v21, v29;
	v29 =	vadd.f32 v25, v26  }
0x18a: {  	v27 =	vld.idx.msk [tilespmem:v58+s13+$0x0], $0xffff;
	v24 =	vadd.f32 v30, v24  }
0x18b: {  	v26 =	vld.idx.msk [tilespmem:v59+s12+$0x0], $0xffff;
	v30 =	vadd.f32 v21, v23;
	v29 =	vadd.f32 v60, v29;
	v23 =	vor.u32 $0xD, v20  }
0x18c: {  	v25 =	vld.idx.msk [tilespmem:v59+s13+$0x0], $0xffff;
	v24 =	vadd.f32 v28, v24  }
0x18d: {  	s18 =	simm.s32 $0x16A10;
	v39 =	vld.idx.msk [tilespmem:v61+s13+$0x0], $0xffff;
	v21 =	vor.u32 $0xE, v20;
	v28 =	vadd.f32 v62, v29  }
0x18e: {  	s20 =	simm.s32 $0x30;
	s19 =	simm.s32 $0x0;
	v20 =	vor.u32 $0xF, v20;
	v24 =	vadd.f32 v63, v24;
	v38 =	vld.idx.msk [tilespmem:v22+s12+$0x0], $0xffff;
	[tilespmem:s18+$0xFFFFFFF0] =	vst v30  }
.LBB2_24:
0x18f: {  	s21 =	sadd.s32 $0xFFFFFFF0, s20;
	v29 =	vmov s20;
	v27 =	vadd.f32 v27, v28;
	v40 =	vld.idx.msk [tilespmem:v22+s13+$0x0], $0xffff  }
0x190: {  	v22 =	vmov s21;
	v28 =	vshll.u32 v29, $0x4;
	v41 =	vadd.f32 v26, v24;
	v42 =	vld.idx.msk [tilespmem:v23+s12+$0x0], $0xffff  }
0x191: {  	s19 =	sadd.s32 $0x2, s19;
	v22 =	vshll.u32 v22, $0x4;
	v33 =	vor.u32 v1, v28;
	v43 =	vadd.f32 v25, v27;
	v44 =	vld.idx.msk [tilespmem:v23+s13+$0x0], $0xffff  }
0x192: {  	p0 =	slt.u32 s19, $0x4E;
	v45 =	vor.u32 v1, v22;
	v35 =	vor.u32 $0x1, v33;
	v34 =	vor.u32 $0x2, v33;
	v46 =	vld.idx.msk [tilespmem:v21+s12+$0x0], $0xffff  }
0x193: {  	v32 =	vor.u32 $0x3, v33;
	v31 =	vor.u32 $0x4, v33;
	v30 =	vor.u32 $0x5, v33;
	v47 =	vld.idx.msk [tilespmem:v21+s13+$0x0], $0xffff  }
0x194: {  	v29 =	vor.u32 $0x6, v33;
	v28 =	vor.u32 $0x7, v33;
	v48 =	vor.u32 $0x1, v45;
	v49 =	vld.idx.msk [tilespmem:v20+s12+$0x0], $0xffff  }
0x195: {  	v27 =	vor.u32 $0x8, v33;
	v26 =	vor.u32 $0x9, v33;
	v25 =	vor.u32 $0xA, v33;
	v50 =	vld.idx.msk [tilespmem:v20+s13+$0x0], $0xffff  }
0x196: {  	v24 =	vor.u32 $0xB, v33;
	v22 =	vor.u32 $0xC, v33;
	v51 =	vor.u32 $0x2, v45;
	v36 =	vld.idx.msk [tilespmem:v33+s12+$0x0], $0xffff  }
0x197: {  	v23 =	vor.u32 $0xD, v33;
	v37 =	vadd.f32 v37, v41;
	v39 =	vadd.f32 v39, v43;
	v52 =	vld.idx.msk [tilespmem:v45+s12+$0x0], $0xffff  }
0x198: {  	v43 =	vor.u32 $0x3, v45;
	v21 =	vor.u32 $0xE, v33;
	v20 =	vor.u32 $0xF, v33;
	v41 =	vld.idx.msk [tilespmem:v45+s13+$0x0], $0xffff  }
0x199: {  	v37 =	vadd.f32 v38, v37;
	v38 =	vadd.f32 v40, v39;
	v53 =	vld.idx.msk [tilespmem:v48+s12+$0x0], $0xffff  }
0x19a: {  	v40 =	vor.u32 $0x4, v45;
	v39 =	vld.idx.msk [tilespmem:v48+s13+$0x0], $0xffff  }
0x19b: {  	v37 =	vadd.f32 v42, v37;
	v38 =	vadd.f32 v44, v38;
	v48 =	vld.idx.msk [tilespmem:v51+s12+$0x0], $0xffff  }
0x19c: {  	v44 =	vor.u32 $0x5, v45;
	v42 =	vld.idx.msk [tilespmem:v51+s13+$0x0], $0xffff  }
0x19d: {  	v37 =	vadd.f32 v46, v37;
	v38 =	vadd.f32 v47, v38;
	v51 =	vld.idx.msk [tilespmem:v43+s12+$0x0], $0xffff  }
0x19e: {  	v46 =	vor.u32 $0x6, v45;
	v43 =	vld.idx.msk [tilespmem:v43+s13+$0x0], $0xffff  }
0x19f: {  	v37 =	vadd.f32 v49, v37;
	v38 =	vadd.f32 v50, v38;
	v47 =	vld.idx.msk [tilespmem:v40+s12+$0x0], $0xffff  }
0x1a0: {  	v49 =	vadd.f32 v53, v52;
	v39 =	vadd.f32 v39, v41;
	v41 =	vor.u32 $0x7, v45;
	v40 =	vld.idx.msk [tilespmem:v40+s13+$0x0], $0xffff  }
0x1a1: {  	v37 =	vadd.f32 v38, v37;
	v50 =	vld.idx.msk [tilespmem:v44+s12+$0x0], $0xffff  }
0x1a2: {  	v38 =	vadd.f32 v48, v49;
	v39 =	vadd.f32 v42, v39;
	v42 =	vld.idx.msk [tilespmem:v44+s13+$0x0], $0xffff;
	v44 =	vor.u32 $0x8, v45  }
0x1a3: {  	v48 =	vld.idx.msk [tilespmem:v46+s12+$0x0], $0xffff;
	[tilespmem:s18+$0x0] =	vst v37  }
0x1a4: {  	v37 =	vadd.f32 v51, v38;
	v38 =	vadd.f32 v43, v39;
	v43 =	vor.u32 $0x9, v45;
	v39 =	vld.idx.msk [tilespmem:v46+s13+$0x0], $0xffff  }
0x1a5: {  	v46 =	vld.idx.msk [tilespmem:v41+s12+$0x0], $0xffff  }
0x1a6: {  	v37 =	vadd.f32 v47, v37;
	v38 =	vadd.f32 v40, v38;
	v40 =	vld.idx.msk [tilespmem:v41+s13+$0x0], $0xffff;
	v41 =	vor.u32 $0xA, v45  }
0x1a7: {  	v47 =	vld.idx.msk [tilespmem:v44+s12+$0x0], $0xffff  }
0x1a8: {  	v37 =	vadd.f32 v50, v37;
	v38 =	vadd.f32 v42, v38;
	v42 =	vld.idx.msk [tilespmem:v44+s13+$0x0], $0xffff;
	v44 =	vor.u32 $0xB, v45  }
0x1a9: {  	v49 =	vld.idx.msk [tilespmem:v43+s12+$0x0], $0xffff  }
0x1aa: {  	v37 =	vadd.f32 v48, v37;
	v38 =	vadd.f32 v39, v38;
	v39 =	vld.idx.msk [tilespmem:v43+s13+$0x0], $0xffff;
	v43 =	vor.u32 $0xC, v45  }
0x1ab: {  	v48 =	vld.idx.msk [tilespmem:v41+s12+$0x0], $0xffff  }
0x1ac: {  	v37 =	vadd.f32 v46, v37;
	v38 =	vadd.f32 v40, v38;
	v40 =	vld.idx.msk [tilespmem:v41+s13+$0x0], $0xffff;
	v41 =	vor.u32 $0xD, v45  }
0x1ad: {  	v46 =	vld.idx.msk [tilespmem:v44+s12+$0x0], $0xffff  }
0x1ae: {  	v37 =	vadd.f32 v47, v37;
	v38 =	vadd.f32 v42, v38;
	v42 =	vld.idx.msk [tilespmem:v44+s13+$0x0], $0xffff;
	v44 =	vor.u32 $0xE, v45  }
0x1af: {  	v47 =	vld.idx.msk [tilespmem:v43+s12+$0x0], $0xffff  }
0x1b0: {  	v37 =	vadd.f32 v49, v37;
	v38 =	vadd.f32 v39, v38;
	v39 =	vld.idx.msk [tilespmem:v43+s13+$0x0], $0xffff;
	v43 =	vor.u32 $0xF, v45  }
0x1b1: {  	v45 =	vld.idx.msk [tilespmem:v41+s12+$0x0], $0xffff  }
0x1b2: {  	v37 =	vadd.f32 v48, v37;
	v38 =	vadd.f32 v40, v38;
	v40 =	vld.idx.msk [tilespmem:v41+s13+$0x0], $0xffff  }
0x1b3: {  	v41 =	vld.idx.msk [tilespmem:v44+s12+$0x0], $0xffff  }
0x1b4: {  	v37 =	vadd.f32 v46, v37;
	v38 =	vadd.f32 v42, v38;
	v42 =	vld.idx.msk [tilespmem:v44+s13+$0x0], $0xffff  }
0x1b5: {  	v44 =	vld.idx.msk [tilespmem:v43+s12+$0x0], $0xffff  }
0x1b6: {  	v37 =	vadd.f32 v47, v37;
	v38 =	vadd.f32 v39, v38;
	v39 =	vld.idx.msk [tilespmem:v43+s13+$0x0], $0xffff  }
0x1b7: {  	v43 =	vld.idx.msk [tilespmem:v35+s12+$0x0], $0xffff  }
0x1b8: {  	v37 =	vadd.f32 v45, v37;
	v38 =	vadd.f32 v40, v38;
	v35 =	vld.idx.msk [tilespmem:v35+s13+$0x0], $0xffff  }
0x1b9: {  	v33 =	vld.idx.msk [tilespmem:v33+s13+$0x0], $0xffff  }
0x1ba: {  	v37 =	vadd.f32 v41, v37;
	v38 =	vadd.f32 v42, v38;
	v40 =	vld.idx.msk [tilespmem:v34+s12+$0x0], $0xffff  }
0x1bb: {  	v34 =	vld.idx.msk [tilespmem:v34+s13+$0x0], $0xffff  }
0x1bc: {  	v37 =	vadd.f32 v44, v37;
	v38 =	vadd.f32 v39, v38;
	v39 =	vld.idx.msk [tilespmem:v32+s12+$0x0], $0xffff  }
0x1bd: {  	v36 =	vadd.f32 v43, v36;
	v32 =	vld.idx.msk [tilespmem:v32+s13+$0x0], $0xffff  }
0x1be: {  	v37 =	vadd.f32 v38, v37;
	v38 =	vld.idx.msk [tilespmem:v31+s12+$0x0], $0xffff  }
0x1bf: {  	s18 =	sadd.s32 $0x20, s18;
	v33 =	vadd.f32 v35, v33;
	v31 =	vld.idx.msk [tilespmem:v31+s13+$0x0], $0xffff  }
0x1c0: {  	v35 =	vadd.f32 v40, v36;
	[tilespmem:s18+$0xFFFFFFF0] =	vst v37;
	v36 =	vld.idx.msk [tilespmem:v30+s12+$0x0], $0xffff  }
0x1c1: {  	v33 =	vadd.f32 v34, v33;
	v30 =	vld.idx.msk [tilespmem:v30+s13+$0x0], $0xffff  }
0x1c2: {  	v34 =	vadd.f32 v39, v35;
	v35 =	vld.idx.msk [tilespmem:v29+s12+$0x0], $0xffff  }
0x1c3: {  	v32 =	vadd.f32 v32, v33;
	v29 =	vld.idx.msk [tilespmem:v29+s13+$0x0], $0xffff  }
0x1c4: {  	v33 =	vadd.f32 v38, v34;
	v34 =	vld.idx.msk [tilespmem:v28+s12+$0x0], $0xffff  }
0x1c5: {  	v31 =	vadd.f32 v31, v32;
	v28 =	vld.idx.msk [tilespmem:v28+s13+$0x0], $0xffff  }
0x1c6: {  	v32 =	vadd.f32 v36, v33;
	v33 =	vld.idx.msk [tilespmem:v27+s12+$0x0], $0xffff  }
0x1c7: {  	v30 =	vadd.f32 v30, v31;
	v31 =	vld.idx.msk [tilespmem:v27+s13+$0x0], $0xffff  }
0x1c8: {  	v32 =	vadd.f32 v35, v32;
	v35 =	vld.idx.msk [tilespmem:v26+s12+$0x0], $0xffff  }
0x1c9: {  	v29 =	vadd.f32 v29, v30;
	v27 =	vld.idx.msk [tilespmem:v26+s13+$0x0], $0xffff  }
.Ltmp11:
0x1ca: {  	v30 =	vadd.f32 v34, v32;
	v26 =	vld.idx.msk [tilespmem:v25+s12+$0x0], $0xffff;
	(pc) =	sbr.rel @p0 .LBB2_24-.Ltmp11, $4  }
0x1cb: {  	v28 =	vadd.f32 v28, v29;
	v25 =	vld.idx.msk [tilespmem:v25+s13+$0x0], $0xffff  }
0x1cc: {  	v29 =	vadd.f32 v33, v30;
	v37 =	vld.idx.msk [tilespmem:v24+s12+$0x0], $0xffff  }
0x1cd: {  	v28 =	vadd.f32 v31, v28;
	v39 =	vld.idx.msk [tilespmem:v24+s13+$0x0], $0xffff  }
0x1ce: {  	s20 =	sadd.s32 $0x20, s20;
	v24 =	vadd.f32 v35, v29;
	v38 =	vld.idx.msk [tilespmem:v22+s12+$0x0], $0xffff  }
0x1cf: {  	_ =	sdelay $0x2  }
0x1d0: {  	v27 =	vadd.f32 v27, v28  }
0x1d1: {  	v22 =	vld.idx.msk [tilespmem:v22+s13+$0x0], $0xffff  }
0x1d2: {  	v59 =	vld.idx.msk [tilespmem:v23+s12+$0x0], $0xffff;
	v24 =	vadd.f32 v26, v24;
	v25 =	vadd.f32 v25, v27  }
0x1d3: {  	v60 =	vld.idx.msk [tilespmem:v23+s13+$0x0], $0xffff  }
0x1d4: {  	v61 =	vld.idx.msk [tilespmem:v21+s12+$0x0], $0xffff;
	v24 =	vadd.f32 v37, v24;
	v25 =	vadd.f32 v39, v25  }
0x1d5: {  	v62 =	vld.idx.msk [tilespmem:v21+s13+$0x0], $0xffff  }
0x1d6: {  	v63 =	vld.idx.msk [tilespmem:v20+s12+$0x0], $0xffff;
	v24 =	vadd.f32 v38, v24;
	v22 =	vadd.f32 v22, v25  }
0x1d7: {  	v20 =	vld.idx.msk [tilespmem:v20+s13+$0x0], $0xffff  }
0x1d8: {  	v24 =	vadd.f32 v59, v24;
	v22 =	vadd.f32 v60, v22;
	_ =	sdelay $0x1  }
0x1d9: {  	v31 =	vadd.f32 v61, v24;
	v21 =	vadd.f32 v62, v22;
	_ =	sdelay $0x1  }
0x1da: {  	v32 =	vadd.f32 v63, v31;
	v20 =	vadd.f32 v20, v21;
	_ =	sdelay $0x1  }
0x1db: {  	v20 =	vadd.f32 v20, v32;
	_ =	sdelay $0x1  }
0x1dc: {  	[tilespmem:s18+$0x0] =	vst v20  }
0x1dd: {  	v20 =	vld.idx.msk [tilespmem:v4+s12+$0x0], $0xffff  }
0x1de: {  	v33 =	vld.idx.msk [tilespmem:v4+s13+$0x0], $0xffff  }
0x1df: {  	v34 =	vld.idx.msk [tilespmem:v5+s12+$0x0], $0xffff  }
0x1e0: {  	v35 =	vld.idx.msk [tilespmem:v5+s13+$0x0], $0xffff  }
0x1e1: {  	v36 =	vld.idx.msk [tilespmem:v6+s12+$0x0], $0xffff  }
0x1e2: {  	v37 =	vld.idx.msk [tilespmem:v6+s13+$0x0], $0xffff  }
0x1e3: {  	v38 =	vld.idx.msk [tilespmem:v7+s12+$0x0], $0xffff  }
0x1e4: {  	v39 =	vld.idx.msk [tilespmem:v7+s13+$0x0], $0xffff  }
0x1e5: {  	v40 =	vld.idx.msk [tilespmem:v8+s12+$0x0], $0xffff;
	v20 =	vadd.f32 v34, v20;
	v21 =	vadd.f32 v35, v33  }
0x1e6: {  	v41 =	vld.idx.msk [tilespmem:v8+s13+$0x0], $0xffff  }
0x1e7: {  	v42 =	vld.idx.msk [tilespmem:v9+s12+$0x0], $0xffff;
	v20 =	vadd.f32 v36, v20;
	v21 =	vadd.f32 v37, v21  }
0x1e8: {  	v43 =	vld.idx.msk [tilespmem:v9+s13+$0x0], $0xffff  }
0x1e9: {  	v44 =	vld.idx.msk [tilespmem:v10+s12+$0x0], $0xffff;
	v20 =	vadd.f32 v38, v20;
	v21 =	vadd.f32 v39, v21  }
0x1ea: {  	v45 =	vld.idx.msk [tilespmem:v10+s13+$0x0], $0xffff  }
0x1eb: {  	v46 =	vld.idx.msk [tilespmem:v11+s12+$0x0], $0xffff;
	v20 =	vadd.f32 v40, v20;
	v21 =	vadd.f32 v41, v21  }
0x1ec: {  	v47 =	vld.idx.msk [tilespmem:v11+s13+$0x0], $0xffff  }
0x1ed: {  	v48 =	vld.idx.msk [tilespmem:v12+s12+$0x0], $0xffff;
	v20 =	vadd.f32 v42, v20;
	v21 =	vadd.f32 v43, v21  }
0x1ee: {  	v49 =	vld.idx.msk [tilespmem:v12+s13+$0x0], $0xffff  }
0x1ef: {  	v50 =	vld.idx.msk [tilespmem:v13+s12+$0x0], $0xffff;
	v20 =	vadd.f32 v44, v20;
	v21 =	vadd.f32 v45, v21  }
0x1f0: {  	v51 =	vld.idx.msk [tilespmem:v13+s13+$0x0], $0xffff  }
0x1f1: {  	v52 =	vld.idx.msk [tilespmem:v14+s12+$0x0], $0xffff;
	v20 =	vadd.f32 v46, v20;
	v21 =	vadd.f32 v47, v21  }
0x1f2: {  	v53 =	vld.idx.msk [tilespmem:v14+s13+$0x0], $0xffff  }
0x1f3: {  	v54 =	vld.idx.msk [tilespmem:v15+s12+$0x0], $0xffff;
	v20 =	vadd.f32 v48, v20;
	v21 =	vadd.f32 v49, v21  }
0x1f4: {  	v55 =	vld.idx.msk [tilespmem:v15+s13+$0x0], $0xffff  }
0x1f5: {  	v56 =	vld.idx.msk [tilespmem:v16+s12+$0x0], $0xffff;
	v20 =	vadd.f32 v50, v20;
	v21 =	vadd.f32 v51, v21  }
0x1f6: {  	v57 =	vld.idx.msk [tilespmem:v16+s13+$0x0], $0xffff  }
0x1f7: {  	v58 =	vld.idx.msk [tilespmem:v17+s12+$0x0], $0xffff;
	v20 =	vadd.f32 v52, v20;
	v21 =	vadd.f32 v53, v21  }
0x1f8: {  	v59 =	vld.idx.msk [tilespmem:v17+s13+$0x0], $0xffff  }
0x1f9: {  	v60 =	vld.idx.msk [tilespmem:v18+s12+$0x0], $0xffff;
	v20 =	vadd.f32 v54, v20;
	v21 =	vadd.f32 v55, v21  }
0x1fa: {  	v61 =	vld.idx.msk [tilespmem:v18+s13+$0x0], $0xffff  }
0x1fb: {  	v62 =	vld.idx.msk [tilespmem:v19+s12+$0x0], $0xffff;
	v20 =	vadd.f32 v56, v20;
	v21 =	vadd.f32 v57, v21  }
0x1fc: {  	v63 =	vld.idx.msk [tilespmem:v19+s13+$0x0], $0xffff  }
0x1fd: {  	v20 =	vadd.f32 v58, v20;
	v21 =	vadd.f32 v59, v21;
	_ =	sdelay $0x1  }
0x1fe: {  	v20 =	vadd.f32 v60, v20;
	v21 =	vadd.f32 v61, v21;
	_ =	sdelay $0x1  }
0x1ff: {  	v20 =	vadd.f32 v62, v20;
	v21 =	vadd.f32 v63, v21;
	_ =	sdelay $0x1  }
0x200: {  	s17 =	sadd.s32 $0x1, s17;
	v20 =	vadd.f32 v21, v20  }
0x201: {  	p0 =	sne.s32 s17, s9  }
.Ltmp12:
0x202: {  	[tilespmem:$0x16F00] =	vst v20;
	(pc) =	sbr.rel @p0 .LBB2_1-.Ltmp12, $4  }
0x203: {  	[hbm4b:s8+s2] =	stream.linear.scatter [tilespmem:s15], [sflag:$0x3], $0x510, $0x38;
	[tilespmem:$0x16F80] =	vst v63  }
0x204: {  	_ =	swait.ge [sflag:s16], $0x510  }
0x205: {  	[sflag:s16] =	ssyncset.done $0x0  }
0x206: {  	[sflag:s16] =	ssyncadd.s32 $0xFFFFFAF0  }
0x207: {  	_ =	sfence.sel $0x180000  }
0x208: {  	[bflag:$0x0] =	sbarrier.arrive $0xFFFF  }
0x209: {  	p0 =	sne.s32 s1, $0x0;
	_ =	strace $0x9000004A  }
0x20a: {  	s0 =	sadd.s32 @!p0 $0x100000, s0;
	[bflag:$0x2] =	sbarrier.arrive $0xFFFF  }
0x20b: {  	[sflag:s0] =	ssyncadd.tile.s32 @!p0 $0x1;
	_ =	shalt  }
.Lfunc_end2:
_tile_overlayer_lowered:
.L_overlay_start_2:
0x20c: {  	(tag) =	ssettag $0x2  }
0x20d: {  	s0 =	rddreg [dreg:$0x0];
	s2 =	stileid.u32  }
0x20e: {  	s1 =	rddreg [dreg:$0x1];
	p0 =	sne.s32 s2, $0x0  }
0x20f: {  	s3 =	rddreg [dreg:$0x2];
	[bflag:$0x3] =	sbarrier.arrive $0xFFFF;
	s2 =	simm.s32 @!p0 $0x1C03  }
0x210: {  	[timem:s3], [sflag:s2] =	dma.local @!p0 [hbm:s0], s1  }
0x211: {  	s0 =	simm.s32 @!p0 $0x3  }
0x212: {  	_ =	swait.ge @!p0 [sflag:s0], s1  }
0x213: {  	s1 =	ssub.s32 @!p0 $0x0, s1;
	[sflag:s0] =	ssyncset.done @!p0 $0x0  }
0x214: {  	[sflag:s0] =	ssyncadd.s32 @!p0 s1  }
0x215: {  	[bflag:$0x3] =	sbarrier.arrive $0xFFFF  }
0x216: {  	_ =	shalt  }

</sc_bundles>
